<compile_context>
chip_gen: v7x
topology: tpu7x:2x2x1
jax: 0.10.2.dev20260603
libtpu: 0.0.44.dev20260713+nightly
codegen_flags: <defaults>
</compile_context>

<pallas_src>
import functools

import jax
import jax.numpy as jnp
from jax import lax
from jax.experimental import pallas as pl
from jax.experimental.pallas import tpu as pltpu
from jax.experimental.pallas import tpu_sc as plsc

VOCAB = 1000
BATCH = 4096
SEQ = 20

NC = 2
NS = 16
V_STRIPE = 64
V_LAST = VOCAB - (NS - 1) * V_STRIPE
B_HALF = BATCH // NC
NB = B_HALF // 128
BG = 128 // 16


def _sc_gather_t(table_t_flat, idx_a):
    mesh = plsc.VectorSubcoreMesh(core_axis_name="c", subcore_axis_name="s")

    @functools.partial(
        pl.kernel,
        mesh=mesh,
        out_type=jax.ShapeDtypeStruct(
            (SEQ, VOCAB // 8, BATCH // 128, 8, 128), jnp.float32
        ),
        scratch_types=[
            pltpu.VMEM((V_STRIPE * VOCAB,), jnp.float32),
            pltpu.VMEM((SEQ * B_HALF,), jnp.int32),
            pltpu.VMEM((V_STRIPE // 8, 8, 128), jnp.float32),
            pltpu.VMEM((V_STRIPE // 8, 8, 128), jnp.float32),
            pltpu.SemaphoreType.DMA,
            pltpu.SemaphoreType.DMA,
        ],
        compiler_params=pltpu.CompilerParams(
            use_tc_tiling_on_sc=False, needs_layout_passes=False
        ),
    )
    def k(tab_hbm, idx_hbm, out_hbm, stripe, idxs, stg0, stg1, sem0, sem1):
        c = lax.axis_index("c")
        s = lax.axis_index("s")
        v0 = s * V_STRIPE
        nv = jnp.where(s == NS - 1, V_LAST, V_STRIPE)

        pltpu.sync_copy(tab_hbm.at[pl.ds(v0 * VOCAB, V_STRIPE * VOCAB)], stripe)
        pltpu.sync_copy(idx_hbm.at[pl.ds(c * SEQ * B_HALF, SEQ * B_HALF)], idxs)

        def gather_block(t, bb, stg):
            base_i = t * B_HALF + bb * 128
            for bg in range(BG):
                r16 = idxs[pl.ds(base_i + bg * 16, 16)]

                @plsc.parallel_loop(0, nv, unroll=8, carry=r16)
                def vloop(v_l, gidx):
                    vals = plsc.load_gather(stripe, [gidx])
                    stg[v_l // 8, v_l % 8, pl.ds(bg * 16, 16)] = vals
                    return gidx + VOCAB

        vt0 = s * (V_STRIPE // 8)

        def issue(t, bb, stg, sem):
            bt = c * NB + bb

            @pl.when(s != NS - 1)
            def _():
                pltpu.async_copy(
                    stg,
                    out_hbm.at[t, pl.ds(vt0, V_STRIPE // 8), bt],
                    sem,
                )

            @pl.when(s == NS - 1)
            def _():
                def body(vt, carry):
                    pltpu.async_copy(
                        stg.at[pl.ds(vt, 1)],
                        out_hbm.at[t, pl.ds(vt0 + vt, 1), bt],
                        sem,
                    )
                    return carry

                lax.fori_loop(0, V_LAST // 8, body, 0)

        def wait_prev(stg, sem):
            @pl.when(s != NS - 1)
            def _():
                pltpu.make_async_copy(
                    out_hbm.at[0, pl.ds(0, V_STRIPE // 8), 0], stg, sem
                ).wait()

            @pl.when(s == NS - 1)
            def _():
                def body(vt, carry):
                    pltpu.make_async_copy(
                        out_hbm.at[0, pl.ds(0, 1), 0],
                        stg.at[pl.ds(0, 1)],
                        sem,
                    ).wait()
                    return carry

                lax.fori_loop(0, V_LAST // 8, body, 0)

        def t_body(t, carry):
            def pp_body(pp, carry2):
                for par, (stg, sem) in enumerate(((stg0, sem0), (stg1, sem1))):
                    bb = pp * 2 + par
                    not_first = jnp.logical_or(t > 0, pp > 0)

                    @pl.when(not_first)
                    def _():
                        wait_prev(stg, sem)

                    gather_block(t, bb, stg)
                    issue(t, bb, stg, sem)
                return carry2

            return lax.fori_loop(0, NB // 2, pp_body, carry)

        lax.fori_loop(0, SEQ, t_body, 0)
        wait_prev(stg0, sem0)
        wait_prev(stg1, sem1)

    return k(table_t_flat, idx_a)


def kernel(idx, table):
    tab_t = jnp.pad(table.T, ((0, NS * V_STRIPE - VOCAB), (0, 0)))
    tab_t_flat = tab_t.reshape(-1)
    idx_a = (
        idx.astype(jnp.int32).T.reshape(SEQ, NC, B_HALF)
        .swapaxes(0, 1)
        .reshape(-1)
    )
    out5 = _sc_gather_t(tab_t_flat, idx_a)
    out_t = out5.transpose(0, 1, 3, 2, 4).reshape(SEQ, VOCAB, BATCH)
    return jnp.transpose(out_t, (2, 0, 1))

# --- scband reference (transcript-rebuilt; emitter-appended) ---
"""Pipeline reference for scband-bigram-language-model-36386962931764 (READ-ONLY COPY).

The authoritative reference and input builder live on the scoring server;
editing this copy changes nothing except your own understanding.
"""

import jax, jax.numpy as jnp
import numpy as np

VOCAB = 1000
BATCH = 4096
SEQ = 20

def setup_inputs(seed: int = 0) -> dict:
    key = jax.random.key(seed)
    k_idx, k_tab = jax.random.split(key)
    idx = jax.random.randint(k_idx, (BATCH, SEQ), 0, VOCAB, dtype=jnp.int64)
    # learned parameter: token embedding table of shape [vocab_size, vocab_size]
    table = jax.random.normal(k_tab, (VOCAB, VOCAB), dtype=jnp.float32) * 0.02
    return {"idx": idx, "table": table}

def reference(idx, table):
    # BigramLanguageModel forward: logits = token_embedding_table(idx)
    # embedding lookup -> gather rows of the table
    logits = jnp.take(table, idx, axis=0)  # [B, T, vocab_size]
    return logits

if __name__ == "__main__":
    import jax
    _d = setup_inputs()
    print(jax.jit(kernel)(*tuple(_d.values())))

</pallas_src>

<mosaic_0001>
#map = affine_map<(d0, d1) -> (0)>
#map1 = affine_map<(d0, d1) -> (0, 0, 0, 0, 0)>
module attributes {stable_mosaic.version = 14 : i64} {
  func.func @k(%arg0: i32, %arg1: i32, %arg2: memref<1024000xf32, #tpu.memory_space<hbm>>, %arg3: memref<81920xi32, #tpu.memory_space<hbm>>, %arg4: memref<20x125x32x8x128xf32, #tpu.memory_space<hbm>>, %arg5: memref<64000xf32, #tpu.memory_space<vmem>>, %arg6: memref<40960xi32, #tpu.memory_space<vmem>>, %arg7: memref<8x8x128xf32, #tpu.memory_space<vmem>>, %arg8: memref<8x8x128xf32, #tpu.memory_space<vmem>>, %arg9: memref<!tpu.dma_semaphore, #tpu.memory_space<semaphore_mem>>, %arg10: memref<!tpu.dma_semaphore, #tpu.memory_space<semaphore_mem>>) attributes {dimension_semantics = [#tpu.dimension_semantics<core_parallel>, #tpu.dimension_semantics<subcore_parallel>], iteration_bounds = array<i64: 2, 16>, scalar_prefetch = 0 : i64, scratch_operands = 6 : i64, tpu.core_type = #tpu.core_type<sc_vector_subcore>, window_params = [{transform_indices = #map}, {transform_indices = #map}, {transform_indices = #map1}]} {
    %mul3A = arith.constant 64 : i32
    %mul3A_0 = arith.muli %arg1, %mul3A : i32
    %eq3A = arith.constant 15 : i32
    %eq3A_1 = arith.cmpi eq, %arg1, %eq3A : i32
    %jit3A = arith.constant 40 : i32
    %jit3A_2 = arith.constant 64 : i32
    %select_n3A = arith.select %eq3A_1, %jit3A, %jit3A_2 : i32
    %mul3A_3 = arith.constant 1000 : i32
    %mul3A_4 = arith.muli %mul3A_0, %mul3A_3 : i32
    "tpu.region"() ({
      %run_scoped3A = tpu.sem_alloc : memref<!tpu.dma_semaphore, #tpu.memory_space<semaphore_mem>>
      %dma_start3A = tpu.memref_slice %arg2[%mul3A_4] : memref<1024000xf32, #tpu.memory_space<hbm>> -> memref<64000xf32, #tpu.memory_space<hbm>>
      %dma_start3A_33 = tpu.memref_slice %arg2[%mul3A_4] : memref<1024000xf32, #tpu.memory_space<hbm>> -> memref<64000xf32, #tpu.memory_space<hbm>>
      tpu.enqueue_dma source(%dma_start3A_33 : memref<64000xf32, #tpu.memory_space<hbm>>) target(%arg5 : memref<64000xf32, #tpu.memory_space<vmem>>) target_semaphore(%run_scoped3A : memref<!tpu.dma_semaphore, #tpu.memory_space<semaphore_mem>>)
      %dma_wait3A = tpu.memref_slice %arg2[%mul3A_4] : memref<1024000xf32, #tpu.memory_space<hbm>> -> memref<64000xf32, #tpu.memory_space<hbm>>
      %dma_wait3A_34 = tpu.memref_slice %arg2[%mul3A_4] : memref<1024000xf32, #tpu.memory_space<hbm>> -> memref<64000xf32, #tpu.memory_space<hbm>>
      tpu.wait_dma2 semaphore(%run_scoped3A : memref<!tpu.dma_semaphore, #tpu.memory_space<semaphore_mem>>) src(%dma_wait3A_34 : memref<64000xf32, #tpu.memory_space<hbm>>) dst(%arg5 : memref<64000xf32, #tpu.memory_space<vmem>>)
      tpu.yield
    }) : () -> ()
    %mul3A_5 = arith.constant 20 : i32
    %mul3A_6 = arith.muli %arg0, %mul3A_5 : i32
    %mul3A_7 = arith.constant 2048 : i32
    %mul3A_8 = arith.muli %mul3A_6, %mul3A_7 : i32
    "tpu.region"() ({
      %run_scoped3A = tpu.sem_alloc : memref<!tpu.dma_semaphore, #tpu.memory_space<semaphore_mem>>
      %dma_start3A = tpu.memref_slice %arg3[%mul3A_8] : memref<81920xi32, #tpu.memory_space<hbm>> -> memref<40960xi32, #tpu.memory_space<hbm>>
      %dma_start3A_33 = tpu.memref_slice %arg3[%mul3A_8] : memref<81920xi32, #tpu.memory_space<hbm>> -> memref<40960xi32, #tpu.memory_space<hbm>>
      tpu.enqueue_dma source(%dma_start3A_33 : memref<40960xi32, #tpu.memory_space<hbm>>) target(%arg6 : memref<40960xi32, #tpu.memory_space<vmem>>) target_semaphore(%run_scoped3A : memref<!tpu.dma_semaphore, #tpu.memory_space<semaphore_mem>>)
      %dma_wait3A = tpu.memref_slice %arg3[%mul3A_8] : memref<81920xi32, #tpu.memory_space<hbm>> -> memref<40960xi32, #tpu.memory_space<hbm>>
      %dma_wait3A_34 = tpu.memref_slice %arg3[%mul3A_8] : memref<81920xi32, #tpu.memory_space<hbm>> -> memref<40960xi32, #tpu.memory_space<hbm>>
      tpu.wait_dma2 semaphore(%run_scoped3A : memref<!tpu.dma_semaphore, #tpu.memory_space<semaphore_mem>>) src(%dma_wait3A_34 : memref<40960xi32, #tpu.memory_space<hbm>>) dst(%arg6 : memref<40960xi32, #tpu.memory_space<vmem>>)
      tpu.yield
    }) : () -> ()
    %mul3A_9 = arith.constant 8 : i32
    %mul3A_10 = arith.muli %arg1, %mul3A_9 : i32
    %scan3A = arith.constant 0 : i32
    %scan3A_11 = arith.constant 0 : i32
    %scan3A_12 = arith.constant 20 : i32
    %scan3A_13 = arith.addi %scan3A_11, %scan3A_12 : i32
    %scan3A_14 = arith.constant 1 : i32
    scf.for %scan3A_33 = %scan3A_11 to %scan3A_13 step %scan3A_14  : i32 {
      %scan3A_34 = arith.constant 0 : i32
      %scan3A_35 = arith.constant 8 : i32
      %scan3A_36 = arith.addi %scan3A_34, %scan3A_35 : i32
      %scan3A_37 = arith.constant 1 : i32
      scf.for %scan3A_39 = %scan3A_34 to %scan3A_36 step %scan3A_37  : i32 {
        %mul3A_40 = arith.constant 2 : i32
        %mul3A_41 = arith.muli %scan3A_39, %mul3A_40 : i32
        %add3A = arith.constant 0 : i32
        %add3A_42 = arith.addi %mul3A_41, %add3A : i32
        %gt3A = arith.constant 0 : i32
        %gt3A_43 = arith.cmpi sgt, %scan3A_33, %gt3A : i32
        %gt3A_44 = arith.constant 0 : i32
        %gt3A_45 = arith.cmpi sgt, %scan3A_39, %gt3A_44 : i32
        %or3A = arith.ori %gt3A_43, %gt3A_45 : i1
        %convert_element_type3A_46 = arith.extui %or3A : i1 to i32
        %cond3A_47 = arith.constant 0 : i32
        %cond3A_48 = arith.cmpi ne, %convert_element_type3A_46, %cond3A_47 : i32
        scf.if %cond3A_48 {
          %ne3A_207 = arith.constant 15 : i32
          %ne3A_208 = arith.cmpi ne, %arg1, %ne3A_207 : i32
          %convert_element_type3A_209 = arith.extui %ne3A_208 : i1 to i32
          %cond3A_210 = arith.constant 0 : i32
          %cond3A_211 = arith.cmpi ne, %convert_element_type3A_209, %cond3A_210 : i32
          scf.if %cond3A_211 {
            %dma_wait3A = arith.constant 0 : i32
            %dma_wait3A_217 = arith.constant 0 : i32
            %dma_wait3A_218 = arith.constant 0 : i32
            %dma_wait3A_219 = arith.constant 0 : i32
            %dma_wait3A_220 = arith.constant 0 : i32
            %dma_wait3A_221 = tpu.memref_slice %arg4[%dma_wait3A, %dma_wait3A_218, %dma_wait3A_217, %dma_wait3A_219, %dma_wait3A_220] : memref<20x125x32x8x128xf32, #tpu.memory_space<hbm>> -> memref<1x8x1x8x128xf32, #tpu.memory_space<hbm>>
            %dma_wait3A_222 = tpu.memref_squeeze %dma_wait3A_221 : memref<1x8x1x8x128xf32, #tpu.memory_space<hbm>> -> memref<8x8x128xf32, #tpu.memory_space<hbm>>
            %dma_wait3A_223 = arith.constant 0 : i32
            %dma_wait3A_224 = arith.constant 0 : i32
            %dma_wait3A_225 = arith.constant 0 : i32
            %dma_wait3A_226 = tpu.memref_slice %arg4[%dma_wait3A, %dma_wait3A_223, %dma_wait3A_217, %dma_wait3A_224, %dma_wait3A_225] : memref<20x125x32x8x128xf32, #tpu.memory_space<hbm>> -> memref<1x8x1x8x128xf32, #tpu.memory_space<hbm>>
            %dma_wait3A_227 = tpu.memref_squeeze %dma_wait3A_226 : memref<1x8x1x8x128xf32, #tpu.memory_space<hbm>> -> memref<8x8x128xf32, #tpu.memory_space<hbm>>
            tpu.wait_dma2 semaphore(%arg9 : memref<!tpu.dma_semaphore, #tpu.memory_space<semaphore_mem>>) src(%dma_wait3A_227 : memref<8x8x128xf32, #tpu.memory_space<hbm>>) dst(%arg7 : memref<8x8x128xf32, #tpu.memory_space<vmem>>)
          } else {
          }
          %eq3A_212 = arith.constant 15 : i32
          %eq3A_213 = arith.cmpi eq, %arg1, %eq3A_212 : i32
          %convert_element_type3A_214 = arith.extui %eq3A_213 : i1 to i32
          %cond3A_215 = arith.constant 0 : i32
          %cond3A_216 = arith.cmpi ne, %convert_element_type3A_214, %cond3A_215 : i32
          scf.if %cond3A_216 {
            %scan3A_217 = arith.constant 0 : i32
            %scan3A_218 = arith.constant 0 : i32
            %scan3A_219 = arith.constant 5 : i32
            %scan3A_220 = arith.addi %scan3A_218, %scan3A_219 : i32
            %scan3A_221 = arith.constant 1 : i32
            scf.for %scan3A_223 = %scan3A_218 to %scan3A_220 step %scan3A_221  : i32 {
              %dma_wait3A = arith.constant 0 : i32
              %dma_wait3A_224 = arith.constant 0 : i32
              %dma_wait3A_225 = arith.constant 0 : i32
              %dma_wait3A_226 = arith.constant 0 : i32
              %dma_wait3A_227 = arith.constant 0 : i32
              %dma_wait3A_228 = tpu.memref_slice %arg7[%dma_wait3A_225, %dma_wait3A_226, %dma_wait3A_227] : memref<8x8x128xf32, #tpu.memory_space<vmem>> -> memref<1x8x128xf32, #tpu.memory_space<vmem>>
              %dma_wait3A_229 = arith.constant 0 : i32
              %dma_wait3A_230 = arith.constant 0 : i32
              %dma_wait3A_231 = arith.constant 0 : i32
              %dma_wait3A_232 = tpu.memref_slice %arg4[%dma_wait3A, %dma_wait3A_229, %dma_wait3A_224, %dma_wait3A_230, %dma_wait3A_231] : memref<20x125x32x8x128xf32, #tpu.memory_space<hbm>> -> memref<1x1x1x8x128xf32, #tpu.memory_space<hbm>>
              %dma_wait3A_233 = tpu.memref_squeeze %dma_wait3A_232 : memref<1x1x1x8x128xf32, #tpu.memory_space<hbm>> -> memref<1x8x128xf32, #tpu.memory_space<hbm>>
              %dma_wait3A_234 = arith.constant 0 : i32
              %dma_wait3A_235 = arith.constant 0 : i32
              %dma_wait3A_236 = arith.constant 0 : i32
              %dma_wait3A_237 = tpu.memref_slice %arg7[%dma_wait3A_234, %dma_wait3A_235, %dma_wait3A_236] : memref<8x8x128xf32, #tpu.memory_space<vmem>> -> memref<1x8x128xf32, #tpu.memory_space<vmem>>
              %dma_wait3A_238 = arith.constant 0 : i32
              %dma_wait3A_239 = arith.constant 0 : i32
              %dma_wait3A_240 = arith.constant 0 : i32
              %dma_wait3A_241 = tpu.memref_slice %arg4[%dma_wait3A, %dma_wait3A_238, %dma_wait3A_224, %dma_wait3A_239, %dma_wait3A_240] : memref<20x125x32x8x128xf32, #tpu.memory_space<hbm>> -> memref<1x1x1x8x128xf32, #tpu.memory_space<hbm>>
              %dma_wait3A_242 = tpu.memref_squeeze %dma_wait3A_241 : memref<1x1x1x8x128xf32, #tpu.memory_space<hbm>> -> memref<1x8x128xf32, #tpu.memory_space<hbm>>
              tpu.wait_dma2 semaphore(%arg9 : memref<!tpu.dma_semaphore, #tpu.memory_space<semaphore_mem>>) src(%dma_wait3A_242 : memref<1x8x128xf32, #tpu.memory_space<hbm>>) dst(%dma_wait3A_237 : memref<1x8x128xf32, #tpu.memory_space<vmem>>)
            }
            %scan3A_222 = arith.constant 5 : i32
          } else {
          }
        } else {
        }
        %mul3A_49 = arith.constant 2048 : i32
        %mul3A_50 = arith.muli %scan3A_33, %mul3A_49 : i32
        %mul3A_51 = arith.constant 128 : i32
        %mul3A_52 = arith.muli %add3A_42, %mul3A_51 : i32
        %add3A_53 = arith.addi %mul3A_50, %mul3A_52 : i32
        %add3A_54 = arith.constant 0 : i32
        %add3A_55 = arith.addi %add3A_53, %add3A_54 : i32
        %get3A = arith.index_cast %add3A_55 : i32 to index
        %get3A_56 = tpu.vector_load %arg6[%get3A] {strides = array<i32>} : memref<40960xi32, #tpu.memory_space<vmem>>, vector<16xi32>,
        %parallel_loop3A = arith.constant 0 : i32
        %parallel_loop3A_57 = arith.constant 1 : i32
        %parallel_loop3A_58 = scf.for %parallel_loop3A_207 = %parallel_loop3A to %select_n3A step %parallel_loop3A_57 iter_args(%parallel_loop3A_208 = %get3A_56) -> (vector<16xi32>)  : i32 {
          %parallel_loop3A_209 = tpu.vector_load_idx %arg5[%parallel_loop3A_208] : memref<64000xf32, #tpu.memory_space<vmem>>[vector<16xi32>], vector<16xf32>,
          %parallel_loop3A_210 = arith.constant 8 : i32
          %parallel_loop3A_211 = arith.divsi %parallel_loop3A_207, %parallel_loop3A_210 : i32
          %parallel_loop3A_212 = arith.constant 0 : i32
          %parallel_loop3A_213 = arith.cmpi sgt, %parallel_loop3A_207, %parallel_loop3A_212 : i32
          %parallel_loop3A_214 = arith.extui %parallel_loop3A_213 : i1 to i32
          %parallel_loop3A_215 = arith.constant 0 : i32
          %parallel_loop3A_216 = arith.cmpi slt, %parallel_loop3A_207, %parallel_loop3A_215 : i32
          %parallel_loop3A_217 = arith.extui %parallel_loop3A_216 : i1 to i32
          %parallel_loop3A_218 = arith.subi %parallel_loop3A_214, %parallel_loop3A_217 : i32
          %parallel_loop3A_219 = arith.constant 0 : i32
          %parallel_loop3A_220 = arith.cmpi sgt, %parallel_loop3A_210, %parallel_loop3A_219 : i32
          %parallel_loop3A_221 = arith.extui %parallel_loop3A_220 : i1 to i32
          %parallel_loop3A_222 = arith.constant 0 : i32
          %parallel_loop3A_223 = arith.cmpi slt, %parallel_loop3A_210, %parallel_loop3A_222 : i32
          %parallel_loop3A_224 = arith.extui %parallel_loop3A_223 : i1 to i32
          %parallel_loop3A_225 = arith.subi %parallel_loop3A_221, %parallel_loop3A_224 : i32
          %parallel_loop3A_226 = arith.cmpi ne, %parallel_loop3A_218, %parallel_loop3A_225 : i32
          %parallel_loop3A_227 = arith.remsi %parallel_loop3A_207, %parallel_loop3A_210 : i32
          %parallel_loop3A_228 = arith.constant 0 : i32
          %parallel_loop3A_229 = arith.cmpi ne, %parallel_loop3A_227, %parallel_loop3A_228 : i32
          %parallel_loop3A_230 = arith.andi %parallel_loop3A_226, %parallel_loop3A_229 : i1
          %parallel_loop3A_231 = arith.constant 1 : i32
          %parallel_loop3A_232 = arith.subi %parallel_loop3A_211, %parallel_loop3A_231 : i32
          %parallel_loop3A_233 = arith.select %parallel_loop3A_230, %parallel_loop3A_232, %parallel_loop3A_211 : i32
          %parallel_loop3A_234 = arith.constant 8 : i32
          %parallel_loop3A_235 = arith.constant 0 : i32
          %parallel_loop3A_236 = arith.cmpi eq, %parallel_loop3A_234, %parallel_loop3A_235 : i32
          %parallel_loop3A_237 = arith.constant 1 : i32
          %parallel_loop3A_238 = arith.select %parallel_loop3A_236, %parallel_loop3A_237, %parallel_loop3A_234 : i32
          %parallel_loop3A_239 = arith.remsi %parallel_loop3A_207, %parallel_loop3A_238 : i32
          %parallel_loop3A_240 = arith.constant 0 : i32
          %parallel_loop3A_241 = arith.cmpi ne, %parallel_loop3A_239, %parallel_loop3A_240 : i32
          %parallel_loop3A_242 = arith.constant 0 : i32
          %parallel_loop3A_243 = arith.cmpi slt, %parallel_loop3A_239, %parallel_loop3A_242 : i32
          %parallel_loop3A_244 = arith.constant 0 : i32
          %parallel_loop3A_245 = arith.cmpi slt, %parallel_loop3A_238, %parallel_loop3A_244 : i32
          %parallel_loop3A_246 = arith.xori %parallel_loop3A_243, %parallel_loop3A_245 : i1
          %parallel_loop3A_247 = arith.andi %parallel_loop3A_246, %parallel_loop3A_241 : i1
          %parallel_loop3A_248 = arith.addi %parallel_loop3A_239, %parallel_loop3A_238 : i32
          %parallel_loop3A_249 = arith.select %parallel_loop3A_247, %parallel_loop3A_248, %parallel_loop3A_239 : i32
          %parallel_loop3A_250 = arith.index_cast %parallel_loop3A_233 : i32 to index
          %parallel_loop3A_251 = arith.index_cast %parallel_loop3A_249 : i32 to index
          %parallel_loop3A_252 = arith.constant 0 : index
          %parallel_loop3A_253 = tpu.vector_load %arg7[%parallel_loop3A_250, %parallel_loop3A_251, %parallel_loop3A_252] {strides = array<i32>} : memref<8x8x128xf32, #tpu.memory_space<vmem>>, vector<16xf32>,
          tpu.vector_store %arg7[%parallel_loop3A_250, %parallel_loop3A_251, %parallel_loop3A_252], %parallel_loop3A_209 {strides = array<i32>} : memref<8x8x128xf32, #tpu.memory_space<vmem>>, vector<16xf32>,
          %parallel_loop3A_254 = arith.constant 1000 : i32
          %parallel_loop3A_255 = vector.broadcast %parallel_loop3A_254 : i32 to vector<16xi32>
          %parallel_loop3A_256 = arith.addi %parallel_loop3A_208, %parallel_loop3A_255 : vector<16xi32>
          scf.yield %parallel_loop3A_256 : vector<16xi32>
        } {sc.loop_unroll_factor = 8 : i64, sc.parallel_access}
        %add3A_59 = arith.constant 16 : i32
        %add3A_60 = arith.addi %add3A_53, %add3A_59 : i32
        %get3A_61 = arith.index_cast %add3A_60 : i32 to index
        %get3A_62 = tpu.vector_load %arg6[%get3A_61] {strides = array<i32>} : memref<40960xi32, #tpu.memory_space<vmem>>, vector<16xi32>,
        %parallel_loop3A_63 = arith.constant 0 : i32
        %parallel_loop3A_64 = arith.constant 1 : i32
        %parallel_loop3A_65 = scf.for %parallel_loop3A_207 = %parallel_loop3A_63 to %select_n3A step %parallel_loop3A_64 iter_args(%parallel_loop3A_208 = %get3A_62) -> (vector<16xi32>)  : i32 {
          %parallel_loop3A_209 = tpu.vector_load_idx %arg5[%parallel_loop3A_208] : memref<64000xf32, #tpu.memory_space<vmem>>[vector<16xi32>], vector<16xf32>,
          %parallel_loop3A_210 = arith.constant 8 : i32
          %parallel_loop3A_211 = arith.divsi %parallel_loop3A_207, %parallel_loop3A_210 : i32
          %parallel_loop3A_212 = arith.constant 0 : i32
          %parallel_loop3A_213 = arith.cmpi sgt, %parallel_loop3A_207, %parallel_loop3A_212 : i32
          %parallel_loop3A_214 = arith.extui %parallel_loop3A_213 : i1 to i32
          %parallel_loop3A_215 = arith.constant 0 : i32
          %parallel_loop3A_216 = arith.cmpi slt, %parallel_loop3A_207, %parallel_loop3A_215 : i32
          %parallel_loop3A_217 = arith.extui %parallel_loop3A_216 : i1 to i32
          %parallel_loop3A_218 = arith.subi %parallel_loop3A_214, %parallel_loop3A_217 : i32
          %parallel_loop3A_219 = arith.constant 0 : i32
          %parallel_loop3A_220 = arith.cmpi sgt, %parallel_loop3A_210, %parallel_loop3A_219 : i32
          %parallel_loop3A_221 = arith.extui %parallel_loop3A_220 : i1 to i32
          %parallel_loop3A_222 = arith.constant 0 : i32
          %parallel_loop3A_223 = arith.cmpi slt, %parallel_loop3A_210, %parallel_loop3A_222 : i32
          %parallel_loop3A_224 = arith.extui %parallel_loop3A_223 : i1 to i32
          %parallel_loop3A_225 = arith.subi %parallel_loop3A_221, %parallel_loop3A_224 : i32
          %parallel_loop3A_226 = arith.cmpi ne, %parallel_loop3A_218, %parallel_loop3A_225 : i32
          %parallel_loop3A_227 = arith.remsi %parallel_loop3A_207, %parallel_loop3A_210 : i32
          %parallel_loop3A_228 = arith.constant 0 : i32
          %parallel_loop3A_229 = arith.cmpi ne, %parallel_loop3A_227, %parallel_loop3A_228 : i32
          %parallel_loop3A_230 = arith.andi %parallel_loop3A_226, %parallel_loop3A_229 : i1
          %parallel_loop3A_231 = arith.constant 1 : i32
          %parallel_loop3A_232 = arith.subi %parallel_loop3A_211, %parallel_loop3A_231 : i32
          %parallel_loop3A_233 = arith.select %parallel_loop3A_230, %parallel_loop3A_232, %parallel_loop3A_211 : i32
          %parallel_loop3A_234 = arith.constant 8 : i32
          %parallel_loop3A_235 = arith.constant 0 : i32
          %parallel_loop3A_236 = arith.cmpi eq, %parallel_loop3A_234, %parallel_loop3A_235 : i32
          %parallel_loop3A_237 = arith.constant 1 : i32
          %parallel_loop3A_238 = arith.select %parallel_loop3A_236, %parallel_loop3A_237, %parallel_loop3A_234 : i32
          %parallel_loop3A_239 = arith.remsi %parallel_loop3A_207, %parallel_loop3A_238 : i32
          %parallel_loop3A_240 = arith.constant 0 : i32
          %parallel_loop3A_241 = arith.cmpi ne, %parallel_loop3A_239, %parallel_loop3A_240 : i32
          %parallel_loop3A_242 = arith.constant 0 : i32
          %parallel_loop3A_243 = arith.cmpi slt, %parallel_loop3A_239, %parallel_loop3A_242 : i32
          %parallel_loop3A_244 = arith.constant 0 : i32
          %parallel_loop3A_245 = arith.cmpi slt, %parallel_loop3A_238, %parallel_loop3A_244 : i32
          %parallel_loop3A_246 = arith.xori %parallel_loop3A_243, %parallel_loop3A_245 : i1
          %parallel_loop3A_247 = arith.andi %parallel_loop3A_246, %parallel_loop3A_241 : i1
          %parallel_loop3A_248 = arith.addi %parallel_loop3A_239, %parallel_loop3A_238 : i32
          %parallel_loop3A_249 = arith.select %parallel_loop3A_247, %parallel_loop3A_248, %parallel_loop3A_239 : i32
          %parallel_loop3A_250 = arith.index_cast %parallel_loop3A_233 : i32 to index
          %parallel_loop3A_251 = arith.index_cast %parallel_loop3A_249 : i32 to index
          %parallel_loop3A_252 = arith.constant 16 : index
          %parallel_loop3A_253 = tpu.vector_load %arg7[%parallel_loop3A_250, %parallel_loop3A_251, %parallel_loop3A_252] {strides = array<i32>} : memref<8x8x128xf32, #tpu.memory_space<vmem>>, vector<16xf32>,
          tpu.vector_store %arg7[%parallel_loop3A_250, %parallel_loop3A_251, %parallel_loop3A_252], %parallel_loop3A_209 {strides = array<i32>} : memref<8x8x128xf32, #tpu.memory_space<vmem>>, vector<16xf32>,
          %parallel_loop3A_254 = arith.constant 1000 : i32
          %parallel_loop3A_255 = vector.broadcast %parallel_loop3A_254 : i32 to vector<16xi32>
          %parallel_loop3A_256 = arith.addi %parallel_loop3A_208, %parallel_loop3A_255 : vector<16xi32>
          scf.yield %parallel_loop3A_256 : vector<16xi32>
        } {sc.loop_unroll_factor = 8 : i64, sc.parallel_access}
        %add3A_66 = arith.constant 32 : i32
        %add3A_67 = arith.addi %add3A_53, %add3A_66 : i32
        %get3A_68 = arith.index_cast %add3A_67 : i32 to index
        %get3A_69 = tpu.vector_load %arg6[%get3A_68] {strides = array<i32>} : memref<40960xi32, #tpu.memory_space<vmem>>, vector<16xi32>,
        %parallel_loop3A_70 = arith.constant 0 : i32
        %parallel_loop3A_71 = arith.constant 1 : i32
        %parallel_loop3A_72 = scf.for %parallel_loop3A_207 = %parallel_loop3A_70 to %select_n3A step %parallel_loop3A_71 iter_args(%parallel_loop3A_208 = %get3A_69) -> (vector<16xi32>)  : i32 {
          %parallel_loop3A_209 = tpu.vector_load_idx %arg5[%parallel_loop3A_208] : memref<64000xf32, #tpu.memory_space<vmem>>[vector<16xi32>], vector<16xf32>,
          %parallel_loop3A_210 = arith.constant 8 : i32
          %parallel_loop3A_211 = arith.divsi %parallel_loop3A_207, %parallel_loop3A_210 : i32
          %parallel_loop3A_212 = arith.constant 0 : i32
          %parallel_loop3A_213 = arith.cmpi sgt, %parallel_loop3A_207, %parallel_loop3A_212 : i32
          %parallel_loop3A_214 = arith.extui %parallel_loop3A_213 : i1 to i32
          %parallel_loop3A_215 = arith.constant 0 : i32
          %parallel_loop3A_216 = arith.cmpi slt, %parallel_loop3A_207, %parallel_loop3A_215 : i32
          %parallel_loop3A_217 = arith.extui %parallel_loop3A_216 : i1 to i32
          %parallel_loop3A_218 = arith.subi %parallel_loop3A_214, %parallel_loop3A_217 : i32
          %parallel_loop3A_219 = arith.constant 0 : i32
          %parallel_loop3A_220 = arith.cmpi sgt, %parallel_loop3A_210, %parallel_loop3A_219 : i32
          %parallel_loop3A_221 = arith.extui %parallel_loop3A_220 : i1 to i32
          %parallel_loop3A_222 = arith.constant 0 : i32
          %parallel_loop3A_223 = arith.cmpi slt, %parallel_loop3A_210, %parallel_loop3A_222 : i32
          %parallel_loop3A_224 = arith.extui %parallel_loop3A_223 : i1 to i32
          %parallel_loop3A_225 = arith.subi %parallel_loop3A_221, %parallel_loop3A_224 : i32
          %parallel_loop3A_226 = arith.cmpi ne, %parallel_loop3A_218, %parallel_loop3A_225 : i32
          %parallel_loop3A_227 = arith.remsi %parallel_loop3A_207, %parallel_loop3A_210 : i32
          %parallel_loop3A_228 = arith.constant 0 : i32
          %parallel_loop3A_229 = arith.cmpi ne, %parallel_loop3A_227, %parallel_loop3A_228 : i32
          %parallel_loop3A_230 = arith.andi %parallel_loop3A_226, %parallel_loop3A_229 : i1
          %parallel_loop3A_231 = arith.constant 1 : i32
          %parallel_loop3A_232 = arith.subi %parallel_loop3A_211, %parallel_loop3A_231 : i32
          %parallel_loop3A_233 = arith.select %parallel_loop3A_230, %parallel_loop3A_232, %parallel_loop3A_211 : i32
          %parallel_loop3A_234 = arith.constant 8 : i32
          %parallel_loop3A_235 = arith.constant 0 : i32
          %parallel_loop3A_236 = arith.cmpi eq, %parallel_loop3A_234, %parallel_loop3A_235 : i32
          %parallel_loop3A_237 = arith.constant 1 : i32
          %parallel_loop3A_238 = arith.select %parallel_loop3A_236, %parallel_loop3A_237, %parallel_loop3A_234 : i32
          %parallel_loop3A_239 = arith.remsi %parallel_loop3A_207, %parallel_loop3A_238 : i32
          %parallel_loop3A_240 = arith.constant 0 : i32
          %parallel_loop3A_241 = arith.cmpi ne, %parallel_loop3A_239, %parallel_loop3A_240 : i32
          %parallel_loop3A_242 = arith.constant 0 : i32
          %parallel_loop3A_243 = arith.cmpi slt, %parallel_loop3A_239, %parallel_loop3A_242 : i32
          %parallel_loop3A_244 = arith.constant 0 : i32
          %parallel_loop3A_245 = arith.cmpi slt, %parallel_loop3A_238, %parallel_loop3A_244 : i32
          %parallel_loop3A_246 = arith.xori %parallel_loop3A_243, %parallel_loop3A_245 : i1
          %parallel_loop3A_247 = arith.andi %parallel_loop3A_246, %parallel_loop3A_241 : i1
          %parallel_loop3A_248 = arith.addi %parallel_loop3A_239, %parallel_loop3A_238 : i32
          %parallel_loop3A_249 = arith.select %parallel_loop3A_247, %parallel_loop3A_248, %parallel_loop3A_239 : i32
          %parallel_loop3A_250 = arith.index_cast %parallel_loop3A_233 : i32 to index
          %parallel_loop3A_251 = arith.index_cast %parallel_loop3A_249 : i32 to index
          %parallel_loop3A_252 = arith.constant 32 : index
          %parallel_loop3A_253 = tpu.vector_load %arg7[%parallel_loop3A_250, %parallel_loop3A_251, %parallel_loop3A_252] {strides = array<i32>} : memref<8x8x128xf32, #tpu.memory_space<vmem>>, vector<16xf32>,
          tpu.vector_store %arg7[%parallel_loop3A_250, %parallel_loop3A_251, %parallel_loop3A_252], %parallel_loop3A_209 {strides = array<i32>} : memref<8x8x128xf32, #tpu.memory_space<vmem>>, vector<16xf32>,
          %parallel_loop3A_254 = arith.constant 1000 : i32
          %parallel_loop3A_255 = vector.broadcast %parallel_loop3A_254 : i32 to vector<16xi32>
          %parallel_loop3A_256 = arith.addi %parallel_loop3A_208, %parallel_loop3A_255 : vector<16xi32>
          scf.yield %parallel_loop3A_256 : vector<16xi32>
        } {sc.loop_unroll_factor = 8 : i64, sc.parallel_access}
        %add3A_73 = arith.constant 48 : i32
        %add3A_74 = arith.addi %add3A_53, %add3A_73 : i32
        %get3A_75 = arith.index_cast %add3A_74 : i32 to index
        %get3A_76 = tpu.vector_load %arg6[%get3A_75] {strides = array<i32>} : memref<40960xi32, #tpu.memory_space<vmem>>, vector<16xi32>,
        %parallel_loop3A_77 = arith.constant 0 : i32
        %parallel_loop3A_78 = arith.constant 1 : i32
        %parallel_loop3A_79 = scf.for %parallel_loop3A_207 = %parallel_loop3A_77 to %select_n3A step %parallel_loop3A_78 iter_args(%parallel_loop3A_208 = %get3A_76) -> (vector<16xi32>)  : i32 {
          %parallel_loop3A_209 = tpu.vector_load_idx %arg5[%parallel_loop3A_208] : memref<64000xf32, #tpu.memory_space<vmem>>[vector<16xi32>], vector<16xf32>,
          %parallel_loop3A_210 = arith.constant 8 : i32
          %parallel_loop3A_211 = arith.divsi %parallel_loop3A_207, %parallel_loop3A_210 : i32
          %parallel_loop3A_212 = arith.constant 0 : i32
          %parallel_loop3A_213 = arith.cmpi sgt, %parallel_loop3A_207, %parallel_loop3A_212 : i32
          %parallel_loop3A_214 = arith.extui %parallel_loop3A_213 : i1 to i32
          %parallel_loop3A_215 = arith.constant 0 : i32
          %parallel_loop3A_216 = arith.cmpi slt, %parallel_loop3A_207, %parallel_loop3A_215 : i32
          %parallel_loop3A_217 = arith.extui %parallel_loop3A_216 : i1 to i32
          %parallel_loop3A_218 = arith.subi %parallel_loop3A_214, %parallel_loop3A_217 : i32
          %parallel_loop3A_219 = arith.constant 0 : i32
          %parallel_loop3A_220 = arith.cmpi sgt, %parallel_loop3A_210, %parallel_loop3A_219 : i32
          %parallel_loop3A_221 = arith.extui %parallel_loop3A_220 : i1 to i32
          %parallel_loop3A_222 = arith.constant 0 : i32
          %parallel_loop3A_223 = arith.cmpi slt, %parallel_loop3A_210, %parallel_loop3A_222 : i32
          %parallel_loop3A_224 = arith.extui %parallel_loop3A_223 : i1 to i32
          %parallel_loop3A_225 = arith.subi %parallel_loop3A_221, %parallel_loop3A_224 : i32
          %parallel_loop3A_226 = arith.cmpi ne, %parallel_loop3A_218, %parallel_loop3A_225 : i32
          %parallel_loop3A_227 = arith.remsi %parallel_loop3A_207, %parallel_loop3A_210 : i32
          %parallel_loop3A_228 = arith.constant 0 : i32
          %parallel_loop3A_229 = arith.cmpi ne, %parallel_loop3A_227, %parallel_loop3A_228 : i32
          %parallel_loop3A_230 = arith.andi %parallel_loop3A_226, %parallel_loop3A_229 : i1
          %parallel_loop3A_231 = arith.constant 1 : i32
          %parallel_loop3A_232 = arith.subi %parallel_loop3A_211, %parallel_loop3A_231 : i32
          %parallel_loop3A_233 = arith.select %parallel_loop3A_230, %parallel_loop3A_232, %parallel_loop3A_211 : i32
          %parallel_loop3A_234 = arith.constant 8 : i32
          %parallel_loop3A_235 = arith.constant 0 : i32
          %parallel_loop3A_236 = arith.cmpi eq, %parallel_loop3A_234, %parallel_loop3A_235 : i32
          %parallel_loop3A_237 = arith.constant 1 : i32
          %parallel_loop3A_238 = arith.select %parallel_loop3A_236, %parallel_loop3A_237, %parallel_loop3A_234 : i32
          %parallel_loop3A_239 = arith.remsi %parallel_loop3A_207, %parallel_loop3A_238 : i32
          %parallel_loop3A_240 = arith.constant 0 : i32
          %parallel_loop3A_241 = arith.cmpi ne, %parallel_loop3A_239, %parallel_loop3A_240 : i32
          %parallel_loop3A_242 = arith.constant 0 : i32
          %parallel_loop3A_243 = arith.cmpi slt, %parallel_loop3A_239, %parallel_loop3A_242 : i32
          %parallel_loop3A_244 = arith.constant 0 : i32
          %parallel_loop3A_245 = arith.cmpi slt, %parallel_loop3A_238, %parallel_loop3A_244 : i32
          %parallel_loop3A_246 = arith.xori %parallel_loop3A_243, %parallel_loop3A_245 : i1
          %parallel_loop3A_247 = arith.andi %parallel_loop3A_246, %parallel_loop3A_241 : i1
          %parallel_loop3A_248 = arith.addi %parallel_loop3A_239, %parallel_loop3A_238 : i32
          %parallel_loop3A_249 = arith.select %parallel_loop3A_247, %parallel_loop3A_248, %parallel_loop3A_239 : i32
          %parallel_loop3A_250 = arith.index_cast %parallel_loop3A_233 : i32 to index
          %parallel_loop3A_251 = arith.index_cast %parallel_loop3A_249 : i32 to index
          %parallel_loop3A_252 = arith.constant 48 : index
          %parallel_loop3A_253 = tpu.vector_load %arg7[%parallel_loop3A_250, %parallel_loop3A_251, %parallel_loop3A_252] {strides = array<i32>} : memref<8x8x128xf32, #tpu.memory_space<vmem>>, vector<16xf32>,
          tpu.vector_store %arg7[%parallel_loop3A_250, %parallel_loop3A_251, %parallel_loop3A_252], %parallel_loop3A_209 {strides = array<i32>} : memref<8x8x128xf32, #tpu.memory_space<vmem>>, vector<16xf32>,
          %parallel_loop3A_254 = arith.constant 1000 : i32
          %parallel_loop3A_255 = vector.broadcast %parallel_loop3A_254 : i32 to vector<16xi32>
          %parallel_loop3A_256 = arith.addi %parallel_loop3A_208, %parallel_loop3A_255 : vector<16xi32>
          scf.yield %parallel_loop3A_256 : vector<16xi32>
        } {sc.loop_unroll_factor = 8 : i64, sc.parallel_access}
        %add3A_80 = arith.constant 64 : i32
        %add3A_81 = arith.addi %add3A_53, %add3A_80 : i32
        %get3A_82 = arith.index_cast %add3A_81 : i32 to index
        %get3A_83 = tpu.vector_load %arg6[%get3A_82] {strides = array<i32>} : memref<40960xi32, #tpu.memory_space<vmem>>, vector<16xi32>,
        %parallel_loop3A_84 = arith.constant 0 : i32
        %parallel_loop3A_85 = arith.constant 1 : i32
        %parallel_loop3A_86 = scf.for %parallel_loop3A_207 = %parallel_loop3A_84 to %select_n3A step %parallel_loop3A_85 iter_args(%parallel_loop3A_208 = %get3A_83) -> (vector<16xi32>)  : i32 {
          %parallel_loop3A_209 = tpu.vector_load_idx %arg5[%parallel_loop3A_208] : memref<64000xf32, #tpu.memory_space<vmem>>[vector<16xi32>], vector<16xf32>,
          %parallel_loop3A_210 = arith.constant 8 : i32
          %parallel_loop3A_211 = arith.divsi %parallel_loop3A_207, %parallel_loop3A_210 : i32
          %parallel_loop3A_212 = arith.constant 0 : i32
          %parallel_loop3A_213 = arith.cmpi sgt, %parallel_loop3A_207, %parallel_loop3A_212 : i32
          %parallel_loop3A_214 = arith.extui %parallel_loop3A_213 : i1 to i32
          %parallel_loop3A_215 = arith.constant 0 : i32
          %parallel_loop3A_216 = arith.cmpi slt, %parallel_loop3A_207, %parallel_loop3A_215 : i32
          %parallel_loop3A_217 = arith.extui %parallel_loop3A_216 : i1 to i32
          %parallel_loop3A_218 = arith.subi %parallel_loop3A_214, %parallel_loop3A_217 : i32
          %parallel_loop3A_219 = arith.constant 0 : i32
          %parallel_loop3A_220 = arith.cmpi sgt, %parallel_loop3A_210, %parallel_loop3A_219 : i32
          %parallel_loop3A_221 = arith.extui %parallel_loop3A_220 : i1 to i32
          %parallel_loop3A_222 = arith.constant 0 : i32
          %parallel_loop3A_223 = arith.cmpi slt, %parallel_loop3A_210, %parallel_loop3A_222 : i32
          %parallel_loop3A_224 = arith.extui %parallel_loop3A_223 : i1 to i32
          %parallel_loop3A_225 = arith.subi %parallel_loop3A_221, %parallel_loop3A_224 : i32
          %parallel_loop3A_226 = arith.cmpi ne, %parallel_loop3A_218, %parallel_loop3A_225 : i32
          %parallel_loop3A_227 = arith.remsi %parallel_loop3A_207, %parallel_loop3A_210 : i32
          %parallel_loop3A_228 = arith.constant 0 : i32
          %parallel_loop3A_229 = arith.cmpi ne, %parallel_loop3A_227, %parallel_loop3A_228 : i32
          %parallel_loop3A_230 = arith.andi %parallel_loop3A_226, %parallel_loop3A_229 : i1
          %parallel_loop3A_231 = arith.constant 1 : i32
          %parallel_loop3A_232 = arith.subi %parallel_loop3A_211, %parallel_loop3A_231 : i32
          %parallel_loop3A_233 = arith.select %parallel_loop3A_230, %parallel_loop3A_232, %parallel_loop3A_211 : i32
          %parallel_loop3A_234 = arith.constant 8 : i32
          %parallel_loop3A_235 = arith.constant 0 : i32
          %parallel_loop3A_236 = arith.cmpi eq, %parallel_loop3A_234, %parallel_loop3A_235 : i32
          %parallel_loop3A_237 = arith.constant 1 : i32
          %parallel_loop3A_238 = arith.select %parallel_loop3A_236, %parallel_loop3A_237, %parallel_loop3A_234 : i32
          %parallel_loop3A_239 = arith.remsi %parallel_loop3A_207, %parallel_loop3A_238 : i32
          %parallel_loop3A_240 = arith.constant 0 : i32
          %parallel_loop3A_241 = arith.cmpi ne, %parallel_loop3A_239, %parallel_loop3A_240 : i32
          %parallel_loop3A_242 = arith.constant 0 : i32
          %parallel_loop3A_243 = arith.cmpi slt, %parallel_loop3A_239, %parallel_loop3A_242 : i32
          %parallel_loop3A_244 = arith.constant 0 : i32
          %parallel_loop3A_245 = arith.cmpi slt, %parallel_loop3A_238, %parallel_loop3A_244 : i32
          %parallel_loop3A_246 = arith.xori %parallel_loop3A_243, %parallel_loop3A_245 : i1
          %parallel_loop3A_247 = arith.andi %parallel_loop3A_246, %parallel_loop3A_241 : i1
          %parallel_loop3A_248 = arith.addi %parallel_loop3A_239, %parallel_loop3A_238 : i32
          %parallel_loop3A_249 = arith.select %parallel_loop3A_247, %parallel_loop3A_248, %parallel_loop3A_239 : i32
          %parallel_loop3A_250 = arith.index_cast %parallel_loop3A_233 : i32 to index
          %parallel_loop3A_251 = arith.index_cast %parallel_loop3A_249 : i32 to index
          %parallel_loop3A_252 = arith.constant 64 : index
          %parallel_loop3A_253 = tpu.vector_load %arg7[%parallel_loop3A_250, %parallel_loop3A_251, %parallel_loop3A_252] {strides = array<i32>} : memref<8x8x128xf32, #tpu.memory_space<vmem>>, vector<16xf32>,
          tpu.vector_store %arg7[%parallel_loop3A_250, %parallel_loop3A_251, %parallel_loop3A_252], %parallel_loop3A_209 {strides = array<i32>} : memref<8x8x128xf32, #tpu.memory_space<vmem>>, vector<16xf32>,
          %parallel_loop3A_254 = arith.constant 1000 : i32
          %parallel_loop3A_255 = vector.broadcast %parallel_loop3A_254 : i32 to vector<16xi32>
          %parallel_loop3A_256 = arith.addi %parallel_loop3A_208, %parallel_loop3A_255 : vector<16xi32>
          scf.yield %parallel_loop3A_256 : vector<16xi32>
        } {sc.loop_unroll_factor = 8 : i64, sc.parallel_access}
        %add3A_87 = arith.constant 80 : i32
        %add3A_88 = arith.addi %add3A_53, %add3A_87 : i32
        %get3A_89 = arith.index_cast %add3A_88 : i32 to index
        %get3A_90 = tpu.vector_load %arg6[%get3A_89] {strides = array<i32>} : memref<40960xi32, #tpu.memory_space<vmem>>, vector<16xi32>,
        %parallel_loop3A_91 = arith.constant 0 : i32
        %parallel_loop3A_92 = arith.constant 1 : i32
        %parallel_loop3A_93 = scf.for %parallel_loop3A_207 = %parallel_loop3A_91 to %select_n3A step %parallel_loop3A_92 iter_args(%parallel_loop3A_208 = %get3A_90) -> (vector<16xi32>)  : i32 {
          %parallel_loop3A_209 = tpu.vector_load_idx %arg5[%parallel_loop3A_208] : memref<64000xf32, #tpu.memory_space<vmem>>[vector<16xi32>], vector<16xf32>,
          %parallel_loop3A_210 = arith.constant 8 : i32
          %parallel_loop3A_211 = arith.divsi %parallel_loop3A_207, %parallel_loop3A_210 : i32
          %parallel_loop3A_212 = arith.constant 0 : i32
          %parallel_loop3A_213 = arith.cmpi sgt, %parallel_loop3A_207, %parallel_loop3A_212 : i32
          %parallel_loop3A_214 = arith.extui %parallel_loop3A_213 : i1 to i32
          %parallel_loop3A_215 = arith.constant 0 : i32
          %parallel_loop3A_216 = arith.cmpi slt, %parallel_loop3A_207, %parallel_loop3A_215 : i32
          %parallel_loop3A_217 = arith.extui %parallel_loop3A_216 : i1 to i32
          %parallel_loop3A_218 = arith.subi %parallel_loop3A_214, %parallel_loop3A_217 : i32
          %parallel_loop3A_219 = arith.constant 0 : i32
          %parallel_loop3A_220 = arith.cmpi sgt, %parallel_loop3A_210, %parallel_loop3A_219 : i32
          %parallel_loop3A_221 = arith.extui %parallel_loop3A_220 : i1 to i32
          %parallel_loop3A_222 = arith.constant 0 : i32
          %parallel_loop3A_223 = arith.cmpi slt, %parallel_loop3A_210, %parallel_loop3A_222 : i32
          %parallel_loop3A_224 = arith.extui %parallel_loop3A_223 : i1 to i32
          %parallel_loop3A_225 = arith.subi %parallel_loop3A_221, %parallel_loop3A_224 : i32
          %parallel_loop3A_226 = arith.cmpi ne, %parallel_loop3A_218, %parallel_loop3A_225 : i32
          %parallel_loop3A_227 = arith.remsi %parallel_loop3A_207, %parallel_loop3A_210 : i32
          %parallel_loop3A_228 = arith.constant 0 : i32
          %parallel_loop3A_229 = arith.cmpi ne, %parallel_loop3A_227, %parallel_loop3A_228 : i32
          %parallel_loop3A_230 = arith.andi %parallel_loop3A_226, %parallel_loop3A_229 : i1
          %parallel_loop3A_231 = arith.constant 1 : i32
          %parallel_loop3A_232 = arith.subi %parallel_loop3A_211, %parallel_loop3A_231 : i32
          %parallel_loop3A_233 = arith.select %parallel_loop3A_230, %parallel_loop3A_232, %parallel_loop3A_211 : i32
          %parallel_loop3A_234 = arith.constant 8 : i32
          %parallel_loop3A_235 = arith.constant 0 : i32
          %parallel_loop3A_236 = arith.cmpi eq, %parallel_loop3A_234, %parallel_loop3A_235 : i32
          %parallel_loop3A_237 = arith.constant 1 : i32
          %parallel_loop3A_238 = arith.select %parallel_loop3A_236, %parallel_loop3A_237, %parallel_loop3A_234 : i32
          %parallel_loop3A_239 = arith.remsi %parallel_loop3A_207, %parallel_loop3A_238 : i32
          %parallel_loop3A_240 = arith.constant 0 : i32
          %parallel_loop3A_241 = arith.cmpi ne, %parallel_loop3A_239, %parallel_loop3A_240 : i32
          %parallel_loop3A_242 = arith.constant 0 : i32
          %parallel_loop3A_243 = arith.cmpi slt, %parallel_loop3A_239, %parallel_loop3A_242 : i32
          %parallel_loop3A_244 = arith.constant 0 : i32
          %parallel_loop3A_245 = arith.cmpi slt, %parallel_loop3A_238, %parallel_loop3A_244 : i32
          %parallel_loop3A_246 = arith.xori %parallel_loop3A_243, %parallel_loop3A_245 : i1
          %parallel_loop3A_247 = arith.andi %parallel_loop3A_246, %parallel_loop3A_241 : i1
          %parallel_loop3A_248 = arith.addi %parallel_loop3A_239, %parallel_loop3A_238 : i32
          %parallel_loop3A_249 = arith.select %parallel_loop3A_247, %parallel_loop3A_248, %parallel_loop3A_239 : i32
          %parallel_loop3A_250 = arith.index_cast %parallel_loop3A_233 : i32 to index
          %parallel_loop3A_251 = arith.index_cast %parallel_loop3A_249 : i32 to index
          %parallel_loop3A_252 = arith.constant 80 : index
          %parallel_loop3A_253 = tpu.vector_load %arg7[%parallel_loop3A_250, %parallel_loop3A_251, %parallel_loop3A_252] {strides = array<i32>} : memref<8x8x128xf32, #tpu.memory_space<vmem>>, vector<16xf32>,
          tpu.vector_store %arg7[%parallel_loop3A_250, %parallel_loop3A_251, %parallel_loop3A_252], %parallel_loop3A_209 {strides = array<i32>} : memref<8x8x128xf32, #tpu.memory_space<vmem>>, vector<16xf32>,
          %parallel_loop3A_254 = arith.constant 1000 : i32
          %parallel_loop3A_255 = vector.broadcast %parallel_loop3A_254 : i32 to vector<16xi32>
          %parallel_loop3A_256 = arith.addi %parallel_loop3A_208, %parallel_loop3A_255 : vector<16xi32>
          scf.yield %parallel_loop3A_256 : vector<16xi32>
        } {sc.loop_unroll_factor = 8 : i64, sc.parallel_access}
        %add3A_94 = arith.constant 96 : i32
        %add3A_95 = arith.addi %add3A_53, %add3A_94 : i32
        %get3A_96 = arith.index_cast %add3A_95 : i32 to index
        %get3A_97 = tpu.vector_load %arg6[%get3A_96] {strides = array<i32>} : memref<40960xi32, #tpu.memory_space<vmem>>, vector<16xi32>,
        %parallel_loop3A_98 = arith.constant 0 : i32
        %parallel_loop3A_99 = arith.constant 1 : i32
        %parallel_loop3A_100 = scf.for %parallel_loop3A_207 = %parallel_loop3A_98 to %select_n3A step %parallel_loop3A_99 iter_args(%parallel_loop3A_208 = %get3A_97) -> (vector<16xi32>)  : i32 {
          %parallel_loop3A_209 = tpu.vector_load_idx %arg5[%parallel_loop3A_208] : memref<64000xf32, #tpu.memory_space<vmem>>[vector<16xi32>], vector<16xf32>,
          %parallel_loop3A_210 = arith.constant 8 : i32
          %parallel_loop3A_211 = arith.divsi %parallel_loop3A_207, %parallel_loop3A_210 : i32
          %parallel_loop3A_212 = arith.constant 0 : i32
          %parallel_loop3A_213 = arith.cmpi sgt, %parallel_loop3A_207, %parallel_loop3A_212 : i32
          %parallel_loop3A_214 = arith.extui %parallel_loop3A_213 : i1 to i32
          %parallel_loop3A_215 = arith.constant 0 : i32
          %parallel_loop3A_216 = arith.cmpi slt, %parallel_loop3A_207, %parallel_loop3A_215 : i32
          %parallel_loop3A_217 = arith.extui %parallel_loop3A_216 : i1 to i32
          %parallel_loop3A_218 = arith.subi %parallel_loop3A_214, %parallel_loop3A_217 : i32
          %parallel_loop3A_219 = arith.constant 0 : i32
          %parallel_loop3A_220 = arith.cmpi sgt, %parallel_loop3A_210, %parallel_loop3A_219 : i32
          %parallel_loop3A_221 = arith.extui %parallel_loop3A_220 : i1 to i32
          %parallel_loop3A_222 = arith.constant 0 : i32
          %parallel_loop3A_223 = arith.cmpi slt, %parallel_loop3A_210, %parallel_loop3A_222 : i32
          %parallel_loop3A_224 = arith.extui %parallel_loop3A_223 : i1 to i32
          %parallel_loop3A_225 = arith.subi %parallel_loop3A_221, %parallel_loop3A_224 : i32
          %parallel_loop3A_226 = arith.cmpi ne, %parallel_loop3A_218, %parallel_loop3A_225 : i32
          %parallel_loop3A_227 = arith.remsi %parallel_loop3A_207, %parallel_loop3A_210 : i32
          %parallel_loop3A_228 = arith.constant 0 : i32
          %parallel_loop3A_229 = arith.cmpi ne, %parallel_loop3A_227, %parallel_loop3A_228 : i32
          %parallel_loop3A_230 = arith.andi %parallel_loop3A_226, %parallel_loop3A_229 : i1
          %parallel_loop3A_231 = arith.constant 1 : i32
          %parallel_loop3A_232 = arith.subi %parallel_loop3A_211, %parallel_loop3A_231 : i32
          %parallel_loop3A_233 = arith.select %parallel_loop3A_230, %parallel_loop3A_232, %parallel_loop3A_211 : i32
          %parallel_loop3A_234 = arith.constant 8 : i32
          %parallel_loop3A_235 = arith.constant 0 : i32
          %parallel_loop3A_236 = arith.cmpi eq, %parallel_loop3A_234, %parallel_loop3A_235 : i32
          %parallel_loop3A_237 = arith.constant 1 : i32
          %parallel_loop3A_238 = arith.select %parallel_loop3A_236, %parallel_loop3A_237, %parallel_loop3A_234 : i32
          %parallel_loop3A_239 = arith.remsi %parallel_loop3A_207, %parallel_loop3A_238 : i32
          %parallel_loop3A_240 = arith.constant 0 : i32
          %parallel_loop3A_241 = arith.cmpi ne, %parallel_loop3A_239, %parallel_loop3A_240 : i32
          %parallel_loop3A_242 = arith.constant 0 : i32
          %parallel_loop3A_243 = arith.cmpi slt, %parallel_loop3A_239, %parallel_loop3A_242 : i32
          %parallel_loop3A_244 = arith.constant 0 : i32
          %parallel_loop3A_245 = arith.cmpi slt, %parallel_loop3A_238, %parallel_loop3A_244 : i32
          %parallel_loop3A_246 = arith.xori %parallel_loop3A_243, %parallel_loop3A_245 : i1
          %parallel_loop3A_247 = arith.andi %parallel_loop3A_246, %parallel_loop3A_241 : i1
          %parallel_loop3A_248 = arith.addi %parallel_loop3A_239, %parallel_loop3A_238 : i32
          %parallel_loop3A_249 = arith.select %parallel_loop3A_247, %parallel_loop3A_248, %parallel_loop3A_239 : i32
          %parallel_loop3A_250 = arith.index_cast %parallel_loop3A_233 : i32 to index
          %parallel_loop3A_251 = arith.index_cast %parallel_loop3A_249 : i32 to index
          %parallel_loop3A_252 = arith.constant 96 : index
          %parallel_loop3A_253 = tpu.vector_load %arg7[%parallel_loop3A_250, %parallel_loop3A_251, %parallel_loop3A_252] {strides = array<i32>} : memref<8x8x128xf32, #tpu.memory_space<vmem>>, vector<16xf32>,
          tpu.vector_store %arg7[%parallel_loop3A_250, %parallel_loop3A_251, %parallel_loop3A_252], %parallel_loop3A_209 {strides = array<i32>} : memref<8x8x128xf32, #tpu.memory_space<vmem>>, vector<16xf32>,
          %parallel_loop3A_254 = arith.constant 1000 : i32
          %parallel_loop3A_255 = vector.broadcast %parallel_loop3A_254 : i32 to vector<16xi32>
          %parallel_loop3A_256 = arith.addi %parallel_loop3A_208, %parallel_loop3A_255 : vector<16xi32>
          scf.yield %parallel_loop3A_256 : vector<16xi32>
        } {sc.loop_unroll_factor = 8 : i64, sc.parallel_access}
        %add3A_101 = arith.constant 112 : i32
        %add3A_102 = arith.addi %add3A_53, %add3A_101 : i32
        %get3A_103 = arith.index_cast %add3A_102 : i32 to index
        %get3A_104 = tpu.vector_load %arg6[%get3A_103] {strides = array<i32>} : memref<40960xi32, #tpu.memory_space<vmem>>, vector<16xi32>,
        %parallel_loop3A_105 = arith.constant 0 : i32
        %parallel_loop3A_106 = arith.constant 1 : i32
        %parallel_loop3A_107 = scf.for %parallel_loop3A_207 = %parallel_loop3A_105 to %select_n3A step %parallel_loop3A_106 iter_args(%parallel_loop3A_208 = %get3A_104) -> (vector<16xi32>)  : i32 {
          %parallel_loop3A_209 = tpu.vector_load_idx %arg5[%parallel_loop3A_208] : memref<64000xf32, #tpu.memory_space<vmem>>[vector<16xi32>], vector<16xf32>,
          %parallel_loop3A_210 = arith.constant 8 : i32
          %parallel_loop3A_211 = arith.divsi %parallel_loop3A_207, %parallel_loop3A_210 : i32
          %parallel_loop3A_212 = arith.constant 0 : i32
          %parallel_loop3A_213 = arith.cmpi sgt, %parallel_loop3A_207, %parallel_loop3A_212 : i32
          %parallel_loop3A_214 = arith.extui %parallel_loop3A_213 : i1 to i32
          %parallel_loop3A_215 = arith.constant 0 : i32
          %parallel_loop3A_216 = arith.cmpi slt, %parallel_loop3A_207, %parallel_loop3A_215 : i32
          %parallel_loop3A_217 = arith.extui %parallel_loop3A_216 : i1 to i32
          %parallel_loop3A_218 = arith.subi %parallel_loop3A_214, %parallel_loop3A_217 : i32
          %parallel_loop3A_219 = arith.constant 0 : i32
          %parallel_loop3A_220 = arith.cmpi sgt, %parallel_loop3A_210, %parallel_loop3A_219 : i32
          %parallel_loop3A_221 = arith.extui %parallel_loop3A_220 : i1 to i32
          %parallel_loop3A_222 = arith.constant 0 : i32
          %parallel_loop3A_223 = arith.cmpi slt, %parallel_loop3A_210, %parallel_loop3A_222 : i32
          %parallel_loop3A_224 = arith.extui %parallel_loop3A_223 : i1 to i32
          %parallel_loop3A_225 = arith.subi %parallel_loop3A_221, %parallel_loop3A_224 : i32
          %parallel_loop3A_226 = arith.cmpi ne, %parallel_loop3A_218, %parallel_loop3A_225 : i32
          %parallel_loop3A_227 = arith.remsi %parallel_loop3A_207, %parallel_loop3A_210 : i32
          %parallel_loop3A_228 = arith.constant 0 : i32
          %parallel_loop3A_229 = arith.cmpi ne, %parallel_loop3A_227, %parallel_loop3A_228 : i32
          %parallel_loop3A_230 = arith.andi %parallel_loop3A_226, %parallel_loop3A_229 : i1
          %parallel_loop3A_231 = arith.constant 1 : i32
          %parallel_loop3A_232 = arith.subi %parallel_loop3A_211, %parallel_loop3A_231 : i32
          %parallel_loop3A_233 = arith.select %parallel_loop3A_230, %parallel_loop3A_232, %parallel_loop3A_211 : i32
          %parallel_loop3A_234 = arith.constant 8 : i32
          %parallel_loop3A_235 = arith.constant 0 : i32
          %parallel_loop3A_236 = arith.cmpi eq, %parallel_loop3A_234, %parallel_loop3A_235 : i32
          %parallel_loop3A_237 = arith.constant 1 : i32
          %parallel_loop3A_238 = arith.select %parallel_loop3A_236, %parallel_loop3A_237, %parallel_loop3A_234 : i32
          %parallel_loop3A_239 = arith.remsi %parallel_loop3A_207, %parallel_loop3A_238 : i32
          %parallel_loop3A_240 = arith.constant 0 : i32
          %parallel_loop3A_241 = arith.cmpi ne, %parallel_loop3A_239, %parallel_loop3A_240 : i32
          %parallel_loop3A_242 = arith.constant 0 : i32
          %parallel_loop3A_243 = arith.cmpi slt, %parallel_loop3A_239, %parallel_loop3A_242 : i32
          %parallel_loop3A_244 = arith.constant 0 : i32
          %parallel_loop3A_245 = arith.cmpi slt, %parallel_loop3A_238, %parallel_loop3A_244 : i32
          %parallel_loop3A_246 = arith.xori %parallel_loop3A_243, %parallel_loop3A_245 : i1
          %parallel_loop3A_247 = arith.andi %parallel_loop3A_246, %parallel_loop3A_241 : i1
          %parallel_loop3A_248 = arith.addi %parallel_loop3A_239, %parallel_loop3A_238 : i32
          %parallel_loop3A_249 = arith.select %parallel_loop3A_247, %parallel_loop3A_248, %parallel_loop3A_239 : i32
          %parallel_loop3A_250 = arith.index_cast %parallel_loop3A_233 : i32 to index
          %parallel_loop3A_251 = arith.index_cast %parallel_loop3A_249 : i32 to index
          %parallel_loop3A_252 = arith.constant 112 : index
          %parallel_loop3A_253 = tpu.vector_load %arg7[%parallel_loop3A_250, %parallel_loop3A_251, %parallel_loop3A_252] {strides = array<i32>} : memref<8x8x128xf32, #tpu.memory_space<vmem>>, vector<16xf32>,
          tpu.vector_store %arg7[%parallel_loop3A_250, %parallel_loop3A_251, %parallel_loop3A_252], %parallel_loop3A_209 {strides = array<i32>} : memref<8x8x128xf32, #tpu.memory_space<vmem>>, vector<16xf32>,
          %parallel_loop3A_254 = arith.constant 1000 : i32
          %parallel_loop3A_255 = vector.broadcast %parallel_loop3A_254 : i32 to vector<16xi32>
          %parallel_loop3A_256 = arith.addi %parallel_loop3A_208, %parallel_loop3A_255 : vector<16xi32>
          scf.yield %parallel_loop3A_256 : vector<16xi32>
        } {sc.loop_unroll_factor = 8 : i64, sc.parallel_access}
        %mul3A_108 = arith.constant 16 : i32
        %mul3A_109 = arith.muli %arg0, %mul3A_108 : i32
        %add3A_110 = arith.addi %mul3A_109, %add3A_42 : i32
        %ne3A_111 = arith.constant 15 : i32
        %ne3A_112 = arith.cmpi ne, %arg1, %ne3A_111 : i32
        %convert_element_type3A_113 = arith.extui %ne3A_112 : i1 to i32
        %cond3A_114 = arith.constant 0 : i32
        %cond3A_115 = arith.cmpi ne, %convert_element_type3A_113, %cond3A_114 : i32
        scf.if %cond3A_115 {
          %dma_start3A = arith.constant 0 : i32
          %dma_start3A_207 = arith.constant 0 : i32
          %dma_start3A_208 = tpu.memref_slice %arg4[%scan3A_33, %mul3A_10, %add3A_110, %dma_start3A, %dma_start3A_207] : memref<20x125x32x8x128xf32, #tpu.memory_space<hbm>> -> memref<1x8x1x8x128xf32, #tpu.memory_space<hbm>>
          %dma_start3A_209 = tpu.memref_squeeze %dma_start3A_208 : memref<1x8x1x8x128xf32, #tpu.memory_space<hbm>> -> memref<8x8x128xf32, #tpu.memory_space<hbm>>
          %dma_start3A_210 = arith.constant 0 : i32
          %dma_start3A_211 = arith.constant 0 : i32
          %dma_start3A_212 = tpu.memref_slice %arg4[%scan3A_33, %mul3A_10, %add3A_110, %dma_start3A_210, %dma_start3A_211] : memref<20x125x32x8x128xf32, #tpu.memory_space<hbm>> -> memref<1x8x1x8x128xf32, #tpu.memory_space<hbm>>
          %dma_start3A_213 = tpu.memref_squeeze %dma_start3A_212 : memref<1x8x1x8x128xf32, #tpu.memory_space<hbm>> -> memref<8x8x128xf32, #tpu.memory_space<hbm>>
          tpu.enqueue_dma source(%arg7 : memref<8x8x128xf32, #tpu.memory_space<vmem>>) target(%dma_start3A_213 : memref<8x8x128xf32, #tpu.memory_space<hbm>>) target_semaphore(%arg9 : memref<!tpu.dma_semaphore, #tpu.memory_space<semaphore_mem>>)
        } else {
        }
        %eq3A_116 = arith.constant 15 : i32
        %eq3A_117 = arith.cmpi eq, %arg1, %eq3A_116 : i32
        %convert_element_type3A_118 = arith.extui %eq3A_117 : i1 to i32
        %cond3A_119 = arith.constant 0 : i32
        %cond3A_120 = arith.cmpi ne, %convert_element_type3A_118, %cond3A_119 : i32
        scf.if %cond3A_120 {
          %scan3A_207 = arith.constant 0 : i32
          %scan3A_208 = arith.constant 0 : i32
          %scan3A_209 = arith.constant 5 : i32
          %scan3A_210 = arith.addi %scan3A_208, %scan3A_209 : i32
          %scan3A_211 = arith.constant 1 : i32
          scf.for %scan3A_213 = %scan3A_208 to %scan3A_210 step %scan3A_211  : i32 {
            %add3A_214 = arith.addi %mul3A_10, %scan3A_213 : i32
            %dma_start3A = arith.constant 0 : i32
            %dma_start3A_215 = arith.constant 0 : i32
            %dma_start3A_216 = tpu.memref_slice %arg7[%scan3A_213, %dma_start3A, %dma_start3A_215] : memref<8x8x128xf32, #tpu.memory_space<vmem>> -> memref<1x8x128xf32, #tpu.memory_space<vmem>>
            %dma_start3A_217 = arith.constant 0 : i32
            %dma_start3A_218 = arith.constant 0 : i32
            %dma_start3A_219 = tpu.memref_slice %arg4[%scan3A_33, %add3A_214, %add3A_110, %dma_start3A_217, %dma_start3A_218] : memref<20x125x32x8x128xf32, #tpu.memory_space<hbm>> -> memref<1x1x1x8x128xf32, #tpu.memory_space<hbm>>
            %dma_start3A_220 = tpu.memref_squeeze %dma_start3A_219 : memref<1x1x1x8x128xf32, #tpu.memory_space<hbm>> -> memref<1x8x128xf32, #tpu.memory_space<hbm>>
            %dma_start3A_221 = arith.constant 0 : i32
            %dma_start3A_222 = arith.constant 0 : i32
            %dma_start3A_223 = tpu.memref_slice %arg4[%scan3A_33, %add3A_214, %add3A_110, %dma_start3A_221, %dma_start3A_222] : memref<20x125x32x8x128xf32, #tpu.memory_space<hbm>> -> memref<1x1x1x8x128xf32, #tpu.memory_space<hbm>>
            %dma_start3A_224 = tpu.memref_squeeze %dma_start3A_223 : memref<1x1x1x8x128xf32, #tpu.memory_space<hbm>> -> memref<1x8x128xf32, #tpu.memory_space<hbm>>
            %dma_start3A_225 = arith.constant 0 : i32
            %dma_start3A_226 = arith.constant 0 : i32
            %dma_start3A_227 = tpu.memref_slice %arg7[%scan3A_213, %dma_start3A_225, %dma_start3A_226] : memref<8x8x128xf32, #tpu.memory_space<vmem>> -> memref<1x8x128xf32, #tpu.memory_space<vmem>>
            tpu.enqueue_dma source(%dma_start3A_227 : memref<1x8x128xf32, #tpu.memory_space<vmem>>) target(%dma_start3A_224 : memref<1x8x128xf32, #tpu.memory_space<hbm>>) target_semaphore(%arg9 : memref<!tpu.dma_semaphore, #tpu.memory_space<semaphore_mem>>)
          }
          %scan3A_212 = arith.constant 5 : i32
        } else {
        }
        %mul3A_121 = arith.constant 2 : i32
        %mul3A_122 = arith.muli %scan3A_39, %mul3A_121 : i32
        %add3A_123 = arith.constant 1 : i32
        %add3A_124 = arith.addi %mul3A_122, %add3A_123 : i32
        %gt3A_125 = arith.constant 0 : i32
        %gt3A_126 = arith.cmpi sgt, %scan3A_33, %gt3A_125 : i32
        %gt3A_127 = arith.constant 0 : i32
        %gt3A_128 = arith.cmpi sgt, %scan3A_39, %gt3A_127 : i32
        %or3A_129 = arith.ori %gt3A_126, %gt3A_128 : i1
        %convert_element_type3A_130 = arith.extui %or3A_129 : i1 to i32
        %cond3A_131 = arith.constant 0 : i32
        %cond3A_132 = arith.cmpi ne, %convert_element_type3A_130, %cond3A_131 : i32
        scf.if %cond3A_132 {
          %ne3A_207 = arith.constant 15 : i32
          %ne3A_208 = arith.cmpi ne, %arg1, %ne3A_207 : i32
          %convert_element_type3A_209 = arith.extui %ne3A_208 : i1 to i32
          %cond3A_210 = arith.constant 0 : i32
          %cond3A_211 = arith.cmpi ne, %convert_element_type3A_209, %cond3A_210 : i32
          scf.if %cond3A_211 {
            %dma_wait3A = arith.constant 0 : i32
            %dma_wait3A_217 = arith.constant 0 : i32
            %dma_wait3A_218 = arith.constant 0 : i32
            %dma_wait3A_219 = arith.constant 0 : i32
            %dma_wait3A_220 = arith.constant 0 : i32
            %dma_wait3A_221 = tpu.memref_slice %arg4[%dma_wait3A, %dma_wait3A_218, %dma_wait3A_217, %dma_wait3A_219, %dma_wait3A_220] : memref<20x125x32x8x128xf32, #tpu.memory_space<hbm>> -> memref<1x8x1x8x128xf32, #tpu.memory_space<hbm>>
            %dma_wait3A_222 = tpu.memref_squeeze %dma_wait3A_221 : memref<1x8x1x8x128xf32, #tpu.memory_space<hbm>> -> memref<8x8x128xf32, #tpu.memory_space<hbm>>
            %dma_wait3A_223 = arith.constant 0 : i32
            %dma_wait3A_224 = arith.constant 0 : i32
            %dma_wait3A_225 = arith.constant 0 : i32
            %dma_wait3A_226 = tpu.memref_slice %arg4[%dma_wait3A, %dma_wait3A_223, %dma_wait3A_217, %dma_wait3A_224, %dma_wait3A_225] : memref<20x125x32x8x128xf32, #tpu.memory_space<hbm>> -> memref<1x8x1x8x128xf32, #tpu.memory_space<hbm>>
            %dma_wait3A_227 = tpu.memref_squeeze %dma_wait3A_226 : memref<1x8x1x8x128xf32, #tpu.memory_space<hbm>> -> memref<8x8x128xf32, #tpu.memory_space<hbm>>
            tpu.wait_dma2 semaphore(%arg10 : memref<!tpu.dma_semaphore, #tpu.memory_space<semaphore_mem>>) src(%dma_wait3A_227 : memref<8x8x128xf32, #tpu.memory_space<hbm>>) dst(%arg8 : memref<8x8x128xf32, #tpu.memory_space<vmem>>)
          } else {
          }
          %eq3A_212 = arith.constant 15 : i32
          %eq3A_213 = arith.cmpi eq, %arg1, %eq3A_212 : i32
          %convert_element_type3A_214 = arith.extui %eq3A_213 : i1 to i32
          %cond3A_215 = arith.constant 0 : i32
          %cond3A_216 = arith.cmpi ne, %convert_element_type3A_214, %cond3A_215 : i32
          scf.if %cond3A_216 {
            %scan3A_217 = arith.constant 0 : i32
            %scan3A_218 = arith.constant 0 : i32
            %scan3A_219 = arith.constant 5 : i32
            %scan3A_220 = arith.addi %scan3A_218, %scan3A_219 : i32
            %scan3A_221 = arith.constant 1 : i32
            scf.for %scan3A_223 = %scan3A_218 to %scan3A_220 step %scan3A_221  : i32 {
              %dma_wait3A = arith.constant 0 : i32
              %dma_wait3A_224 = arith.constant 0 : i32
              %dma_wait3A_225 = arith.constant 0 : i32
              %dma_wait3A_226 = arith.constant 0 : i32
              %dma_wait3A_227 = arith.constant 0 : i32
              %dma_wait3A_228 = tpu.memref_slice %arg8[%dma_wait3A_225, %dma_wait3A_226, %dma_wait3A_227] : memref<8x8x128xf32, #tpu.memory_space<vmem>> -> memref<1x8x128xf32, #tpu.memory_space<vmem>>
              %dma_wait3A_229 = arith.constant 0 : i32
              %dma_wait3A_230 = arith.constant 0 : i32
              %dma_wait3A_231 = arith.constant 0 : i32
              %dma_wait3A_232 = tpu.memref_slice %arg4[%dma_wait3A, %dma_wait3A_229, %dma_wait3A_224, %dma_wait3A_230, %dma_wait3A_231] : memref<20x125x32x8x128xf32, #tpu.memory_space<hbm>> -> memref<1x1x1x8x128xf32, #tpu.memory_space<hbm>>
              %dma_wait3A_233 = tpu.memref_squeeze %dma_wait3A_232 : memref<1x1x1x8x128xf32, #tpu.memory_space<hbm>> -> memref<1x8x128xf32, #tpu.memory_space<hbm>>
              %dma_wait3A_234 = arith.constant 0 : i32
              %dma_wait3A_235 = arith.constant 0 : i32
              %dma_wait3A_236 = arith.constant 0 : i32
              %dma_wait3A_237 = tpu.memref_slice %arg8[%dma_wait3A_234, %dma_wait3A_235, %dma_wait3A_236] : memref<8x8x128xf32, #tpu.memory_space<vmem>> -> memref<1x8x128xf32, #tpu.memory_space<vmem>>
              %dma_wait3A_238 = arith.constant 0 : i32
              %dma_wait3A_239 = arith.constant 0 : i32
              %dma_wait3A_240 = arith.constant 0 : i32
              %dma_wait3A_241 = tpu.memref_slice %arg4[%dma_wait3A, %dma_wait3A_238, %dma_wait3A_224, %dma_wait3A_239, %dma_wait3A_240] : memref<20x125x32x8x128xf32, #tpu.memory_space<hbm>> -> memref<1x1x1x8x128xf32, #tpu.memory_space<hbm>>
              %dma_wait3A_242 = tpu.memref_squeeze %dma_wait3A_241 : memref<1x1x1x8x128xf32, #tpu.memory_space<hbm>> -> memref<1x8x128xf32, #tpu.memory_space<hbm>>
              tpu.wait_dma2 semaphore(%arg10 : memref<!tpu.dma_semaphore, #tpu.memory_space<semaphore_mem>>) src(%dma_wait3A_242 : memref<1x8x128xf32, #tpu.memory_space<hbm>>) dst(%dma_wait3A_237 : memref<1x8x128xf32, #tpu.memory_space<vmem>>)
            }
            %scan3A_222 = arith.constant 5 : i32
          } else {
          }
        } else {
        }
        %mul3A_133 = arith.constant 2048 : i32
        %mul3A_134 = arith.muli %scan3A_33, %mul3A_133 : i32
        %mul3A_135 = arith.constant 128 : i32
        %mul3A_136 = arith.muli %add3A_124, %mul3A_135 : i32
        %add3A_137 = arith.addi %mul3A_134, %mul3A_136 : i32
        %add3A_138 = arith.constant 0 : i32
        %add3A_139 = arith.addi %add3A_137, %add3A_138 : i32
        %get3A_140 = arith.index_cast %add3A_139 : i32 to index
        %get3A_141 = tpu.vector_load %arg6[%get3A_140] {strides = array<i32>} : memref<40960xi32, #tpu.memory_space<vmem>>, vector<16xi32>,
        %parallel_loop3A_142 = arith.constant 0 : i32
        %parallel_loop3A_143 = arith.constant 1 : i32
        %parallel_loop3A_144 = scf.for %parallel_loop3A_207 = %parallel_loop3A_142 to %select_n3A step %parallel_loop3A_143 iter_args(%parallel_loop3A_208 = %get3A_141) -> (vector<16xi32>)  : i32 {
          %parallel_loop3A_209 = tpu.vector_load_idx %arg5[%parallel_loop3A_208] : memref<64000xf32, #tpu.memory_space<vmem>>[vector<16xi32>], vector<16xf32>,
          %parallel_loop3A_210 = arith.constant 8 : i32
          %parallel_loop3A_211 = arith.divsi %parallel_loop3A_207, %parallel_loop3A_210 : i32
          %parallel_loop3A_212 = arith.constant 0 : i32
          %parallel_loop3A_213 = arith.cmpi sgt, %parallel_loop3A_207, %parallel_loop3A_212 : i32
          %parallel_loop3A_214 = arith.extui %parallel_loop3A_213 : i1 to i32
          %parallel_loop3A_215 = arith.constant 0 : i32
          %parallel_loop3A_216 = arith.cmpi slt, %parallel_loop3A_207, %parallel_loop3A_215 : i32
          %parallel_loop3A_217 = arith.extui %parallel_loop3A_216 : i1 to i32
          %parallel_loop3A_218 = arith.subi %parallel_loop3A_214, %parallel_loop3A_217 : i32
          %parallel_loop3A_219 = arith.constant 0 : i32
          %parallel_loop3A_220 = arith.cmpi sgt, %parallel_loop3A_210, %parallel_loop3A_219 : i32
          %parallel_loop3A_221 = arith.extui %parallel_loop3A_220 : i1 to i32
          %parallel_loop3A_222 = arith.constant 0 : i32
          %parallel_loop3A_223 = arith.cmpi slt, %parallel_loop3A_210, %parallel_loop3A_222 : i32
          %parallel_loop3A_224 = arith.extui %parallel_loop3A_223 : i1 to i32
          %parallel_loop3A_225 = arith.subi %parallel_loop3A_221, %parallel_loop3A_224 : i32
          %parallel_loop3A_226 = arith.cmpi ne, %parallel_loop3A_218, %parallel_loop3A_225 : i32
          %parallel_loop3A_227 = arith.remsi %parallel_loop3A_207, %parallel_loop3A_210 : i32
          %parallel_loop3A_228 = arith.constant 0 : i32
          %parallel_loop3A_229 = arith.cmpi ne, %parallel_loop3A_227, %parallel_loop3A_228 : i32
          %parallel_loop3A_230 = arith.andi %parallel_loop3A_226, %parallel_loop3A_229 : i1
          %parallel_loop3A_231 = arith.constant 1 : i32
          %parallel_loop3A_232 = arith.subi %parallel_loop3A_211, %parallel_loop3A_231 : i32
          %parallel_loop3A_233 = arith.select %parallel_loop3A_230, %parallel_loop3A_232, %parallel_loop3A_211 : i32
          %parallel_loop3A_234 = arith.constant 8 : i32
          %parallel_loop3A_235 = arith.constant 0 : i32
          %parallel_loop3A_236 = arith.cmpi eq, %parallel_loop3A_234, %parallel_loop3A_235 : i32
          %parallel_loop3A_237 = arith.constant 1 : i32
          %parallel_loop3A_238 = arith.select %parallel_loop3A_236, %parallel_loop3A_237, %parallel_loop3A_234 : i32
          %parallel_loop3A_239 = arith.remsi %parallel_loop3A_207, %parallel_loop3A_238 : i32
          %parallel_loop3A_240 = arith.constant 0 : i32
          %parallel_loop3A_241 = arith.cmpi ne, %parallel_loop3A_239, %parallel_loop3A_240 : i32
          %parallel_loop3A_242 = arith.constant 0 : i32
          %parallel_loop3A_243 = arith.cmpi slt, %parallel_loop3A_239, %parallel_loop3A_242 : i32
          %parallel_loop3A_244 = arith.constant 0 : i32
          %parallel_loop3A_245 = arith.cmpi slt, %parallel_loop3A_238, %parallel_loop3A_244 : i32
          %parallel_loop3A_246 = arith.xori %parallel_loop3A_243, %parallel_loop3A_245 : i1
          %parallel_loop3A_247 = arith.andi %parallel_loop3A_246, %parallel_loop3A_241 : i1
          %parallel_loop3A_248 = arith.addi %parallel_loop3A_239, %parallel_loop3A_238 : i32
          %parallel_loop3A_249 = arith.select %parallel_loop3A_247, %parallel_loop3A_248, %parallel_loop3A_239 : i32
          %parallel_loop3A_250 = arith.index_cast %parallel_loop3A_233 : i32 to index
          %parallel_loop3A_251 = arith.index_cast %parallel_loop3A_249 : i32 to index
          %parallel_loop3A_252 = arith.constant 0 : index
          %parallel_loop3A_253 = tpu.vector_load %arg8[%parallel_loop3A_250, %parallel_loop3A_251, %parallel_loop3A_252] {strides = array<i32>} : memref<8x8x128xf32, #tpu.memory_space<vmem>>, vector<16xf32>,
          tpu.vector_store %arg8[%parallel_loop3A_250, %parallel_loop3A_251, %parallel_loop3A_252], %parallel_loop3A_209 {strides = array<i32>} : memref<8x8x128xf32, #tpu.memory_space<vmem>>, vector<16xf32>,
          %parallel_loop3A_254 = arith.constant 1000 : i32
          %parallel_loop3A_255 = vector.broadcast %parallel_loop3A_254 : i32 to vector<16xi32>
          %parallel_loop3A_256 = arith.addi %parallel_loop3A_208, %parallel_loop3A_255 : vector<16xi32>
          scf.yield %parallel_loop3A_256 : vector<16xi32>
        } {sc.loop_unroll_factor = 8 : i64, sc.parallel_access}
        %add3A_145 = arith.constant 16 : i32
        %add3A_146 = arith.addi %add3A_137, %add3A_145 : i32
        %get3A_147 = arith.index_cast %add3A_146 : i32 to index
        %get3A_148 = tpu.vector_load %arg6[%get3A_147] {strides = array<i32>} : memref<40960xi32, #tpu.memory_space<vmem>>, vector<16xi32>,
        %parallel_loop3A_149 = arith.constant 0 : i32
        %parallel_loop3A_150 = arith.constant 1 : i32
        %parallel_loop3A_151 = scf.for %parallel_loop3A_207 = %parallel_loop3A_149 to %select_n3A step %parallel_loop3A_150 iter_args(%parallel_loop3A_208 = %get3A_148) -> (vector<16xi32>)  : i32 {
          %parallel_loop3A_209 = tpu.vector_load_idx %arg5[%parallel_loop3A_208] : memref<64000xf32, #tpu.memory_space<vmem>>[vector<16xi32>], vector<16xf32>,
          %parallel_loop3A_210 = arith.constant 8 : i32
          %parallel_loop3A_211 = arith.divsi %parallel_loop3A_207, %parallel_loop3A_210 : i32
          %parallel_loop3A_212 = arith.constant 0 : i32
          %parallel_loop3A_213 = arith.cmpi sgt, %parallel_loop3A_207, %parallel_loop3A_212 : i32
          %parallel_loop3A_214 = arith.extui %parallel_loop3A_213 : i1 to i32
          %parallel_loop3A_215 = arith.constant 0 : i32
          %parallel_loop3A_216 = arith.cmpi slt, %parallel_loop3A_207, %parallel_loop3A_215 : i32
          %parallel_loop3A_217 = arith.extui %parallel_loop3A_216 : i1 to i32
          %parallel_loop3A_218 = arith.subi %parallel_loop3A_214, %parallel_loop3A_217 : i32
          %parallel_loop3A_219 = arith.constant 0 : i32
          %parallel_loop3A_220 = arith.cmpi sgt, %parallel_loop3A_210, %parallel_loop3A_219 : i32
          %parallel_loop3A_221 = arith.extui %parallel_loop3A_220 : i1 to i32
          %parallel_loop3A_222 = arith.constant 0 : i32
          %parallel_loop3A_223 = arith.cmpi slt, %parallel_loop3A_210, %parallel_loop3A_222 : i32
          %parallel_loop3A_224 = arith.extui %parallel_loop3A_223 : i1 to i32
          %parallel_loop3A_225 = arith.subi %parallel_loop3A_221, %parallel_loop3A_224 : i32
          %parallel_loop3A_226 = arith.cmpi ne, %parallel_loop3A_218, %parallel_loop3A_225 : i32
          %parallel_loop3A_227 = arith.remsi %parallel_loop3A_207, %parallel_loop3A_210 : i32
          %parallel_loop3A_228 = arith.constant 0 : i32
          %parallel_loop3A_229 = arith.cmpi ne, %parallel_loop3A_227, %parallel_loop3A_228 : i32
          %parallel_loop3A_230 = arith.andi %parallel_loop3A_226, %parallel_loop3A_229 : i1
          %parallel_loop3A_231 = arith.constant 1 : i32
          %parallel_loop3A_232 = arith.subi %parallel_loop3A_211, %parallel_loop3A_231 : i32
          %parallel_loop3A_233 = arith.select %parallel_loop3A_230, %parallel_loop3A_232, %parallel_loop3A_211 : i32
          %parallel_loop3A_234 = arith.constant 8 : i32
          %parallel_loop3A_235 = arith.constant 0 : i32
          %parallel_loop3A_236 = arith.cmpi eq, %parallel_loop3A_234, %parallel_loop3A_235 : i32
          %parallel_loop3A_237 = arith.constant 1 : i32
          %parallel_loop3A_238 = arith.select %parallel_loop3A_236, %parallel_loop3A_237, %parallel_loop3A_234 : i32
          %parallel_loop3A_239 = arith.remsi %parallel_loop3A_207, %parallel_loop3A_238 : i32
          %parallel_loop3A_240 = arith.constant 0 : i32
          %parallel_loop3A_241 = arith.cmpi ne, %parallel_loop3A_239, %parallel_loop3A_240 : i32
          %parallel_loop3A_242 = arith.constant 0 : i32
          %parallel_loop3A_243 = arith.cmpi slt, %parallel_loop3A_239, %parallel_loop3A_242 : i32
          %parallel_loop3A_244 = arith.constant 0 : i32
          %parallel_loop3A_245 = arith.cmpi slt, %parallel_loop3A_238, %parallel_loop3A_244 : i32
          %parallel_loop3A_246 = arith.xori %parallel_loop3A_243, %parallel_loop3A_245 : i1
          %parallel_loop3A_247 = arith.andi %parallel_loop3A_246, %parallel_loop3A_241 : i1
          %parallel_loop3A_248 = arith.addi %parallel_loop3A_239, %parallel_loop3A_238 : i32
          %parallel_loop3A_249 = arith.select %parallel_loop3A_247, %parallel_loop3A_248, %parallel_loop3A_239 : i32
          %parallel_loop3A_250 = arith.index_cast %parallel_loop3A_233 : i32 to index
          %parallel_loop3A_251 = arith.index_cast %parallel_loop3A_249 : i32 to index
          %parallel_loop3A_252 = arith.constant 16 : index
          %parallel_loop3A_253 = tpu.vector_load %arg8[%parallel_loop3A_250, %parallel_loop3A_251, %parallel_loop3A_252] {strides = array<i32>} : memref<8x8x128xf32, #tpu.memory_space<vmem>>, vector<16xf32>,
          tpu.vector_store %arg8[%parallel_loop3A_250, %parallel_loop3A_251, %parallel_loop3A_252], %parallel_loop3A_209 {strides = array<i32>} : memref<8x8x128xf32, #tpu.memory_space<vmem>>, vector<16xf32>,
          %parallel_loop3A_254 = arith.constant 1000 : i32
          %parallel_loop3A_255 = vector.broadcast %parallel_loop3A_254 : i32 to vector<16xi32>
          %parallel_loop3A_256 = arith.addi %parallel_loop3A_208, %parallel_loop3A_255 : vector<16xi32>
          scf.yield %parallel_loop3A_256 : vector<16xi32>
        } {sc.loop_unroll_factor = 8 : i64, sc.parallel_access}
        %add3A_152 = arith.constant 32 : i32
        %add3A_153 = arith.addi %add3A_137, %add3A_152 : i32
        %get3A_154 = arith.index_cast %add3A_153 : i32 to index
        %get3A_155 = tpu.vector_load %arg6[%get3A_154] {strides = array<i32>} : memref<40960xi32, #tpu.memory_space<vmem>>, vector<16xi32>,
        %parallel_loop3A_156 = arith.constant 0 : i32
        %parallel_loop3A_157 = arith.constant 1 : i32
        %parallel_loop3A_158 = scf.for %parallel_loop3A_207 = %parallel_loop3A_156 to %select_n3A step %parallel_loop3A_157 iter_args(%parallel_loop3A_208 = %get3A_155) -> (vector<16xi32>)  : i32 {
          %parallel_loop3A_209 = tpu.vector_load_idx %arg5[%parallel_loop3A_208] : memref<64000xf32, #tpu.memory_space<vmem>>[vector<16xi32>], vector<16xf32>,
          %parallel_loop3A_210 = arith.constant 8 : i32
          %parallel_loop3A_211 = arith.divsi %parallel_loop3A_207, %parallel_loop3A_210 : i32
          %parallel_loop3A_212 = arith.constant 0 : i32
          %parallel_loop3A_213 = arith.cmpi sgt, %parallel_loop3A_207, %parallel_loop3A_212 : i32
          %parallel_loop3A_214 = arith.extui %parallel_loop3A_213 : i1 to i32
          %parallel_loop3A_215 = arith.constant 0 : i32
          %parallel_loop3A_216 = arith.cmpi slt, %parallel_loop3A_207, %parallel_loop3A_215 : i32
          %parallel_loop3A_217 = arith.extui %parallel_loop3A_216 : i1 to i32
          %parallel_loop3A_218 = arith.subi %parallel_loop3A_214, %parallel_loop3A_217 : i32
          %parallel_loop3A_219 = arith.constant 0 : i32
          %parallel_loop3A_220 = arith.cmpi sgt, %parallel_loop3A_210, %parallel_loop3A_219 : i32
          %parallel_loop3A_221 = arith.extui %parallel_loop3A_220 : i1 to i32
          %parallel_loop3A_222 = arith.constant 0 : i32
          %parallel_loop3A_223 = arith.cmpi slt, %parallel_loop3A_210, %parallel_loop3A_222 : i32
          %parallel_loop3A_224 = arith.extui %parallel_loop3A_223 : i1 to i32
          %parallel_loop3A_225 = arith.subi %parallel_loop3A_221, %parallel_loop3A_224 : i32
          %parallel_loop3A_226 = arith.cmpi ne, %parallel_loop3A_218, %parallel_loop3A_225 : i32
          %parallel_loop3A_227 = arith.remsi %parallel_loop3A_207, %parallel_loop3A_210 : i32
          %parallel_loop3A_228 = arith.constant 0 : i32
          %parallel_loop3A_229 = arith.cmpi ne, %parallel_loop3A_227, %parallel_loop3A_228 : i32
          %parallel_loop3A_230 = arith.andi %parallel_loop3A_226, %parallel_loop3A_229 : i1
          %parallel_loop3A_231 = arith.constant 1 : i32
          %parallel_loop3A_232 = arith.subi %parallel_loop3A_211, %parallel_loop3A_231 : i32
          %parallel_loop3A_233 = arith.select %parallel_loop3A_230, %parallel_loop3A_232, %parallel_loop3A_211 : i32
          %parallel_loop3A_234 = arith.constant 8 : i32
          %parallel_loop3A_235 = arith.constant 0 : i32
          %parallel_loop3A_236 = arith.cmpi eq, %parallel_loop3A_234, %parallel_loop3A_235 : i32
          %parallel_loop3A_237 = arith.constant 1 : i32
          %parallel_loop3A_238 = arith.select %parallel_loop3A_236, %parallel_loop3A_237, %parallel_loop3A_234 : i32
          %parallel_loop3A_239 = arith.remsi %parallel_loop3A_207, %parallel_loop3A_238 : i32
          %parallel_loop3A_240 = arith.constant 0 : i32
          %parallel_loop3A_241 = arith.cmpi ne, %parallel_loop3A_239, %parallel_loop3A_240 : i32
          %parallel_loop3A_242 = arith.constant 0 : i32
          %parallel_loop3A_243 = arith.cmpi slt, %parallel_loop3A_239, %parallel_loop3A_242 : i32
          %parallel_loop3A_244 = arith.constant 0 : i32
          %parallel_loop3A_245 = arith.cmpi slt, %parallel_loop3A_238, %parallel_loop3A_244 : i32
          %parallel_loop3A_246 = arith.xori %parallel_loop3A_243, %parallel_loop3A_245 : i1
          %parallel_loop3A_247 = arith.andi %parallel_loop3A_246, %parallel_loop3A_241 : i1
          %parallel_loop3A_248 = arith.addi %parallel_loop3A_239, %parallel_loop3A_238 : i32
          %parallel_loop3A_249 = arith.select %parallel_loop3A_247, %parallel_loop3A_248, %parallel_loop3A_239 : i32
          %parallel_loop3A_250 = arith.index_cast %parallel_loop3A_233 : i32 to index
          %parallel_loop3A_251 = arith.index_cast %parallel_loop3A_249 : i32 to index
          %parallel_loop3A_252 = arith.constant 32 : index
          %parallel_loop3A_253 = tpu.vector_load %arg8[%parallel_loop3A_250, %parallel_loop3A_251, %parallel_loop3A_252] {strides = array<i32>} : memref<8x8x128xf32, #tpu.memory_space<vmem>>, vector<16xf32>,
          tpu.vector_store %arg8[%parallel_loop3A_250, %parallel_loop3A_251, %parallel_loop3A_252], %parallel_loop3A_209 {strides = array<i32>} : memref<8x8x128xf32, #tpu.memory_space<vmem>>, vector<16xf32>,
          %parallel_loop3A_254 = arith.constant 1000 : i32
          %parallel_loop3A_255 = vector.broadcast %parallel_loop3A_254 : i32 to vector<16xi32>
          %parallel_loop3A_256 = arith.addi %parallel_loop3A_208, %parallel_loop3A_255 : vector<16xi32>
          scf.yield %parallel_loop3A_256 : vector<16xi32>
        } {sc.loop_unroll_factor = 8 : i64, sc.parallel_access}
        %add3A_159 = arith.constant 48 : i32
        %add3A_160 = arith.addi %add3A_137, %add3A_159 : i32
        %get3A_161 = arith.index_cast %add3A_160 : i32 to index
        %get3A_162 = tpu.vector_load %arg6[%get3A_161] {strides = array<i32>} : memref<40960xi32, #tpu.memory_space<vmem>>, vector<16xi32>,
        %parallel_loop3A_163 = arith.constant 0 : i32
        %parallel_loop3A_164 = arith.constant 1 : i32
        %parallel_loop3A_165 = scf.for %parallel_loop3A_207 = %parallel_loop3A_163 to %select_n3A step %parallel_loop3A_164 iter_args(%parallel_loop3A_208 = %get3A_162) -> (vector<16xi32>)  : i32 {
          %parallel_loop3A_209 = tpu.vector_load_idx %arg5[%parallel_loop3A_208] : memref<64000xf32, #tpu.memory_space<vmem>>[vector<16xi32>], vector<16xf32>,
          %parallel_loop3A_210 = arith.constant 8 : i32
          %parallel_loop3A_211 = arith.divsi %parallel_loop3A_207, %parallel_loop3A_210 : i32
          %parallel_loop3A_212 = arith.constant 0 : i32
          %parallel_loop3A_213 = arith.cmpi sgt, %parallel_loop3A_207, %parallel_loop3A_212 : i32
          %parallel_loop3A_214 = arith.extui %parallel_loop3A_213 : i1 to i32
          %parallel_loop3A_215 = arith.constant 0 : i32
          %parallel_loop3A_216 = arith.cmpi slt, %parallel_loop3A_207, %parallel_loop3A_215 : i32
          %parallel_loop3A_217 = arith.extui %parallel_loop3A_216 : i1 to i32
          %parallel_loop3A_218 = arith.subi %parallel_loop3A_214, %parallel_loop3A_217 : i32
          %parallel_loop3A_219 = arith.constant 0 : i32
          %parallel_loop3A_220 = arith.cmpi sgt, %parallel_loop3A_210, %parallel_loop3A_219 : i32
          %parallel_loop3A_221 = arith.extui %parallel_loop3A_220 : i1 to i32
          %parallel_loop3A_222 = arith.constant 0 : i32
          %parallel_loop3A_223 = arith.cmpi slt, %parallel_loop3A_210, %parallel_loop3A_222 : i32
          %parallel_loop3A_224 = arith.extui %parallel_loop3A_223 : i1 to i32
          %parallel_loop3A_225 = arith.subi %parallel_loop3A_221, %parallel_loop3A_224 : i32
          %parallel_loop3A_226 = arith.cmpi ne, %parallel_loop3A_218, %parallel_loop3A_225 : i32
          %parallel_loop3A_227 = arith.remsi %parallel_loop3A_207, %parallel_loop3A_210 : i32
          %parallel_loop3A_228 = arith.constant 0 : i32
          %parallel_loop3A_229 = arith.cmpi ne, %parallel_loop3A_227, %parallel_loop3A_228 : i32
          %parallel_loop3A_230 = arith.andi %parallel_loop3A_226, %parallel_loop3A_229 : i1
          %parallel_loop3A_231 = arith.constant 1 : i32
          %parallel_loop3A_232 = arith.subi %parallel_loop3A_211, %parallel_loop3A_231 : i32
          %parallel_loop3A_233 = arith.select %parallel_loop3A_230, %parallel_loop3A_232, %parallel_loop3A_211 : i32
          %parallel_loop3A_234 = arith.constant 8 : i32
          %parallel_loop3A_235 = arith.constant 0 : i32
          %parallel_loop3A_236 = arith.cmpi eq, %parallel_loop3A_234, %parallel_loop3A_235 : i32
          %parallel_loop3A_237 = arith.constant 1 : i32
          %parallel_loop3A_238 = arith.select %parallel_loop3A_236, %parallel_loop3A_237, %parallel_loop3A_234 : i32
          %parallel_loop3A_239 = arith.remsi %parallel_loop3A_207, %parallel_loop3A_238 : i32
          %parallel_loop3A_240 = arith.constant 0 : i32
          %parallel_loop3A_241 = arith.cmpi ne, %parallel_loop3A_239, %parallel_loop3A_240 : i32
          %parallel_loop3A_242 = arith.constant 0 : i32
          %parallel_loop3A_243 = arith.cmpi slt, %parallel_loop3A_239, %parallel_loop3A_242 : i32
          %parallel_loop3A_244 = arith.constant 0 : i32
          %parallel_loop3A_245 = arith.cmpi slt, %parallel_loop3A_238, %parallel_loop3A_244 : i32
          %parallel_loop3A_246 = arith.xori %parallel_loop3A_243, %parallel_loop3A_245 : i1
          %parallel_loop3A_247 = arith.andi %parallel_loop3A_246, %parallel_loop3A_241 : i1
          %parallel_loop3A_248 = arith.addi %parallel_loop3A_239, %parallel_loop3A_238 : i32
          %parallel_loop3A_249 = arith.select %parallel_loop3A_247, %parallel_loop3A_248, %parallel_loop3A_239 : i32
          %parallel_loop3A_250 = arith.index_cast %parallel_loop3A_233 : i32 to index
          %parallel_loop3A_251 = arith.index_cast %parallel_loop3A_249 : i32 to index
          %parallel_loop3A_252 = arith.constant 48 : index
          %parallel_loop3A_253 = tpu.vector_load %arg8[%parallel_loop3A_250, %parallel_loop3A_251, %parallel_loop3A_252] {strides = array<i32>} : memref<8x8x128xf32, #tpu.memory_space<vmem>>, vector<16xf32>,
          tpu.vector_store %arg8[%parallel_loop3A_250, %parallel_loop3A_251, %parallel_loop3A_252], %parallel_loop3A_209 {strides = array<i32>} : memref<8x8x128xf32, #tpu.memory_space<vmem>>, vector<16xf32>,
          %parallel_loop3A_254 = arith.constant 1000 : i32
          %parallel_loop3A_255 = vector.broadcast %parallel_loop3A_254 : i32 to vector<16xi32>
          %parallel_loop3A_256 = arith.addi %parallel_loop3A_208, %parallel_loop3A_255 : vector<16xi32>
          scf.yield %parallel_loop3A_256 : vector<16xi32>
        } {sc.loop_unroll_factor = 8 : i64, sc.parallel_access}
        %add3A_166 = arith.constant 64 : i32
        %add3A_167 = arith.addi %add3A_137, %add3A_166 : i32
        %get3A_168 = arith.index_cast %add3A_167 : i32 to index
        %get3A_169 = tpu.vector_load %arg6[%get3A_168] {strides = array<i32>} : memref<40960xi32, #tpu.memory_space<vmem>>, vector<16xi32>,
        %parallel_loop3A_170 = arith.constant 0 : i32
        %parallel_loop3A_171 = arith.constant 1 : i32
        %parallel_loop3A_172 = scf.for %parallel_loop3A_207 = %parallel_loop3A_170 to %select_n3A step %parallel_loop3A_171 iter_args(%parallel_loop3A_208 = %get3A_169) -> (vector<16xi32>)  : i32 {
          %parallel_loop3A_209 = tpu.vector_load_idx %arg5[%parallel_loop3A_208] : memref<64000xf32, #tpu.memory_space<vmem>>[vector<16xi32>], vector<16xf32>,
          %parallel_loop3A_210 = arith.constant 8 : i32
          %parallel_loop3A_211 = arith.divsi %parallel_loop3A_207, %parallel_loop3A_210 : i32
          %parallel_loop3A_212 = arith.constant 0 : i32
          %parallel_loop3A_213 = arith.cmpi sgt, %parallel_loop3A_207, %parallel_loop3A_212 : i32
          %parallel_loop3A_214 = arith.extui %parallel_loop3A_213 : i1 to i32
          %parallel_loop3A_215 = arith.constant 0 : i32
          %parallel_loop3A_216 = arith.cmpi slt, %parallel_loop3A_207, %parallel_loop3A_215 : i32
          %parallel_loop3A_217 = arith.extui %parallel_loop3A_216 : i1 to i32
          %parallel_loop3A_218 = arith.subi %parallel_loop3A_214, %parallel_loop3A_217 : i32
          %parallel_loop3A_219 = arith.constant 0 : i32
          %parallel_loop3A_220 = arith.cmpi sgt, %parallel_loop3A_210, %parallel_loop3A_219 : i32
          %parallel_loop3A_221 = arith.extui %parallel_loop3A_220 : i1 to i32
          %parallel_loop3A_222 = arith.constant 0 : i32
          %parallel_loop3A_223 = arith.cmpi slt, %parallel_loop3A_210, %parallel_loop3A_222 : i32
          %parallel_loop3A_224 = arith.extui %parallel_loop3A_223 : i1 to i32
          %parallel_loop3A_225 = arith.subi %parallel_loop3A_221, %parallel_loop3A_224 : i32
          %parallel_loop3A_226 = arith.cmpi ne, %parallel_loop3A_218, %parallel_loop3A_225 : i32
          %parallel_loop3A_227 = arith.remsi %parallel_loop3A_207, %parallel_loop3A_210 : i32
          %parallel_loop3A_228 = arith.constant 0 : i32
          %parallel_loop3A_229 = arith.cmpi ne, %parallel_loop3A_227, %parallel_loop3A_228 : i32
          %parallel_loop3A_230 = arith.andi %parallel_loop3A_226, %parallel_loop3A_229 : i1
          %parallel_loop3A_231 = arith.constant 1 : i32
          %parallel_loop3A_232 = arith.subi %parallel_loop3A_211, %parallel_loop3A_231 : i32
          %parallel_loop3A_233 = arith.select %parallel_loop3A_230, %parallel_loop3A_232, %parallel_loop3A_211 : i32
          %parallel_loop3A_234 = arith.constant 8 : i32
          %parallel_loop3A_235 = arith.constant 0 : i32
          %parallel_loop3A_236 = arith.cmpi eq, %parallel_loop3A_234, %parallel_loop3A_235 : i32
          %parallel_loop3A_237 = arith.constant 1 : i32
          %parallel_loop3A_238 = arith.select %parallel_loop3A_236, %parallel_loop3A_237, %parallel_loop3A_234 : i32
          %parallel_loop3A_239 = arith.remsi %parallel_loop3A_207, %parallel_loop3A_238 : i32
          %parallel_loop3A_240 = arith.constant 0 : i32
          %parallel_loop3A_241 = arith.cmpi ne, %parallel_loop3A_239, %parallel_loop3A_240 : i32
          %parallel_loop3A_242 = arith.constant 0 : i32
          %parallel_loop3A_243 = arith.cmpi slt, %parallel_loop3A_239, %parallel_loop3A_242 : i32
          %parallel_loop3A_244 = arith.constant 0 : i32
          %parallel_loop3A_245 = arith.cmpi slt, %parallel_loop3A_238, %parallel_loop3A_244 : i32
          %parallel_loop3A_246 = arith.xori %parallel_loop3A_243, %parallel_loop3A_245 : i1
          %parallel_loop3A_247 = arith.andi %parallel_loop3A_246, %parallel_loop3A_241 : i1
          %parallel_loop3A_248 = arith.addi %parallel_loop3A_239, %parallel_loop3A_238 : i32
          %parallel_loop3A_249 = arith.select %parallel_loop3A_247, %parallel_loop3A_248, %parallel_loop3A_239 : i32
          %parallel_loop3A_250 = arith.index_cast %parallel_loop3A_233 : i32 to index
          %parallel_loop3A_251 = arith.index_cast %parallel_loop3A_249 : i32 to index
          %parallel_loop3A_252 = arith.constant 64 : index
          %parallel_loop3A_253 = tpu.vector_load %arg8[%parallel_loop3A_250, %parallel_loop3A_251, %parallel_loop3A_252] {strides = array<i32>} : memref<8x8x128xf32, #tpu.memory_space<vmem>>, vector<16xf32>,
          tpu.vector_store %arg8[%parallel_loop3A_250, %parallel_loop3A_251, %parallel_loop3A_252], %parallel_loop3A_209 {strides = array<i32>} : memref<8x8x128xf32, #tpu.memory_space<vmem>>, vector<16xf32>,
          %parallel_loop3A_254 = arith.constant 1000 : i32
          %parallel_loop3A_255 = vector.broadcast %parallel_loop3A_254 : i32 to vector<16xi32>
          %parallel_loop3A_256 = arith.addi %parallel_loop3A_208, %parallel_loop3A_255 : vector<16xi32>
          scf.yield %parallel_loop3A_256 : vector<16xi32>
        } {sc.loop_unroll_factor = 8 : i64, sc.parallel_access}
        %add3A_173 = arith.constant 80 : i32
        %add3A_174 = arith.addi %add3A_137, %add3A_173 : i32
        %get3A_175 = arith.index_cast %add3A_174 : i32 to index
        %get3A_176 = tpu.vector_load %arg6[%get3A_175] {strides = array<i32>} : memref<40960xi32, #tpu.memory_space<vmem>>, vector<16xi32>,
        %parallel_loop3A_177 = arith.constant 0 : i32
        %parallel_loop3A_178 = arith.constant 1 : i32
        %parallel_loop3A_179 = scf.for %parallel_loop3A_207 = %parallel_loop3A_177 to %select_n3A step %parallel_loop3A_178 iter_args(%parallel_loop3A_208 = %get3A_176) -> (vector<16xi32>)  : i32 {
          %parallel_loop3A_209 = tpu.vector_load_idx %arg5[%parallel_loop3A_208] : memref<64000xf32, #tpu.memory_space<vmem>>[vector<16xi32>], vector<16xf32>,
          %parallel_loop3A_210 = arith.constant 8 : i32
          %parallel_loop3A_211 = arith.divsi %parallel_loop3A_207, %parallel_loop3A_210 : i32
          %parallel_loop3A_212 = arith.constant 0 : i32
          %parallel_loop3A_213 = arith.cmpi sgt, %parallel_loop3A_207, %parallel_loop3A_212 : i32
          %parallel_loop3A_214 = arith.extui %parallel_loop3A_213 : i1 to i32
          %parallel_loop3A_215 = arith.constant 0 : i32
          %parallel_loop3A_216 = arith.cmpi slt, %parallel_loop3A_207, %parallel_loop3A_215 : i32
          %parallel_loop3A_217 = arith.extui %parallel_loop3A_216 : i1 to i32
          %parallel_loop3A_218 = arith.subi %parallel_loop3A_214, %parallel_loop3A_217 : i32
          %parallel_loop3A_219 = arith.constant 0 : i32
          %parallel_loop3A_220 = arith.cmpi sgt, %parallel_loop3A_210, %parallel_loop3A_219 : i32
          %parallel_loop3A_221 = arith.extui %parallel_loop3A_220 : i1 to i32
          %parallel_loop3A_222 = arith.constant 0 : i32
          %parallel_loop3A_223 = arith.cmpi slt, %parallel_loop3A_210, %parallel_loop3A_222 : i32
          %parallel_loop3A_224 = arith.extui %parallel_loop3A_223 : i1 to i32
          %parallel_loop3A_225 = arith.subi %parallel_loop3A_221, %parallel_loop3A_224 : i32
          %parallel_loop3A_226 = arith.cmpi ne, %parallel_loop3A_218, %parallel_loop3A_225 : i32
          %parallel_loop3A_227 = arith.remsi %parallel_loop3A_207, %parallel_loop3A_210 : i32
          %parallel_loop3A_228 = arith.constant 0 : i32
          %parallel_loop3A_229 = arith.cmpi ne, %parallel_loop3A_227, %parallel_loop3A_228 : i32
          %parallel_loop3A_230 = arith.andi %parallel_loop3A_226, %parallel_loop3A_229 : i1
          %parallel_loop3A_231 = arith.constant 1 : i32
          %parallel_loop3A_232 = arith.subi %parallel_loop3A_211, %parallel_loop3A_231 : i32
          %parallel_loop3A_233 = arith.select %parallel_loop3A_230, %parallel_loop3A_232, %parallel_loop3A_211 : i32
          %parallel_loop3A_234 = arith.constant 8 : i32
          %parallel_loop3A_235 = arith.constant 0 : i32
          %parallel_loop3A_236 = arith.cmpi eq, %parallel_loop3A_234, %parallel_loop3A_235 : i32
          %parallel_loop3A_237 = arith.constant 1 : i32
          %parallel_loop3A_238 = arith.select %parallel_loop3A_236, %parallel_loop3A_237, %parallel_loop3A_234 : i32
          %parallel_loop3A_239 = arith.remsi %parallel_loop3A_207, %parallel_loop3A_238 : i32
          %parallel_loop3A_240 = arith.constant 0 : i32
          %parallel_loop3A_241 = arith.cmpi ne, %parallel_loop3A_239, %parallel_loop3A_240 : i32
          %parallel_loop3A_242 = arith.constant 0 : i32
          %parallel_loop3A_243 = arith.cmpi slt, %parallel_loop3A_239, %parallel_loop3A_242 : i32
          %parallel_loop3A_244 = arith.constant 0 : i32
          %parallel_loop3A_245 = arith.cmpi slt, %parallel_loop3A_238, %parallel_loop3A_244 : i32
          %parallel_loop3A_246 = arith.xori %parallel_loop3A_243, %parallel_loop3A_245 : i1
          %parallel_loop3A_247 = arith.andi %parallel_loop3A_246, %parallel_loop3A_241 : i1
          %parallel_loop3A_248 = arith.addi %parallel_loop3A_239, %parallel_loop3A_238 : i32
          %parallel_loop3A_249 = arith.select %parallel_loop3A_247, %parallel_loop3A_248, %parallel_loop3A_239 : i32
          %parallel_loop3A_250 = arith.index_cast %parallel_loop3A_233 : i32 to index
          %parallel_loop3A_251 = arith.index_cast %parallel_loop3A_249 : i32 to index
          %parallel_loop3A_252 = arith.constant 80 : index
          %parallel_loop3A_253 = tpu.vector_load %arg8[%parallel_loop3A_250, %parallel_loop3A_251, %parallel_loop3A_252] {strides = array<i32>} : memref<8x8x128xf32, #tpu.memory_space<vmem>>, vector<16xf32>,
          tpu.vector_store %arg8[%parallel_loop3A_250, %parallel_loop3A_251, %parallel_loop3A_252], %parallel_loop3A_209 {strides = array<i32>} : memref<8x8x128xf32, #tpu.memory_space<vmem>>, vector<16xf32>,
          %parallel_loop3A_254 = arith.constant 1000 : i32
          %parallel_loop3A_255 = vector.broadcast %parallel_loop3A_254 : i32 to vector<16xi32>
          %parallel_loop3A_256 = arith.addi %parallel_loop3A_208, %parallel_loop3A_255 : vector<16xi32>
          scf.yield %parallel_loop3A_256 : vector<16xi32>
        } {sc.loop_unroll_factor = 8 : i64, sc.parallel_access}
        %add3A_180 = arith.constant 96 : i32
        %add3A_181 = arith.addi %add3A_137, %add3A_180 : i32
        %get3A_182 = arith.index_cast %add3A_181 : i32 to index
        %get3A_183 = tpu.vector_load %arg6[%get3A_182] {strides = array<i32>} : memref<40960xi32, #tpu.memory_space<vmem>>, vector<16xi32>,
        %parallel_loop3A_184 = arith.constant 0 : i32
        %parallel_loop3A_185 = arith.constant 1 : i32
        %parallel_loop3A_186 = scf.for %parallel_loop3A_207 = %parallel_loop3A_184 to %select_n3A step %parallel_loop3A_185 iter_args(%parallel_loop3A_208 = %get3A_183) -> (vector<16xi32>)  : i32 {
          %parallel_loop3A_209 = tpu.vector_load_idx %arg5[%parallel_loop3A_208] : memref<64000xf32, #tpu.memory_space<vmem>>[vector<16xi32>], vector<16xf32>,
          %parallel_loop3A_210 = arith.constant 8 : i32
          %parallel_loop3A_211 = arith.divsi %parallel_loop3A_207, %parallel_loop3A_210 : i32
          %parallel_loop3A_212 = arith.constant 0 : i32
          %parallel_loop3A_213 = arith.cmpi sgt, %parallel_loop3A_207, %parallel_loop3A_212 : i32
          %parallel_loop3A_214 = arith.extui %parallel_loop3A_213 : i1 to i32
          %parallel_loop3A_215 = arith.constant 0 : i32
          %parallel_loop3A_216 = arith.cmpi slt, %parallel_loop3A_207, %parallel_loop3A_215 : i32
          %parallel_loop3A_217 = arith.extui %parallel_loop3A_216 : i1 to i32
          %parallel_loop3A_218 = arith.subi %parallel_loop3A_214, %parallel_loop3A_217 : i32
          %parallel_loop3A_219 = arith.constant 0 : i32
          %parallel_loop3A_220 = arith.cmpi sgt, %parallel_loop3A_210, %parallel_loop3A_219 : i32
          %parallel_loop3A_221 = arith.extui %parallel_loop3A_220 : i1 to i32
          %parallel_loop3A_222 = arith.constant 0 : i32
          %parallel_loop3A_223 = arith.cmpi slt, %parallel_loop3A_210, %parallel_loop3A_222 : i32
          %parallel_loop3A_224 = arith.extui %parallel_loop3A_223 : i1 to i32
          %parallel_loop3A_225 = arith.subi %parallel_loop3A_221, %parallel_loop3A_224 : i32
          %parallel_loop3A_226 = arith.cmpi ne, %parallel_loop3A_218, %parallel_loop3A_225 : i32
          %parallel_loop3A_227 = arith.remsi %parallel_loop3A_207, %parallel_loop3A_210 : i32
          %parallel_loop3A_228 = arith.constant 0 : i32
          %parallel_loop3A_229 = arith.cmpi ne, %parallel_loop3A_227, %parallel_loop3A_228 : i32
          %parallel_loop3A_230 = arith.andi %parallel_loop3A_226, %parallel_loop3A_229 : i1
          %parallel_loop3A_231 = arith.constant 1 : i32
          %parallel_loop3A_232 = arith.subi %parallel_loop3A_211, %parallel_loop3A_231 : i32
          %parallel_loop3A_233 = arith.select %parallel_loop3A_230, %parallel_loop3A_232, %parallel_loop3A_211 : i32
          %parallel_loop3A_234 = arith.constant 8 : i32
          %parallel_loop3A_235 = arith.constant 0 : i32
          %parallel_loop3A_236 = arith.cmpi eq, %parallel_loop3A_234, %parallel_loop3A_235 : i32
          %parallel_loop3A_237 = arith.constant 1 : i32
          %parallel_loop3A_238 = arith.select %parallel_loop3A_236, %parallel_loop3A_237, %parallel_loop3A_234 : i32
          %parallel_loop3A_239 = arith.remsi %parallel_loop3A_207, %parallel_loop3A_238 : i32
          %parallel_loop3A_240 = arith.constant 0 : i32
          %parallel_loop3A_241 = arith.cmpi ne, %parallel_loop3A_239, %parallel_loop3A_240 : i32
          %parallel_loop3A_242 = arith.constant 0 : i32
          %parallel_loop3A_243 = arith.cmpi slt, %parallel_loop3A_239, %parallel_loop3A_242 : i32
          %parallel_loop3A_244 = arith.constant 0 : i32
          %parallel_loop3A_245 = arith.cmpi slt, %parallel_loop3A_238, %parallel_loop3A_244 : i32
          %parallel_loop3A_246 = arith.xori %parallel_loop3A_243, %parallel_loop3A_245 : i1
          %parallel_loop3A_247 = arith.andi %parallel_loop3A_246, %parallel_loop3A_241 : i1
          %parallel_loop3A_248 = arith.addi %parallel_loop3A_239, %parallel_loop3A_238 : i32
          %parallel_loop3A_249 = arith.select %parallel_loop3A_247, %parallel_loop3A_248, %parallel_loop3A_239 : i32
          %parallel_loop3A_250 = arith.index_cast %parallel_loop3A_233 : i32 to index
          %parallel_loop3A_251 = arith.index_cast %parallel_loop3A_249 : i32 to index
          %parallel_loop3A_252 = arith.constant 96 : index
          %parallel_loop3A_253 = tpu.vector_load %arg8[%parallel_loop3A_250, %parallel_loop3A_251, %parallel_loop3A_252] {strides = array<i32>} : memref<8x8x128xf32, #tpu.memory_space<vmem>>, vector<16xf32>,
          tpu.vector_store %arg8[%parallel_loop3A_250, %parallel_loop3A_251, %parallel_loop3A_252], %parallel_loop3A_209 {strides = array<i32>} : memref<8x8x128xf32, #tpu.memory_space<vmem>>, vector<16xf32>,
          %parallel_loop3A_254 = arith.constant 1000 : i32
          %parallel_loop3A_255 = vector.broadcast %parallel_loop3A_254 : i32 to vector<16xi32>
          %parallel_loop3A_256 = arith.addi %parallel_loop3A_208, %parallel_loop3A_255 : vector<16xi32>
          scf.yield %parallel_loop3A_256 : vector<16xi32>
        } {sc.loop_unroll_factor = 8 : i64, sc.parallel_access}
        %add3A_187 = arith.constant 112 : i32
        %add3A_188 = arith.addi %add3A_137, %add3A_187 : i32
        %get3A_189 = arith.index_cast %add3A_188 : i32 to index
        %get3A_190 = tpu.vector_load %arg6[%get3A_189] {strides = array<i32>} : memref<40960xi32, #tpu.memory_space<vmem>>, vector<16xi32>,
        %parallel_loop3A_191 = arith.constant 0 : i32
        %parallel_loop3A_192 = arith.constant 1 : i32
        %parallel_loop3A_193 = scf.for %parallel_loop3A_207 = %parallel_loop3A_191 to %select_n3A step %parallel_loop3A_192 iter_args(%parallel_loop3A_208 = %get3A_190) -> (vector<16xi32>)  : i32 {
          %parallel_loop3A_209 = tpu.vector_load_idx %arg5[%parallel_loop3A_208] : memref<64000xf32, #tpu.memory_space<vmem>>[vector<16xi32>], vector<16xf32>,
          %parallel_loop3A_210 = arith.constant 8 : i32
          %parallel_loop3A_211 = arith.divsi %parallel_loop3A_207, %parallel_loop3A_210 : i32
          %parallel_loop3A_212 = arith.constant 0 : i32
          %parallel_loop3A_213 = arith.cmpi sgt, %parallel_loop3A_207, %parallel_loop3A_212 : i32
          %parallel_loop3A_214 = arith.extui %parallel_loop3A_213 : i1 to i32
          %parallel_loop3A_215 = arith.constant 0 : i32
          %parallel_loop3A_216 = arith.cmpi slt, %parallel_loop3A_207, %parallel_loop3A_215 : i32
          %parallel_loop3A_217 = arith.extui %parallel_loop3A_216 : i1 to i32
          %parallel_loop3A_218 = arith.subi %parallel_loop3A_214, %parallel_loop3A_217 : i32
          %parallel_loop3A_219 = arith.constant 0 : i32
          %parallel_loop3A_220 = arith.cmpi sgt, %parallel_loop3A_210, %parallel_loop3A_219 : i32
          %parallel_loop3A_221 = arith.extui %parallel_loop3A_220 : i1 to i32
          %parallel_loop3A_222 = arith.constant 0 : i32
          %parallel_loop3A_223 = arith.cmpi slt, %parallel_loop3A_210, %parallel_loop3A_222 : i32
          %parallel_loop3A_224 = arith.extui %parallel_loop3A_223 : i1 to i32
          %parallel_loop3A_225 = arith.subi %parallel_loop3A_221, %parallel_loop3A_224 : i32
          %parallel_loop3A_226 = arith.cmpi ne, %parallel_loop3A_218, %parallel_loop3A_225 : i32
          %parallel_loop3A_227 = arith.remsi %parallel_loop3A_207, %parallel_loop3A_210 : i32
          %parallel_loop3A_228 = arith.constant 0 : i32
          %parallel_loop3A_229 = arith.cmpi ne, %parallel_loop3A_227, %parallel_loop3A_228 : i32
          %parallel_loop3A_230 = arith.andi %parallel_loop3A_226, %parallel_loop3A_229 : i1
          %parallel_loop3A_231 = arith.constant 1 : i32
          %parallel_loop3A_232 = arith.subi %parallel_loop3A_211, %parallel_loop3A_231 : i32
          %parallel_loop3A_233 = arith.select %parallel_loop3A_230, %parallel_loop3A_232, %parallel_loop3A_211 : i32
          %parallel_loop3A_234 = arith.constant 8 : i32
          %parallel_loop3A_235 = arith.constant 0 : i32
          %parallel_loop3A_236 = arith.cmpi eq, %parallel_loop3A_234, %parallel_loop3A_235 : i32
          %parallel_loop3A_237 = arith.constant 1 : i32
          %parallel_loop3A_238 = arith.select %parallel_loop3A_236, %parallel_loop3A_237, %parallel_loop3A_234 : i32
          %parallel_loop3A_239 = arith.remsi %parallel_loop3A_207, %parallel_loop3A_238 : i32
          %parallel_loop3A_240 = arith.constant 0 : i32
          %parallel_loop3A_241 = arith.cmpi ne, %parallel_loop3A_239, %parallel_loop3A_240 : i32
          %parallel_loop3A_242 = arith.constant 0 : i32
          %parallel_loop3A_243 = arith.cmpi slt, %parallel_loop3A_239, %parallel_loop3A_242 : i32
          %parallel_loop3A_244 = arith.constant 0 : i32
          %parallel_loop3A_245 = arith.cmpi slt, %parallel_loop3A_238, %parallel_loop3A_244 : i32
          %parallel_loop3A_246 = arith.xori %parallel_loop3A_243, %parallel_loop3A_245 : i1
          %parallel_loop3A_247 = arith.andi %parallel_loop3A_246, %parallel_loop3A_241 : i1
          %parallel_loop3A_248 = arith.addi %parallel_loop3A_239, %parallel_loop3A_238 : i32
          %parallel_loop3A_249 = arith.select %parallel_loop3A_247, %parallel_loop3A_248, %parallel_loop3A_239 : i32
          %parallel_loop3A_250 = arith.index_cast %parallel_loop3A_233 : i32 to index
          %parallel_loop3A_251 = arith.index_cast %parallel_loop3A_249 : i32 to index
          %parallel_loop3A_252 = arith.constant 112 : index
          %parallel_loop3A_253 = tpu.vector_load %arg8[%parallel_loop3A_250, %parallel_loop3A_251, %parallel_loop3A_252] {strides = array<i32>} : memref<8x8x128xf32, #tpu.memory_space<vmem>>, vector<16xf32>,
          tpu.vector_store %arg8[%parallel_loop3A_250, %parallel_loop3A_251, %parallel_loop3A_252], %parallel_loop3A_209 {strides = array<i32>} : memref<8x8x128xf32, #tpu.memory_space<vmem>>, vector<16xf32>,
          %parallel_loop3A_254 = arith.constant 1000 : i32
          %parallel_loop3A_255 = vector.broadcast %parallel_loop3A_254 : i32 to vector<16xi32>
          %parallel_loop3A_256 = arith.addi %parallel_loop3A_208, %parallel_loop3A_255 : vector<16xi32>
          scf.yield %parallel_loop3A_256 : vector<16xi32>
        } {sc.loop_unroll_factor = 8 : i64, sc.parallel_access}
        %mul3A_194 = arith.constant 16 : i32
        %mul3A_195 = arith.muli %arg0, %mul3A_194 : i32
        %add3A_196 = arith.addi %mul3A_195, %add3A_124 : i32
        %ne3A_197 = arith.constant 15 : i32
        %ne3A_198 = arith.cmpi ne, %arg1, %ne3A_197 : i32
        %convert_element_type3A_199 = arith.extui %ne3A_198 : i1 to i32
        %cond3A_200 = arith.constant 0 : i32
        %cond3A_201 = arith.cmpi ne, %convert_element_type3A_199, %cond3A_200 : i32
        scf.if %cond3A_201 {
          %dma_start3A = arith.constant 0 : i32
          %dma_start3A_207 = arith.constant 0 : i32
          %dma_start3A_208 = tpu.memref_slice %arg4[%scan3A_33, %mul3A_10, %add3A_196, %dma_start3A, %dma_start3A_207] : memref<20x125x32x8x128xf32, #tpu.memory_space<hbm>> -> memref<1x8x1x8x128xf32, #tpu.memory_space<hbm>>
          %dma_start3A_209 = tpu.memref_squeeze %dma_start3A_208 : memref<1x8x1x8x128xf32, #tpu.memory_space<hbm>> -> memref<8x8x128xf32, #tpu.memory_space<hbm>>
          %dma_start3A_210 = arith.constant 0 : i32
          %dma_start3A_211 = arith.constant 0 : i32
          %dma_start3A_212 = tpu.memref_slice %arg4[%scan3A_33, %mul3A_10, %add3A_196, %dma_start3A_210, %dma_start3A_211] : memref<20x125x32x8x128xf32, #tpu.memory_space<hbm>> -> memref<1x8x1x8x128xf32, #tpu.memory_space<hbm>>
          %dma_start3A_213 = tpu.memref_squeeze %dma_start3A_212 : memref<1x8x1x8x128xf32, #tpu.memory_space<hbm>> -> memref<8x8x128xf32, #tpu.memory_space<hbm>>
          tpu.enqueue_dma source(%arg8 : memref<8x8x128xf32, #tpu.memory_space<vmem>>) target(%dma_start3A_213 : memref<8x8x128xf32, #tpu.memory_space<hbm>>) target_semaphore(%arg10 : memref<!tpu.dma_semaphore, #tpu.memory_space<semaphore_mem>>)
        } else {
        }
        %eq3A_202 = arith.constant 15 : i32
        %eq3A_203 = arith.cmpi eq, %arg1, %eq3A_202 : i32
        %convert_element_type3A_204 = arith.extui %eq3A_203 : i1 to i32
        %cond3A_205 = arith.constant 0 : i32
        %cond3A_206 = arith.cmpi ne, %convert_element_type3A_204, %cond3A_205 : i32
        scf.if %cond3A_206 {
          %scan3A_207 = arith.constant 0 : i32
          %scan3A_208 = arith.constant 0 : i32
          %scan3A_209 = arith.constant 5 : i32
          %scan3A_210 = arith.addi %scan3A_208, %scan3A_209 : i32
          %scan3A_211 = arith.constant 1 : i32
          scf.for %scan3A_213 = %scan3A_208 to %scan3A_210 step %scan3A_211  : i32 {
            %add3A_214 = arith.addi %mul3A_10, %scan3A_213 : i32
            %dma_start3A = arith.constant 0 : i32
            %dma_start3A_215 = arith.constant 0 : i32
            %dma_start3A_216 = tpu.memref_slice %arg8[%scan3A_213, %dma_start3A, %dma_start3A_215] : memref<8x8x128xf32, #tpu.memory_space<vmem>> -> memref<1x8x128xf32, #tpu.memory_space<vmem>>
            %dma_start3A_217 = arith.constant 0 : i32
            %dma_start3A_218 = arith.constant 0 : i32
            %dma_start3A_219 = tpu.memref_slice %arg4[%scan3A_33, %add3A_214, %add3A_196, %dma_start3A_217, %dma_start3A_218] : memref<20x125x32x8x128xf32, #tpu.memory_space<hbm>> -> memref<1x1x1x8x128xf32, #tpu.memory_space<hbm>>
            %dma_start3A_220 = tpu.memref_squeeze %dma_start3A_219 : memref<1x1x1x8x128xf32, #tpu.memory_space<hbm>> -> memref<1x8x128xf32, #tpu.memory_space<hbm>>
            %dma_start3A_221 = arith.constant 0 : i32
            %dma_start3A_222 = arith.constant 0 : i32
            %dma_start3A_223 = tpu.memref_slice %arg4[%scan3A_33, %add3A_214, %add3A_196, %dma_start3A_221, %dma_start3A_222] : memref<20x125x32x8x128xf32, #tpu.memory_space<hbm>> -> memref<1x1x1x8x128xf32, #tpu.memory_space<hbm>>
            %dma_start3A_224 = tpu.memref_squeeze %dma_start3A_223 : memref<1x1x1x8x128xf32, #tpu.memory_space<hbm>> -> memref<1x8x128xf32, #tpu.memory_space<hbm>>
            %dma_start3A_225 = arith.constant 0 : i32
            %dma_start3A_226 = arith.constant 0 : i32
            %dma_start3A_227 = tpu.memref_slice %arg8[%scan3A_213, %dma_start3A_225, %dma_start3A_226] : memref<8x8x128xf32, #tpu.memory_space<vmem>> -> memref<1x8x128xf32, #tpu.memory_space<vmem>>
            tpu.enqueue_dma source(%dma_start3A_227 : memref<1x8x128xf32, #tpu.memory_space<vmem>>) target(%dma_start3A_224 : memref<1x8x128xf32, #tpu.memory_space<hbm>>) target_semaphore(%arg10 : memref<!tpu.dma_semaphore, #tpu.memory_space<semaphore_mem>>)
          }
          %scan3A_212 = arith.constant 5 : i32
        } else {
        }
      }
      %scan3A_38 = arith.constant 8 : i32
    }
    %scan3A_15 = arith.constant 20 : i32
    %ne3A = arith.constant 15 : i32
    %ne3A_16 = arith.cmpi ne, %arg1, %ne3A : i32
    %convert_element_type3A = arith.extui %ne3A_16 : i1 to i32
    %cond3A = arith.constant 0 : i32
    %cond3A_17 = arith.cmpi ne, %convert_element_type3A, %cond3A : i32
    scf.if %cond3A_17 {
      %dma_wait3A = arith.constant 0 : i32
      %dma_wait3A_33 = arith.constant 0 : i32
      %dma_wait3A_34 = arith.constant 0 : i32
      %dma_wait3A_35 = arith.constant 0 : i32
      %dma_wait3A_36 = arith.constant 0 : i32
      %dma_wait3A_37 = tpu.memref_slice %arg4[%dma_wait3A, %dma_wait3A_34, %dma_wait3A_33, %dma_wait3A_35, %dma_wait3A_36] : memref<20x125x32x8x128xf32, #tpu.memory_space<hbm>> -> memref<1x8x1x8x128xf32, #tpu.memory_space<hbm>>
      %dma_wait3A_38 = tpu.memref_squeeze %dma_wait3A_37 : memref<1x8x1x8x128xf32, #tpu.memory_space<hbm>> -> memref<8x8x128xf32, #tpu.memory_space<hbm>>
      %dma_wait3A_39 = arith.constant 0 : i32
      %dma_wait3A_40 = arith.constant 0 : i32
      %dma_wait3A_41 = arith.constant 0 : i32
      %dma_wait3A_42 = tpu.memref_slice %arg4[%dma_wait3A, %dma_wait3A_39, %dma_wait3A_33, %dma_wait3A_40, %dma_wait3A_41] : memref<20x125x32x8x128xf32, #tpu.memory_space<hbm>> -> memref<1x8x1x8x128xf32, #tpu.memory_space<hbm>>
      %dma_wait3A_43 = tpu.memref_squeeze %dma_wait3A_42 : memref<1x8x1x8x128xf32, #tpu.memory_space<hbm>> -> memref<8x8x128xf32, #tpu.memory_space<hbm>>
      tpu.wait_dma2 semaphore(%arg9 : memref<!tpu.dma_semaphore, #tpu.memory_space<semaphore_mem>>) src(%dma_wait3A_43 : memref<8x8x128xf32, #tpu.memory_space<hbm>>) dst(%arg7 : memref<8x8x128xf32, #tpu.memory_space<vmem>>)
    } else {
    }
    %eq3A_18 = arith.constant 15 : i32
    %eq3A_19 = arith.cmpi eq, %arg1, %eq3A_18 : i32
    %convert_element_type3A_20 = arith.extui %eq3A_19 : i1 to i32
    %cond3A_21 = arith.constant 0 : i32
    %cond3A_22 = arith.cmpi ne, %convert_element_type3A_20, %cond3A_21 : i32
    scf.if %cond3A_22 {
      %scan3A_33 = arith.constant 0 : i32
      %scan3A_34 = arith.constant 0 : i32
      %scan3A_35 = arith.constant 5 : i32
      %scan3A_36 = arith.addi %scan3A_34, %scan3A_35 : i32
      %scan3A_37 = arith.constant 1 : i32
      scf.for %scan3A_39 = %scan3A_34 to %scan3A_36 step %scan3A_37  : i32 {
        %dma_wait3A = arith.constant 0 : i32
        %dma_wait3A_40 = arith.constant 0 : i32
        %dma_wait3A_41 = arith.constant 0 : i32
        %dma_wait3A_42 = arith.constant 0 : i32
        %dma_wait3A_43 = arith.constant 0 : i32
        %dma_wait3A_44 = tpu.memref_slice %arg7[%dma_wait3A_41, %dma_wait3A_42, %dma_wait3A_43] : memref<8x8x128xf32, #tpu.memory_space<vmem>> -> memref<1x8x128xf32, #tpu.memory_space<vmem>>
        %dma_wait3A_45 = arith.constant 0 : i32
        %dma_wait3A_46 = arith.constant 0 : i32
        %dma_wait3A_47 = arith.constant 0 : i32
        %dma_wait3A_48 = tpu.memref_slice %arg4[%dma_wait3A, %dma_wait3A_45, %dma_wait3A_40, %dma_wait3A_46, %dma_wait3A_47] : memref<20x125x32x8x128xf32, #tpu.memory_space<hbm>> -> memref<1x1x1x8x128xf32, #tpu.memory_space<hbm>>
        %dma_wait3A_49 = tpu.memref_squeeze %dma_wait3A_48 : memref<1x1x1x8x128xf32, #tpu.memory_space<hbm>> -> memref<1x8x128xf32, #tpu.memory_space<hbm>>
        %dma_wait3A_50 = arith.constant 0 : i32
        %dma_wait3A_51 = arith.constant 0 : i32
        %dma_wait3A_52 = arith.constant 0 : i32
        %dma_wait3A_53 = tpu.memref_slice %arg7[%dma_wait3A_50, %dma_wait3A_51, %dma_wait3A_52] : memref<8x8x128xf32, #tpu.memory_space<vmem>> -> memref<1x8x128xf32, #tpu.memory_space<vmem>>
        %dma_wait3A_54 = arith.constant 0 : i32
        %dma_wait3A_55 = arith.constant 0 : i32
        %dma_wait3A_56 = arith.constant 0 : i32
        %dma_wait3A_57 = tpu.memref_slice %arg4[%dma_wait3A, %dma_wait3A_54, %dma_wait3A_40, %dma_wait3A_55, %dma_wait3A_56] : memref<20x125x32x8x128xf32, #tpu.memory_space<hbm>> -> memref<1x1x1x8x128xf32, #tpu.memory_space<hbm>>
        %dma_wait3A_58 = tpu.memref_squeeze %dma_wait3A_57 : memref<1x1x1x8x128xf32, #tpu.memory_space<hbm>> -> memref<1x8x128xf32, #tpu.memory_space<hbm>>
        tpu.wait_dma2 semaphore(%arg9 : memref<!tpu.dma_semaphore, #tpu.memory_space<semaphore_mem>>) src(%dma_wait3A_58 : memref<1x8x128xf32, #tpu.memory_space<hbm>>) dst(%dma_wait3A_53 : memref<1x8x128xf32, #tpu.memory_space<vmem>>)
      }
      %scan3A_38 = arith.constant 5 : i32
    } else {
    }
    %ne3A_23 = arith.constant 15 : i32
    %ne3A_24 = arith.cmpi ne, %arg1, %ne3A_23 : i32
    %convert_element_type3A_25 = arith.extui %ne3A_24 : i1 to i32
    %cond3A_26 = arith.constant 0 : i32
    %cond3A_27 = arith.cmpi ne, %convert_element_type3A_25, %cond3A_26 : i32
    scf.if %cond3A_27 {
      %dma_wait3A = arith.constant 0 : i32
      %dma_wait3A_33 = arith.constant 0 : i32
      %dma_wait3A_34 = arith.constant 0 : i32
      %dma_wait3A_35 = arith.constant 0 : i32
      %dma_wait3A_36 = arith.constant 0 : i32
      %dma_wait3A_37 = tpu.memref_slice %arg4[%dma_wait3A, %dma_wait3A_34, %dma_wait3A_33, %dma_wait3A_35, %dma_wait3A_36] : memref<20x125x32x8x128xf32, #tpu.memory_space<hbm>> -> memref<1x8x1x8x128xf32, #tpu.memory_space<hbm>>
      %dma_wait3A_38 = tpu.memref_squeeze %dma_wait3A_37 : memref<1x8x1x8x128xf32, #tpu.memory_space<hbm>> -> memref<8x8x128xf32, #tpu.memory_space<hbm>>
      %dma_wait3A_39 = arith.constant 0 : i32
      %dma_wait3A_40 = arith.constant 0 : i32
      %dma_wait3A_41 = arith.constant 0 : i32
      %dma_wait3A_42 = tpu.memref_slice %arg4[%dma_wait3A, %dma_wait3A_39, %dma_wait3A_33, %dma_wait3A_40, %dma_wait3A_41] : memref<20x125x32x8x128xf32, #tpu.memory_space<hbm>> -> memref<1x8x1x8x128xf32, #tpu.memory_space<hbm>>
      %dma_wait3A_43 = tpu.memref_squeeze %dma_wait3A_42 : memref<1x8x1x8x128xf32, #tpu.memory_space<hbm>> -> memref<8x8x128xf32, #tpu.memory_space<hbm>>
      tpu.wait_dma2 semaphore(%arg10 : memref<!tpu.dma_semaphore, #tpu.memory_space<semaphore_mem>>) src(%dma_wait3A_43 : memref<8x8x128xf32, #tpu.memory_space<hbm>>) dst(%arg8 : memref<8x8x128xf32, #tpu.memory_space<vmem>>)
    } else {
    }
    %eq3A_28 = arith.constant 15 : i32
    %eq3A_29 = arith.cmpi eq, %arg1, %eq3A_28 : i32
    %convert_element_type3A_30 = arith.extui %eq3A_29 : i1 to i32
    %cond3A_31 = arith.constant 0 : i32
    %cond3A_32 = arith.cmpi ne, %convert_element_type3A_30, %cond3A_31 : i32
    scf.if %cond3A_32 {
      %scan3A_33 = arith.constant 0 : i32
      %scan3A_34 = arith.constant 0 : i32
      %scan3A_35 = arith.constant 5 : i32
      %scan3A_36 = arith.addi %scan3A_34, %scan3A_35 : i32
      %scan3A_37 = arith.constant 1 : i32
      scf.for %scan3A_39 = %scan3A_34 to %scan3A_36 step %scan3A_37  : i32 {
        %dma_wait3A = arith.constant 0 : i32
        %dma_wait3A_40 = arith.constant 0 : i32
        %dma_wait3A_41 = arith.constant 0 : i32
        %dma_wait3A_42 = arith.constant 0 : i32
        %dma_wait3A_43 = arith.constant 0 : i32
        %dma_wait3A_44 = tpu.memref_slice %arg8[%dma_wait3A_41, %dma_wait3A_42, %dma_wait3A_43] : memref<8x8x128xf32, #tpu.memory_space<vmem>> -> memref<1x8x128xf32, #tpu.memory_space<vmem>>
        %dma_wait3A_45 = arith.constant 0 : i32
        %dma_wait3A_46 = arith.constant 0 : i32
        %dma_wait3A_47 = arith.constant 0 : i32
        %dma_wait3A_48 = tpu.memref_slice %arg4[%dma_wait3A, %dma_wait3A_45, %dma_wait3A_40, %dma_wait3A_46, %dma_wait3A_47] : memref<20x125x32x8x128xf32, #tpu.memory_space<hbm>> -> memref<1x1x1x8x128xf32, #tpu.memory_space<hbm>>
        %dma_wait3A_49 = tpu.memref_squeeze %dma_wait3A_48 : memref<1x1x1x8x128xf32, #tpu.memory_space<hbm>> -> memref<1x8x128xf32, #tpu.memory_space<hbm>>
        %dma_wait3A_50 = arith.constant 0 : i32
        %dma_wait3A_51 = arith.constant 0 : i32
        %dma_wait3A_52 = arith.constant 0 : i32
        %dma_wait3A_53 = tpu.memref_slice %arg8[%dma_wait3A_50, %dma_wait3A_51, %dma_wait3A_52] : memref<8x8x128xf32, #tpu.memory_space<vmem>> -> memref<1x8x128xf32, #tpu.memory_space<vmem>>
        %dma_wait3A_54 = arith.constant 0 : i32
        %dma_wait3A_55 = arith.constant 0 : i32
        %dma_wait3A_56 = arith.constant 0 : i32
        %dma_wait3A_57 = tpu.memref_slice %arg4[%dma_wait3A, %dma_wait3A_54, %dma_wait3A_40, %dma_wait3A_55, %dma_wait3A_56] : memref<20x125x32x8x128xf32, #tpu.memory_space<hbm>> -> memref<1x1x1x8x128xf32, #tpu.memory_space<hbm>>
        %dma_wait3A_58 = tpu.memref_squeeze %dma_wait3A_57 : memref<1x1x1x8x128xf32, #tpu.memory_space<hbm>> -> memref<1x8x128xf32, #tpu.memory_space<hbm>>
        tpu.wait_dma2 semaphore(%arg10 : memref<!tpu.dma_semaphore, #tpu.memory_space<semaphore_mem>>) src(%dma_wait3A_58 : memref<1x8x128xf32, #tpu.memory_space<hbm>>) dst(%dma_wait3A_53 : memref<1x8x128xf32, #tpu.memory_space<vmem>>)
      }
      %scan3A_38 = arith.constant 5 : i32
    } else {
    }
    return
  }
}

</mosaic_0001>

<sc_bundles>
// kernel: kernel.3.cloned.1.call-start
scs
__scs_entry_jumppad:
0x0: {  	(pc) =	sbr.rel $0x88, $3  }
0x1: {  	(tag) =	ssettag $0x0;
	lr =	simm.s32 $0x1  }
0x2: {  	[smem:$0x3F9F] =	sst lr;
	_ =	strace $0xD0000000  }
0x3: {  	_ = 	snop  }
0x4: {  	_ = 	snop  }
0x5: {  	_ = 	snop  }
0x6: {  	_ = 	snop  }
0x7: {  	_ = 	snop  }
__scs_overlays_trampoline_lowered:
0x8: {  	[smem:$0x3FAE] =	sst s0  }
0x9: {  	[smem:$0x3FAF] =	sst s1  }
0xa: {  	[smem:$0x3FB0] =	sst s2  }
0xb: {  	[smem:$0x3FB1] =	sst s3  }
0xc: {  	[smem:$0x3FB2] =	sst s4  }
0xd: {  	[smem:$0x3FB3] =	sst s5  }
0xe: {  	[smem:$0x3FB4] =	sst s6  }
0xf: {  	[smem:$0x3FB5] =	sst s7  }
0x10: {  	[smem:$0x3FB6] =	sst s8  }
0x11: {  	[smem:$0x3FB7] =	sst s9;
	s0 =	simm.s32 @!p0 $0x0  }
0x12: {  	s1 =	sld [smem:$0x3F9D];
	s0 =	simm.s32 @p0 $0x1  }
0x13: {  	[smem:$0x3FB8] =	sst s0;
	s0 =	simm.s32 @!p1 $0x0  }
0x14: {  	s2 =	sld [smem:$0x3F9C];
	s0 =	simm.s32 @p1 $0x1  }
0x15: {  	[smem:$0x3FB9] =	sst s0;
	s0 =	simm.s32 @!p2 $0x0  }
0x16: {  	s3 =	sld [smem:$0x3FDB];
	s0 =	simm.s32 @p2 $0x1  }
0x17: {  	s4 =	simm.s32 $0x1BF5;
	[smem:$0x3FBB] =	sst s0  }
0x18: {  	s0 =	sld [smem:$0x3F9E];
	_ =	swait.ge [sflag:s4], $0x0  }
0x19: {  	s7 =	sld [smem:$0x3F9F]  }
0x1a: {  	s8 =	sadd.s32 $0xFFFFE003, lr  }
0x1b: {  	s9 =	sadd.s32 $0xFFFFFEF7, lr;
	s5 =	simm.s32 $0xFFFFFFFF;
	p2 =	slt.u32 s8, $0xFFFFF086  }
0x1c: {  	p1 =	slt.u32 s9, $0xF7A;
	s5 =	simm.s32 @!p2 $0x0  }
0x1d: {  	s5 =	simm.s32 @p1 $0x1;
	p0 =	seq.s32 s7, s2  }
0x1e: {  	s7 =	smul.u32 @!p0 $0xF7A, s2;
	p2 =	seq.s32 @!p0 s5, $0x0  }
0x1f: {  	s9 =	smul.u32 $0xF7A, s1;
	s8 =	simm.s32 @!p0 $0x1BF5;
	p2 =	por !p2, p0  }
0x20: {  	[sflag:s8] =	ssyncset.s32 @!p0 $0xFFFFF086;
	s6 =	sadd.s32 @!p0 s3, s7;
	s7 =	simm.s32 @!p0 $0x108  }
0x21: {  	s3 =	sadd.s32 s3, s9;
	s6 =	sadd.s32 @!p0 $0x88, s6;
	s7 =	simm.s32 @p2 $0x1082  }
0x22: {  	[simem:s7], [sflag:s8] =	dma.local @!p0 [hbm:s6], $0xF7A  }
0x23: {  	s9 =	sor.u32 $0xD0000000, s2;
	s6 =	simm.s32 $0x108;
	_ =	swait.ge @!p0 [sflag:s8], $0x0  }
0x24: {  	s3 =	sadd.s32 $0x88, s3;
	s6 =	simm.s32 @!p1 $0x1082;
	[sflag:s4] =	ssyncset.s32 $0xFFFFF086  }
0x25: {  	[simem:s6], [sflag:s4] =	dma.local [hbm:s3], $0xF7A  }
0x26: {  	[smem:$0x3F9F] =	sst s1;
	(tag) =	ssettag s2;
	_ =	strace s9  }
0x27: {  	s1 =	sld [smem:$0x3FAF]  }
0x28: {  	s2 =	sld [smem:$0x3FB0]  }
0x29: {  	s4 =	sld [smem:$0x3FB2]  }
0x2a: {  	p0 =	seq.s32 s5, $0x0;
	s5 =	sld [smem:$0x3FB3]  }
0x2b: {  	s6 =	sld [smem:$0x3FB4]  }
0x2c: {  	s7 =	sld [smem:$0x3FB5]  }
0x2d: {  	s3 =	simm.s32 $0x108;
	s8 =	sld [smem:$0x3FB6]  }
0x2e: {  	s3 =	simm.s32 @!p0 $0x1082;
	s9 =	sld [smem:$0x3FB7]  }
0x2f: {  	lr =	sadd.s32 s0, s3;
	s0 =	sld [smem:$0x3FAE]  }
0x30: {  	s3 =	sld [smem:$0x3FB1]  }
0x31: {  	[smem:$0x3FBA] =	sst s10  }
0x32: {  	s10 =	sld [smem:$0x3FB8];
	_ =	sdelay $0x3  }
0x33: {  	p0 =	seq.s32 s10, $0x1;
	s10 =	sld [smem:$0x3FBA];
	_ =	sdelay $0x3  }
0x34: {  	[smem:$0x3FBA] =	sst s10  }
0x35: {  	s10 =	sld [smem:$0x3FB9];
	_ =	sdelay $0x3  }
0x36: {  	p1 =	seq.s32 s10, $0x1;
	s10 =	sld [smem:$0x3FBA];
	_ =	sdelay $0x3  }
0x37: {  	[smem:$0x3FBA] =	sst s10  }
0x38: {  	s10 =	sld [smem:$0x3FBB]  }
0x39: {  	_ = 	snop;
	(pc) =	sbr.ind lr, $3  }
0x3a: {  	_ = 	snop  }
0x3b: {  	_ = 	snop  }
0x3c: {  	p2 =	seq.s32 s10, $0x1;
	s10 =	sld [smem:$0x3FBA]  }
0x3d: {  	_ =	shalt  }
0x3e: {  	_ =	shalt  }
0x3f: {  	_ =	shalt  }
0x40: {  	_ =	shalt  }
0x41: {  	_ =	shalt  }
0x42: {  	_ =	shalt  }
0x43: {  	_ =	shalt  }
0x44: {  	_ =	shalt  }
0x45: {  	_ =	shalt  }
0x46: {  	_ =	shalt  }
0x47: {  	_ =	shalt  }
0x48: {  	_ =	shalt  }
0x49: {  	_ =	shalt  }
0x4a: {  	_ =	shalt  }
0x4b: {  	_ =	shalt  }
0x4c: {  	_ =	shalt  }
0x4d: {  	_ =	shalt  }
0x4e: {  	_ =	shalt  }
0x4f: {  	_ =	shalt  }
0x50: {  	_ =	shalt  }
0x51: {  	_ =	shalt  }
0x52: {  	_ =	shalt  }
0x53: {  	_ =	shalt  }
0x54: {  	_ =	shalt  }
0x55: {  	_ =	shalt  }
0x56: {  	_ =	shalt  }
0x57: {  	_ =	shalt  }
0x58: {  	_ =	shalt  }
0x59: {  	_ =	shalt  }
0x5a: {  	_ =	shalt  }
0x5b: {  	_ =	shalt  }
0x5c: {  	_ =	shalt  }
0x5d: {  	_ =	shalt  }
0x5e: {  	_ =	shalt  }
0x5f: {  	_ =	shalt  }
0x60: {  	_ =	shalt  }
0x61: {  	_ =	shalt  }
0x62: {  	_ =	shalt  }
0x63: {  	_ =	shalt  }
0x64: {  	_ =	shalt  }
0x65: {  	_ =	shalt  }
0x66: {  	_ =	shalt  }
0x67: {  	_ =	shalt  }
0x68: {  	_ =	shalt  }
0x69: {  	_ =	shalt  }
0x6a: {  	_ =	shalt  }
0x6b: {  	_ =	shalt  }
0x6c: {  	_ =	shalt  }
0x6d: {  	_ =	shalt  }
0x6e: {  	_ =	shalt  }
0x6f: {  	_ =	shalt  }
0x70: {  	_ =	shalt  }
0x71: {  	_ =	shalt  }
0x72: {  	_ =	shalt  }
0x73: {  	_ =	shalt  }
0x74: {  	_ =	shalt  }
0x75: {  	_ =	shalt  }
0x76: {  	_ =	shalt  }
0x77: {  	_ =	shalt  }
0x78: {  	_ =	shalt  }
0x79: {  	_ =	shalt  }
0x7a: {  	_ =	shalt  }
0x7b: {  	_ =	shalt  }
0x7c: {  	_ =	shalt  }
0x7d: {  	_ =	shalt  }
0x7e: {  	_ =	shalt  }
0x7f: {  	_ =	shalt  }
0x80: {  	_ =	shalt  }
0x81: {  	_ =	shalt  }
0x82: {  	_ =	shalt  }
0x83: {  	_ =	shalt  }
0x84: {  	_ =	shalt  }
0x85: {  	_ =	shalt  }
0x86: {  	_ =	shalt  }
0x87: {  	_ =	shalt  }
.Lfunc_end0:
.L_simem_size_0:
called_computation_lowered:
.L_overlay_start_0:
0x88: {  	s2 =	sld [smem:$0x3FD9]  }
0x89: {  	s3 =	sld [smem:$0x3FFE];
	_ =	sdelay $0x1  }
0x8a: {  	s1 =	srdreg.scid  }
0x8b: {  	s0 =	sand.u32 $0x1, s1  }
0x8c: {  	s17 =	sshll.u32 s0, $0xA;
	s2 =	sadd.s32 s3, s2  }
0x8d: {  	s2 =	sadd.s32 s2, s17  }
0x8e: {  	[smem:$0x3FC6] =	sst s2  }
0x8f: {  	_ = 	snop  }
0x90: {  	s2 =	sld [smem:$0x3FD0];
	(tm) =	ssettm $0x1  }
0x91: {  	s18 =	sld [smem:$0x3FFB];
	_ =	sdelay $0x3  }
0x92: {  	_ =	strace s18  }
0x93: {  	s3 =	sld [smem:$0x3FFC];
	_ =	sdelay $0x3  }
0x94: {  	_ =	strace s3  }
0x95: {  	s3 =	sld [smem:$0x3FFD];
	_ =	sdelay $0x3  }
0x96: {  	_ =	strace s3  }
0x97: {  	_ =	strace $0x8FFFFFFF  }
0x98: {  	s19 =	sld [smem:$0x3FDB];
	_ =	sdelay $0x1  }
0x99: {  	s4 =	simm.s32 $_scs_section_size  }
0x9a: {  	s5 =	simm.s32 $_size__tile_overlayer_lowered;
	s6 =	simm.s32 $_tile_overlayer_lowered  }
0x9b: {  	s22 =	simm.s32 $0x1BFF;
	s21 =	sshll.u32 s6, $0x1;
	s3 =	sadd.s32 s4, s19  }
0x9c: {  	s7 =	simm.s32 $0x0;
	s20 =	sshll.u32 s5, $0x1;
	s5 =	sadd.s32 s21, s3  }
0x9d: {  	[timem:s7], [sflag:s22] =	dma.local [hbm:s5], s20  }
0x9e: {  	_ =	swait.ge [sflag:s22], s20  }
0x9f: {  	s4 =	ssub.s32 $0x0, s20;
	[sflag:s22] =	ssyncset.done $0x0  }
0xa0: {  	[sflag:s22] =	ssyncadd.s32 s4;
	_ =	sdelay $0x1  }
0xa1: {  	s23 =	simm.s32 $0x1B8B  }
0xa2: {  	_ =	swait.ge [sflag:s23], $0x1  }
0xa3: {  	[sflag:s23] =	ssyncset.done $0x0  }
0xa4: {  	s25 =	simm.s32 $0x1B8E;
	s24 =	sld [smem:$0x3FFE];
	[sflag:s23] =	ssyncadd.s32 $0xFFFFFFFF  }
0xa5: {  	s26 =	simm.s32 $execute0_lowered;
	[smem:$0x3FD2] =	sst s25  }
0xa6: {  	s5 =	sshll.u32 s26, $0x1;
	_ =	strace $0x80000046;
	[dreg:$0x1] =	wrdreg $0xFFFFFFFF  }
0xa7: {  	s28 =	simm.s32 $_size_execute0_lowered;
	s3 =	sadd.s32 s3, s5;
	[dreg:$0x0] =	wrdreg $0x0  }
0xa8: {  	s5 =	sshll.u32 s28, $0x1;
	[dreg:$0x2] =	wrdreg s3  }
0xa9: {  	[dreg:$0x3] =	wrdreg s5  }
0xaa: {  	[dreg:$0x4] =	wrdreg $0xC0  }
0xab: {  	_ =	task [dreg:s7], $0x5FFFF  }
0xac: {  	[dreg:$0x1] =	wrdreg $0xFFFFFFFF  }
0xad: {  	[dreg:$0x0] =	wrdreg $0x60  }
0xae: {  	[dreg:$0x2] =	wrdreg s24  }
0xaf: {  	[dreg:$0x3] =	wrdreg s2  }
0xb0: {  	[dreg:$0x4] =	wrdreg $0x9  }
0xb1: {  	_ =	task.clear_ibuf [dreg:s7], $0x5FFFF;
	_ =	strace $0x90000046  }
0xb2: {  	s29 =	simm.s32 $0x9;
	_ =	strace $0x80000048  }
0xb3: {  	_ =	swait.ge [sflag:s29], $0x1  }
0xb4: {  	[sflag:s29] =	ssyncadd.s32 $0xFFFFFFFF  }
0xb5: {  	_ =	strace $0x90000048  }
0xb6: {  	_ =	sfence  }
0xb7: {  	s30 =	sld [smem:$0x0];
	_ =	sdelay $0x2  }
0xb8: {  	s31 =	sshll.u32 s1, $0xD;
	s1 =	sshrl.u32 s1, $0x2  }
0xb9: {  	s3 =	sand.u32 $0x4000, s31;
	s1 =	sadd.s32 s1, s30  }
0xba: {  	s0 =	sor.u32 s3, s0;
	s1 =	sshll.u32 s1, $0x11  }
0xbb: {  	s0 =	sor.u32 s1, s0  }
0xbc: {  	s0 =	sadd.s32 $0x8F2B, s0  }
0xbd: {  	[sflag:s0] =	ssyncadd.remote.s32 $0x1  }
0xbe: {  	_ =	sfence.sel $0xFFFF  }
0xbf: {  	[dreg:$0x0] =	wrdreg $0xFFFFFFFF;
	(pc) =	sbr.abs _section_cstart, $3  }
0xc0: {  	[dreg:$0x1] =	wrdreg $0xFFFFFFFF  }
0xc1: {  	_ =	task.clear_ibuf [dreg:s7], $0x2FFFF;
	_ =	strace $0x9FFFFFFF  }
0xc2: {  	(tm) =	ssettm $0x7FFFFFFF  }
0xc3: {  	_ =	shalt  }
tec
execute0_lowered:
.L_overlay_start_1:
0x0: {  	(tag) =	ssettag $0x1  }
0x1: {  	s5 =	rddreg [dreg:$0x0]  }
0x2: {  	s2 =	rddreg [dreg:$0x1]  }
0x3: {  	s0 =	rddreg [dreg:$0x2];
	s3 =	simm.s32 $0x0;
	s1 =	stileid.u32  }
0x4: {  	s6 =	srdreg.scid;
	s11 =	simm.s32 $0xFA00;
	s12 =	simm.s32 $0x0  }
0x5: {  	[smem:$0x7FF] =	sst s3;
	s4 =	smul.u32 $0x1F40, s1;
	s7 =	sand.u32 $0x1, s6  }
0x6: {  	p0 =	seq.s32 s1, $0xF;
	p1 =	sne.s32 s1, $0xF;
	s8 =	smul.u32 $0x1400, s7  }
.Ltmp0:
0x7: {  	_ =	strace $0x80000047;
	s9 =	ssub.s32 $0x2, s7;
	(pc) =	sbr.rel .LBB2_1-.Ltmp0, $4  }
0x8: {  	s7 =	sshll.u32 s7, $0x4;
	s31 =	sadd.s32 s4, s5;
	s10 =	sshrl.u32 s9, $0x1  }
0x9: {  	s4 =	simm.s32 $0x28;
	s8 =	sadd.s32 s8, s5;
	s9 =	ssub.s32 s9, s10  }
0xa: {  	s4 =	simm.s32 @!p0 $0x40;
	s5 =	sadd.s32 $0x2C00, s31;
	s10 =	simm.s32 $0x3  }
0xb: {  	s6 =	sadd.s32 $0x400, s8;
	s8 =	sshll.u32 s1, $0x12;
	s9 =	smax.u32 s9, $0x1  }
.LBB2_101:
0xc: {  	s13 =	simm.s32 @p1 $0x1  }
0xd: {  	_ =	swait.ge @p1 [sflag:s13], $0x2000  }
0xe: {  	[sflag:s13] =	ssyncset.done @p1 $0x0  }
0xf: {  	[sflag:s13] =	ssyncadd.s32 @p1 $0xFFFFE000;
	s13 =	simm.s32 @p1 $0x2  }
0x10: {  	_ =	swait.ge @p1 [sflag:s13], $0x2000  }
0x11: {  	[sflag:s13] =	ssyncset.done @p1 $0x0  }
0x12: {  	[sflag:s13] =	ssyncadd.s32 @p1 $0xFFFFE000;
	s13 =	simm.s32 @!p1 $0x1  }
0x13: {  	_ =	swait.ge @!p1 [sflag:s13], $0x400  }
0x14: {  	[sflag:s13] =	ssyncset.done @!p1 $0x0  }
0x15: {  	[sflag:s13] =	ssyncadd.s32 @!p1 $0xFFFFFC00  }
0x16: {  	_ =	swait.ge @!p1 [sflag:s13], $0x400  }
0x17: {  	[sflag:s13] =	ssyncset.done @!p1 $0x0  }
0x18: {  	[sflag:s13] =	ssyncadd.s32 @!p1 $0xFFFFFC00  }
0x19: {  	_ =	swait.ge @!p1 [sflag:s13], $0x400  }
0x1a: {  	[sflag:s13] =	ssyncset.done @!p1 $0x0  }
0x1b: {  	[sflag:s13] =	ssyncadd.s32 @!p1 $0xFFFFFC00  }
0x1c: {  	_ =	swait.ge @!p1 [sflag:s13], $0x400  }
0x1d: {  	[sflag:s13] =	ssyncset.done @!p1 $0x0  }
0x1e: {  	[sflag:s13] =	ssyncadd.s32 @!p1 $0xFFFFFC00  }
0x1f: {  	_ =	swait.ge @!p1 [sflag:s13], $0x400  }
0x20: {  	[sflag:s13] =	ssyncset.done @!p1 $0x0  }
0x21: {  	[sflag:s13] =	ssyncadd.s32 @!p1 $0xFFFFFC00;
	s13 =	simm.s32 @!p1 $0x2  }
0x22: {  	_ =	swait.ge @!p1 [sflag:s13], $0x400  }
0x23: {  	[sflag:s13] =	ssyncset.done @!p1 $0x0  }
0x24: {  	[sflag:s13] =	ssyncadd.s32 @!p1 $0xFFFFFC00  }
0x25: {  	_ =	swait.ge @!p1 [sflag:s13], $0x400  }
0x26: {  	[sflag:s13] =	ssyncset.done @!p1 $0x0  }
0x27: {  	[sflag:s13] =	ssyncadd.s32 @!p1 $0xFFFFFC00  }
0x28: {  	_ =	swait.ge @!p1 [sflag:s13], $0x400  }
0x29: {  	[sflag:s13] =	ssyncset.done @!p1 $0x0  }
0x2a: {  	s12 =	sadd.s32 $0x1, s12;
	[sflag:s13] =	ssyncadd.s32 @!p1 $0xFFFFFC00  }
0x2b: {  	p2 =	sne.s32 s12, s9;
	_ =	swait.ge @!p1 [sflag:s13], $0x400  }
.Ltmp1:
0x2c: {  	[sflag:s13] =	ssyncset.done @!p1 $0x0;
	(pc) =	sbr.rel @!p2 .LBB2_102-.Ltmp1, $4  }
0x2d: {  	[sflag:s13] =	ssyncadd.s32 @!p1 $0xFFFFFC00  }
0x2e: {  	_ =	swait.ge @!p1 [sflag:s13], $0x400  }
0x2f: {  	[sflag:s13] =	ssyncset.done @!p1 $0x0  }
0x30: {  	[sflag:s13] =	ssyncadd.s32 @!p1 $0xFFFFFC00  }
.LBB2_1:
0x31: {  	[tilespmem:s3], [sflag:$0x3] =	stream.linear.gather [hbm4b:s5+s3], $0xFA00, $0x38;
	[tilespmem:$0x1DA00] =	vst v63  }
0x32: {  	_ =	swait.ge [sflag:s10], $0xFA00  }
0x33: {  	[sflag:s10] =	ssyncset.done $0x0  }
.Ltmp2:
0x34: {  	[sflag:s10] =	ssyncadd.s32 $0xFFFF0600;
	(pc) =	sbr.rel .LBB2_2-.Ltmp2, $4  }
0x35: {  	[tilespmem:s11], [sflag:$0x3] =	stream.linear.gather [hbm4b:s6+s3], $0xA000, $0x38;
	[tilespmem:$0x1DA00] =	vst v63  }
0x36: {  	_ =	swait.ge [sflag:s10], $0xA000  }
0x37: {  	[sflag:s10] =	ssyncset.done $0x0  }
0x38: {  	s13 =	simm.s32 $0x0;
	[sflag:s10] =	ssyncadd.s32 $0xFFFF6000  }
.LBB2_100:
0x39: {  	s13 =	sadd.s32 $0x1, s13  }
0x3a: {  	p2 =	sne.s32 s13, $0x14  }
.Ltmp3:
0x3b: {  	_ = 	snop;
	(pc) =	sbr.rel @!p2 .LBB2_101-.Ltmp3, $1  }
0x3c: {  	_ =	sdelay $0x3  }
.LBB2_2:
0x3d: {  	s14 =	sshll.u32 s13, $0xD  }
0x3e: {  	s16 =	smul.u32 $0x3E8000, s13;
	s14 =	sshra.s32 s14, $0x2  }
0x3f: {  	s14 =	sadd.s32 $0xFA00, s14  }
0x40: {  	s17 =	simm.s32 $0x0;
	s15 =	sadd.s32 s8, s16;
	s16 =	sadd.s32 $0x3C0000, s16;
	v0 =	vmov s14  }
.LBB2_3:
0x41: {  	s18 =	sor.u32 s13, s17  }
0x42: {  	p2 =	seq.s32 s18, $0x0  }
0x43: {  	p3 =	sne.s32 @!p2 s1, $0xF  }
0x44: {  	p4 =	por !p3, p2  }
0x45: {  	s19 =	simm.s32 @!p4 $0x1  }
0x46: {  	_ =	swait.ge @!p4 [sflag:s19], $0x2000  }
0x47: {  	p2 =	por p3, p2;
	[sflag:s19] =	ssyncset.done @!p4 $0x0  }
0x48: {  	[sflag:s19] =	ssyncadd.s32 @!p4 $0xFFFFE000;
	s19 =	simm.s32 @!p2 $0x1  }
0x49: {  	_ =	swait.ge @!p2 [sflag:s19], $0x400  }
0x4a: {  	[sflag:s19] =	ssyncset.done @!p2 $0x0  }
0x4b: {  	[sflag:s19] =	ssyncadd.s32 @!p2 $0xFFFFFC00  }
0x4c: {  	_ =	swait.ge @!p2 [sflag:s19], $0x400  }
0x4d: {  	[sflag:s19] =	ssyncset.done @!p2 $0x0  }
0x4e: {  	[sflag:s19] =	ssyncadd.s32 @!p2 $0xFFFFFC00  }
0x4f: {  	_ =	swait.ge @!p2 [sflag:s19], $0x400  }
0x50: {  	[sflag:s19] =	ssyncset.done @!p2 $0x0  }
0x51: {  	[sflag:s19] =	ssyncadd.s32 @!p2 $0xFFFFFC00  }
0x52: {  	_ =	swait.ge @!p2 [sflag:s19], $0x400  }
0x53: {  	[sflag:s19] =	ssyncset.done @!p2 $0x0  }
0x54: {  	[sflag:s19] =	ssyncadd.s32 @!p2 $0xFFFFFC00  }
0x55: {  	_ =	swait.ge @!p2 [sflag:s19], $0x400  }
0x56: {  	s20 =	sshll.u32 s17, $0x8;
	[sflag:s19] =	ssyncset.done @!p2 $0x0  }
0x57: {  	s21 =	sand.u32 $0x3FFFFF00, s20;
	[sflag:s19] =	ssyncadd.s32 @!p2 $0xFFFFFC00  }
0x58: {  	v6 =	vld.idx.msk [tilespmem:v0+s21+$0x0 ss:$0x1], $0xffff;
	_ =	sdelay $0x4  }
0x59: {  	v2 =	vadd.s32 $0x1B58, v6  }
0x5a: {  	v3 =	vadd.s32 $0x3E8, v6  }
0x5b: {  	p3 =	sgt.u32 s4, $0x8;
	v4 =	vadd.s32 $0x7D0, v6  }
.Ltmp4:
0x5c: {  	_ = 	snop;
	(pc) =	sbr.rel @!p3 .LBB2_4-.Ltmp4, $4  }
0x5d: {  	v1 =	vld.idx.msk [tilespmem:v6+s3+$0x0], $0xffff  }
0x5e: {  	v2 =	vld.idx.msk [tilespmem:v2+s3+$0x0], $0xffff  }
0x5f: {  	s20 =	sadd.s32 s21, s14;
	v5 =	vadd.s32 $0xBB8, v6;
	v9 =	vadd.s32 $0xFA0, v6;
	v3 =	vld.idx.msk [tilespmem:v3+s3+$0x0], $0xffff  }
0x60: {  	s19 =	sshll.u32 s17, $0x1;
	p2 =	por $0x0, $0x0;
	s21 =	simm.s32 $0x19C00;
	v11 =	vadd.s32 $0x1388, v6;
	v10 =	vadd.s32 $0x1770, v6;
	v12 =	vadd.s32 $0x1F40, v6;
	v4 =	vld.idx.msk [tilespmem:v4+s3+$0x0], $0xffff  }
0x61: {  	_ =	sdelay $0x3  }
0x62: {  	v13 =	vadd.s32 $0x1B58, v12;
	v14 =	vld.idx.msk [tilespmem:v5+s3+$0x0], $0xffff  }
0x63: {  	v15 =	vadd.s32 $0x3E8, v12;
	v16 =	vld.idx.msk [tilespmem:v9+s3+$0x0], $0xffff  }
0x64: {  	v17 =	vadd.s32 $0x7D0, v12;
	v6 =	vld.idx.msk [tilespmem:v11+s3+$0x0], $0xffff;
	p3 =	sgt.u32 s4, $0x10  }
.Ltmp5:
0x65: {  	v7 =	vld.idx.msk [tilespmem:v10+s3+$0x0], $0xffff;
	v5 =	vadd.s32 $0xBB8, v12;
	[tilespmem:s21+$0x180] =	vst v2;
	(pc) =	sbr.rel @!p3 .LBB2_6-.Ltmp5, $4  }
0x66: {  	v8 =	vld.idx.msk [tilespmem:v12+s3+$0x0], $0xffff;
	v9 =	vadd.s32 $0xFA0, v12;
	[tilespmem:s21+$0xFFFFFE80] =	vst v3  }
0x67: {  	v11 =	vadd.s32 $0x1388, v12;
	[tilespmem:s21+$0xFFFFFF00] =	vst v4;
	v2 =	vld.idx.msk [tilespmem:v13+s3+$0x0], $0xffff  }
0x68: {  	v10 =	vadd.s32 $0x1770, v12;
	v3 =	vld.idx.msk [tilespmem:v15+s3+$0x0], $0xffff;
	[tilespmem:s21+$0xFFFFFF80] =	vst v14  }
0x69: {  	s23 =	simm.s32 $0x10;
	v12 =	vadd.s32 $0x1F40, v12;
	p2 =	por $0x1, $0x1;
	s22 =	simm.s32 $0x19C00;
	v4 =	vld.idx.msk [tilespmem:v17+s3+$0x0], $0xffff;
	[tilespmem:s21+$0x0] =	vst v16  }
.LBB2_7:
0x6a: {  	v13 =	vadd.s32 $0x3E8, v12;
	v14 =	vadd.s32 $0x7D0, v12;
	v15 =	vadd.s32 $0x1B58, v12;
	s23 =	sadd.s32 $0x8, s23;
	v16 =	vld.idx.msk [tilespmem:v5+s3+$0x0], $0xffff;
	[tilespmem:s22+$0x80] =	vst v6  }
0x6b: {  	v5 =	vadd.s32 $0xBB8, v12;
	v17 =	vadd.s32 $0x1388, v12;
	p3 =	slt.u32 s23, s4;
	v18 =	vld.idx.msk [tilespmem:v9+s3+$0x0], $0xffff;
	v9 =	vadd.s32 $0xFA0, v12;
	[tilespmem:s22+$0x100] =	vst v7  }
0x6c: {  	v19 =	vadd.s32 $0x1770, v12;
	v6 =	vld.idx.msk [tilespmem:v11+s3+$0x0], $0xffff;
	[tilespmem:s22+$0xFFFFFE00] =	vst v1;
	s22 =	sadd.s32 $0x400, s22;
	v11 =	vmov v17;
	v1 =	vmov v8  }
.Ltmp6:
0x6d: {  	v7 =	vld.idx.msk [tilespmem:v10+s3+$0x0], $0xffff;
	[tilespmem:s22+$0x180] =	vst v2;
	v10 =	vmov v19;
	(pc) =	sbr.rel @p3 .LBB2_7-.Ltmp6, $4  }
0x6e: {  	v8 =	vld.idx.msk [tilespmem:v12+s3+$0x0], $0xffff;
	[tilespmem:s22+$0xFFFFFE80] =	vst v3  }
0x6f: {  	v2 =	vld.idx.msk [tilespmem:v15+s3+$0x0], $0xffff;
	[tilespmem:s22+$0xFFFFFF00] =	vst v4  }
0x70: {  	v3 =	vld.idx.msk [tilespmem:v13+s3+$0x0], $0xffff;
	[tilespmem:s22+$0xFFFFFF80] =	vst v16  }
0x71: {  	v12 =	vadd.s32 $0x1F40, v12;
	v4 =	vld.idx.msk [tilespmem:v14+s3+$0x0], $0xffff;
	[tilespmem:s22+$0x0] =	vst v18  }
0x72: {  	_ = 	snop  }
0x73: {  	v12 =	vmov v1;
	v1 =	vmov v8  }
.LBB2_9:
0x74: {  	_ =	sdelay $0x1  }
0x75: {  	[tilespmem:s22+$0x80] =	vst @p2 v6  }
0x76: {  	[tilespmem:s22+$0x100] =	vst @p2 v7;
	s23 =	sadd.s32 @p2 $0x400, s22  }
0x77: {  	v5 =	vld.idx.msk [tilespmem:v5+s3+$0x0], $0xffff;
	[tilespmem:s22+$0xFFFFFE00] =	vst @p2 v12;
	s21 =	smov.u32 @p2 s23  }
0x78: {  	v6 =	vld.idx.msk [tilespmem:v9+s3+$0x0], $0xffff;
	[tilespmem:s21+$0x180] =	vst v2  }
0x79: {  	v7 =	vld.idx.msk [tilespmem:v11+s3+$0x0], $0xffff;
	[tilespmem:s21+$0xFFFFFE80] =	vst v3  }
0x7a: {  	v2 =	vld.idx.msk [tilespmem:v10+s3+$0x0], $0xffff;
	[tilespmem:s21+$0xFFFFFF00] =	vst v4  }
0x7b: {  	[tilespmem:s21+$0xFFFFFE00] =	vst v1  }
0x7c: {  	[tilespmem:s21+$0xFFFFFF80] =	vst v5  }
0x7d: {  	[tilespmem:s21+$0x0] =	vst v6  }
0x7e: {  	[tilespmem:s21+$0x80] =	vst v7  }
0x7f: {  	[tilespmem:s21+$0x100] =	vst v2  }
0x80: {  	v6 =	vld [tilespmem:s20+$0x10];
	_ =	sdelay $0x4  }
0x81: {  	v2 =	vadd.s32 $0x1B58, v6  }
0x82: {  	v3 =	vadd.s32 $0x3E8, v6  }
0x83: {  	p3 =	sgt.u32 s4, $0x8;
	v4 =	vadd.s32 $0x7D0, v6  }
.Ltmp7:
0x84: {  	_ = 	snop;
	(pc) =	sbr.rel @!p3 .LBB2_10-.Ltmp7, $4  }
0x85: {  	v1 =	vld.idx.msk [tilespmem:v6+s3+$0x0], $0xffff  }
0x86: {  	v2 =	vld.idx.msk [tilespmem:v2+s3+$0x0], $0xffff  }
0x87: {  	v5 =	vadd.s32 $0xBB8, v6;
	v9 =	vadd.s32 $0xFA0, v6;
	v3 =	vld.idx.msk [tilespmem:v3+s3+$0x0], $0xffff  }
0x88: {  	p2 =	por $0x0, $0x0;
	s21 =	simm.s32 $0x19C10;
	v11 =	vadd.s32 $0x1388, v6;
	v10 =	vadd.s32 $0x1770, v6;
	v12 =	vadd.s32 $0x1F40, v6;
	v4 =	vld.idx.msk [tilespmem:v4+s3+$0x0], $0xffff  }
0x89: {  	_ =	sdelay $0x3  }
0x8a: {  	v13 =	vadd.s32 $0x1B58, v12;
	v14 =	vld.idx.msk [tilespmem:v5+s3+$0x0], $0xffff  }
0x8b: {  	v15 =	vadd.s32 $0x3E8, v12;
	v16 =	vld.idx.msk [tilespmem:v9+s3+$0x0], $0xffff  }
0x8c: {  	v17 =	vadd.s32 $0x7D0, v12;
	v6 =	vld.idx.msk [tilespmem:v11+s3+$0x0], $0xffff;
	p3 =	sgt.u32 s4, $0x10  }
.Ltmp8:
0x8d: {  	v7 =	vld.idx.msk [tilespmem:v10+s3+$0x0], $0xffff;
	v5 =	vadd.s32 $0xBB8, v12;
	[tilespmem:s21+$0x180] =	vst v2;
	(pc) =	sbr.rel @!p3 .LBB2_12-.Ltmp8, $4  }
0x8e: {  	v8 =	vld.idx.msk [tilespmem:v12+s3+$0x0], $0xffff;
	v9 =	vadd.s32 $0xFA0, v12;
	[tilespmem:s21+$0xFFFFFE80] =	vst v3  }
0x8f: {  	v11 =	vadd.s32 $0x1388, v12;
	[tilespmem:s21+$0xFFFFFF00] =	vst v4;
	v2 =	vld.idx.msk [tilespmem:v13+s3+$0x0], $0xffff  }
0x90: {  	v10 =	vadd.s32 $0x1770, v12;
	v3 =	vld.idx.msk [tilespmem:v15+s3+$0x0], $0xffff;
	[tilespmem:s21+$0xFFFFFF80] =	vst v14  }
0x91: {  	s23 =	simm.s32 $0x10;
	v12 =	vadd.s32 $0x1F40, v12;
	p2 =	por $0x1, $0x1;
	s22 =	simm.s32 $0x19C10;
	v4 =	vld.idx.msk [tilespmem:v17+s3+$0x0], $0xffff;
	[tilespmem:s21+$0x0] =	vst v16  }
.LBB2_13:
0x92: {  	v13 =	vadd.s32 $0x3E8, v12;
	v14 =	vadd.s32 $0x7D0, v12;
	v15 =	vadd.s32 $0x1B58, v12;
	s23 =	sadd.s32 $0x8, s23;
	v16 =	vld.idx.msk [tilespmem:v5+s3+$0x0], $0xffff;
	[tilespmem:s22+$0x80] =	vst v6  }
0x93: {  	v5 =	vadd.s32 $0xBB8, v12;
	v17 =	vadd.s32 $0x1388, v12;
	p3 =	slt.u32 s23, s4;
	v18 =	vld.idx.msk [tilespmem:v9+s3+$0x0], $0xffff;
	v9 =	vadd.s32 $0xFA0, v12;
	[tilespmem:s22+$0x100] =	vst v7  }
0x94: {  	v19 =	vadd.s32 $0x1770, v12;
	v6 =	vld.idx.msk [tilespmem:v11+s3+$0x0], $0xffff;
	[tilespmem:s22+$0xFFFFFE00] =	vst v1;
	s22 =	sadd.s32 $0x400, s22;
	v11 =	vmov v17;
	v1 =	vmov v8  }
.Ltmp9:
0x95: {  	v7 =	vld.idx.msk [tilespmem:v10+s3+$0x0], $0xffff;
	[tilespmem:s22+$0x180] =	vst v2;
	v10 =	vmov v19;
	(pc) =	sbr.rel @p3 .LBB2_13-.Ltmp9, $4  }
0x96: {  	v8 =	vld.idx.msk [tilespmem:v12+s3+$0x0], $0xffff;
	[tilespmem:s22+$0xFFFFFE80] =	vst v3  }
0x97: {  	v2 =	vld.idx.msk [tilespmem:v15+s3+$0x0], $0xffff;
	[tilespmem:s22+$0xFFFFFF00] =	vst v4  }
0x98: {  	v3 =	vld.idx.msk [tilespmem:v13+s3+$0x0], $0xffff;
	[tilespmem:s22+$0xFFFFFF80] =	vst v16  }
0x99: {  	v12 =	vadd.s32 $0x1F40, v12;
	v4 =	vld.idx.msk [tilespmem:v14+s3+$0x0], $0xffff;
	[tilespmem:s22+$0x0] =	vst v18  }
0x9a: {  	_ = 	snop  }
0x9b: {  	v12 =	vmov v1;
	v1 =	vmov v8  }
.LBB2_15:
0x9c: {  	_ =	sdelay $0x1  }
0x9d: {  	[tilespmem:s22+$0x80] =	vst @p2 v6  }
0x9e: {  	[tilespmem:s22+$0x100] =	vst @p2 v7;
	s23 =	sadd.s32 @p2 $0x400, s22  }
0x9f: {  	v5 =	vld.idx.msk [tilespmem:v5+s3+$0x0], $0xffff;
	[tilespmem:s22+$0xFFFFFE00] =	vst @p2 v12;
	s21 =	smov.u32 @p2 s23  }
0xa0: {  	v6 =	vld.idx.msk [tilespmem:v9+s3+$0x0], $0xffff;
	[tilespmem:s21+$0x180] =	vst v2  }
0xa1: {  	v7 =	vld.idx.msk [tilespmem:v11+s3+$0x0], $0xffff;
	[tilespmem:s21+$0xFFFFFE80] =	vst v3  }
0xa2: {  	v2 =	vld.idx.msk [tilespmem:v10+s3+$0x0], $0xffff;
	[tilespmem:s21+$0xFFFFFF00] =	vst v4  }
0xa3: {  	[tilespmem:s21+$0xFFFFFE00] =	vst v1  }
0xa4: {  	[tilespmem:s21+$0xFFFFFF80] =	vst v5  }
0xa5: {  	[tilespmem:s21+$0x0] =	vst v6  }
0xa6: {  	[tilespmem:s21+$0x80] =	vst v7  }
0xa7: {  	[tilespmem:s21+$0x100] =	vst v2  }
0xa8: {  	v6 =	vld [tilespmem:s20+$0x20];
	_ =	sdelay $0x4  }
0xa9: {  	v2 =	vadd.s32 $0x1B58, v6  }
0xaa: {  	v3 =	vadd.s32 $0x3E8, v6  }
0xab: {  	p3 =	sgt.u32 s4, $0x8;
	v4 =	vadd.s32 $0x7D0, v6  }
.Ltmp10:
0xac: {  	_ = 	snop;
	(pc) =	sbr.rel @!p3 .LBB2_16-.Ltmp10, $4  }
0xad: {  	v1 =	vld.idx.msk [tilespmem:v6+s3+$0x0], $0xffff  }
0xae: {  	v2 =	vld.idx.msk [tilespmem:v2+s3+$0x0], $0xffff  }
0xaf: {  	v5 =	vadd.s32 $0xBB8, v6;
	v9 =	vadd.s32 $0xFA0, v6;
	v3 =	vld.idx.msk [tilespmem:v3+s3+$0x0], $0xffff  }
0xb0: {  	p2 =	por $0x0, $0x0;
	s21 =	simm.s32 $0x19C20;
	v11 =	vadd.s32 $0x1388, v6;
	v10 =	vadd.s32 $0x1770, v6;
	v12 =	vadd.s32 $0x1F40, v6;
	v4 =	vld.idx.msk [tilespmem:v4+s3+$0x0], $0xffff  }
0xb1: {  	_ =	sdelay $0x3  }
0xb2: {  	v13 =	vadd.s32 $0x1B58, v12;
	v14 =	vld.idx.msk [tilespmem:v5+s3+$0x0], $0xffff  }
0xb3: {  	v15 =	vadd.s32 $0x3E8, v12;
	v16 =	vld.idx.msk [tilespmem:v9+s3+$0x0], $0xffff  }
0xb4: {  	v17 =	vadd.s32 $0x7D0, v12;
	v6 =	vld.idx.msk [tilespmem:v11+s3+$0x0], $0xffff;
	p3 =	sgt.u32 s4, $0x10  }
.Ltmp11:
0xb5: {  	v7 =	vld.idx.msk [tilespmem:v10+s3+$0x0], $0xffff;
	v5 =	vadd.s32 $0xBB8, v12;
	[tilespmem:s21+$0x180] =	vst v2;
	(pc) =	sbr.rel @!p3 .LBB2_18-.Ltmp11, $4  }
0xb6: {  	v8 =	vld.idx.msk [tilespmem:v12+s3+$0x0], $0xffff;
	v9 =	vadd.s32 $0xFA0, v12;
	[tilespmem:s21+$0xFFFFFE80] =	vst v3  }
0xb7: {  	v11 =	vadd.s32 $0x1388, v12;
	[tilespmem:s21+$0xFFFFFF00] =	vst v4;
	v2 =	vld.idx.msk [tilespmem:v13+s3+$0x0], $0xffff  }
0xb8: {  	v10 =	vadd.s32 $0x1770, v12;
	v3 =	vld.idx.msk [tilespmem:v15+s3+$0x0], $0xffff;
	[tilespmem:s21+$0xFFFFFF80] =	vst v14  }
0xb9: {  	s23 =	simm.s32 $0x10;
	v12 =	vadd.s32 $0x1F40, v12;
	p2 =	por $0x1, $0x1;
	s22 =	simm.s32 $0x19C20;
	v4 =	vld.idx.msk [tilespmem:v17+s3+$0x0], $0xffff;
	[tilespmem:s21+$0x0] =	vst v16  }
.LBB2_19:
0xba: {  	v13 =	vadd.s32 $0x3E8, v12;
	v14 =	vadd.s32 $0x7D0, v12;
	v15 =	vadd.s32 $0x1B58, v12;
	s23 =	sadd.s32 $0x8, s23;
	v16 =	vld.idx.msk [tilespmem:v5+s3+$0x0], $0xffff;
	[tilespmem:s22+$0x80] =	vst v6  }
0xbb: {  	v5 =	vadd.s32 $0xBB8, v12;
	v17 =	vadd.s32 $0x1388, v12;
	p3 =	slt.u32 s23, s4;
	v18 =	vld.idx.msk [tilespmem:v9+s3+$0x0], $0xffff;
	v9 =	vadd.s32 $0xFA0, v12;
	[tilespmem:s22+$0x100] =	vst v7  }
0xbc: {  	v19 =	vadd.s32 $0x1770, v12;
	v6 =	vld.idx.msk [tilespmem:v11+s3+$0x0], $0xffff;
	[tilespmem:s22+$0xFFFFFE00] =	vst v1;
	s22 =	sadd.s32 $0x400, s22;
	v11 =	vmov v17;
	v1 =	vmov v8  }
.Ltmp12:
0xbd: {  	v7 =	vld.idx.msk [tilespmem:v10+s3+$0x0], $0xffff;
	[tilespmem:s22+$0x180] =	vst v2;
	v10 =	vmov v19;
	(pc) =	sbr.rel @p3 .LBB2_19-.Ltmp12, $4  }
0xbe: {  	v8 =	vld.idx.msk [tilespmem:v12+s3+$0x0], $0xffff;
	[tilespmem:s22+$0xFFFFFE80] =	vst v3  }
0xbf: {  	v2 =	vld.idx.msk [tilespmem:v15+s3+$0x0], $0xffff;
	[tilespmem:s22+$0xFFFFFF00] =	vst v4  }
0xc0: {  	v3 =	vld.idx.msk [tilespmem:v13+s3+$0x0], $0xffff;
	[tilespmem:s22+$0xFFFFFF80] =	vst v16  }
0xc1: {  	v12 =	vadd.s32 $0x1F40, v12;
	v4 =	vld.idx.msk [tilespmem:v14+s3+$0x0], $0xffff;
	[tilespmem:s22+$0x0] =	vst v18  }
0xc2: {  	_ = 	snop  }
0xc3: {  	v12 =	vmov v1;
	v1 =	vmov v8  }
.LBB2_21:
0xc4: {  	_ =	sdelay $0x1  }
0xc5: {  	[tilespmem:s22+$0x80] =	vst @p2 v6  }
0xc6: {  	[tilespmem:s22+$0x100] =	vst @p2 v7;
	s23 =	sadd.s32 @p2 $0x400, s22  }
0xc7: {  	v5 =	vld.idx.msk [tilespmem:v5+s3+$0x0], $0xffff;
	[tilespmem:s22+$0xFFFFFE00] =	vst @p2 v12;
	s21 =	smov.u32 @p2 s23  }
0xc8: {  	v6 =	vld.idx.msk [tilespmem:v9+s3+$0x0], $0xffff;
	[tilespmem:s21+$0x180] =	vst v2  }
0xc9: {  	v7 =	vld.idx.msk [tilespmem:v11+s3+$0x0], $0xffff;
	[tilespmem:s21+$0xFFFFFE80] =	vst v3  }
0xca: {  	v2 =	vld.idx.msk [tilespmem:v10+s3+$0x0], $0xffff;
	[tilespmem:s21+$0xFFFFFF00] =	vst v4  }
0xcb: {  	[tilespmem:s21+$0xFFFFFE00] =	vst v1  }
0xcc: {  	[tilespmem:s21+$0xFFFFFF80] =	vst v5  }
0xcd: {  	[tilespmem:s21+$0x0] =	vst v6  }
0xce: {  	[tilespmem:s21+$0x80] =	vst v7  }
0xcf: {  	[tilespmem:s21+$0x100] =	vst v2  }
0xd0: {  	v6 =	vld [tilespmem:s20+$0x30];
	_ =	sdelay $0x4  }
0xd1: {  	v2 =	vadd.s32 $0x1B58, v6  }
0xd2: {  	v3 =	vadd.s32 $0x3E8, v6  }
0xd3: {  	p3 =	sgt.u32 s4, $0x8;
	v4 =	vadd.s32 $0x7D0, v6  }
.Ltmp13:
0xd4: {  	_ = 	snop;
	(pc) =	sbr.rel @!p3 .LBB2_22-.Ltmp13, $4  }
0xd5: {  	v1 =	vld.idx.msk [tilespmem:v6+s3+$0x0], $0xffff  }
0xd6: {  	v2 =	vld.idx.msk [tilespmem:v2+s3+$0x0], $0xffff  }
0xd7: {  	v5 =	vadd.s32 $0xBB8, v6;
	v9 =	vadd.s32 $0xFA0, v6;
	v3 =	vld.idx.msk [tilespmem:v3+s3+$0x0], $0xffff  }
0xd8: {  	p2 =	por $0x0, $0x0;
	s21 =	simm.s32 $0x19C30;
	v11 =	vadd.s32 $0x1388, v6;
	v10 =	vadd.s32 $0x1770, v6;
	v12 =	vadd.s32 $0x1F40, v6;
	v4 =	vld.idx.msk [tilespmem:v4+s3+$0x0], $0xffff  }
0xd9: {  	_ =	sdelay $0x3  }
0xda: {  	v13 =	vadd.s32 $0x1B58, v12;
	v14 =	vld.idx.msk [tilespmem:v5+s3+$0x0], $0xffff  }
0xdb: {  	v15 =	vadd.s32 $0x3E8, v12;
	v16 =	vld.idx.msk [tilespmem:v9+s3+$0x0], $0xffff  }
0xdc: {  	v17 =	vadd.s32 $0x7D0, v12;
	v6 =	vld.idx.msk [tilespmem:v11+s3+$0x0], $0xffff;
	p3 =	sgt.u32 s4, $0x10  }
.Ltmp14:
0xdd: {  	v7 =	vld.idx.msk [tilespmem:v10+s3+$0x0], $0xffff;
	v5 =	vadd.s32 $0xBB8, v12;
	[tilespmem:s21+$0x180] =	vst v2;
	(pc) =	sbr.rel @!p3 .LBB2_24-.Ltmp14, $4  }
0xde: {  	v8 =	vld.idx.msk [tilespmem:v12+s3+$0x0], $0xffff;
	v9 =	vadd.s32 $0xFA0, v12;
	[tilespmem:s21+$0xFFFFFE80] =	vst v3  }
0xdf: {  	v11 =	vadd.s32 $0x1388, v12;
	[tilespmem:s21+$0xFFFFFF00] =	vst v4;
	v2 =	vld.idx.msk [tilespmem:v13+s3+$0x0], $0xffff  }
0xe0: {  	v10 =	vadd.s32 $0x1770, v12;
	v3 =	vld.idx.msk [tilespmem:v15+s3+$0x0], $0xffff;
	[tilespmem:s21+$0xFFFFFF80] =	vst v14  }
0xe1: {  	s23 =	simm.s32 $0x10;
	v12 =	vadd.s32 $0x1F40, v12;
	p2 =	por $0x1, $0x1;
	s22 =	simm.s32 $0x19C30;
	v4 =	vld.idx.msk [tilespmem:v17+s3+$0x0], $0xffff;
	[tilespmem:s21+$0x0] =	vst v16  }
.LBB2_25:
0xe2: {  	v13 =	vadd.s32 $0x3E8, v12;
	v14 =	vadd.s32 $0x7D0, v12;
	v15 =	vadd.s32 $0x1B58, v12;
	s23 =	sadd.s32 $0x8, s23;
	v16 =	vld.idx.msk [tilespmem:v5+s3+$0x0], $0xffff;
	[tilespmem:s22+$0x80] =	vst v6  }
0xe3: {  	v5 =	vadd.s32 $0xBB8, v12;
	v17 =	vadd.s32 $0x1388, v12;
	p3 =	slt.u32 s23, s4;
	v18 =	vld.idx.msk [tilespmem:v9+s3+$0x0], $0xffff;
	v9 =	vadd.s32 $0xFA0, v12;
	[tilespmem:s22+$0x100] =	vst v7  }
0xe4: {  	v19 =	vadd.s32 $0x1770, v12;
	v6 =	vld.idx.msk [tilespmem:v11+s3+$0x0], $0xffff;
	[tilespmem:s22+$0xFFFFFE00] =	vst v1;
	s22 =	sadd.s32 $0x400, s22;
	v11 =	vmov v17;
	v1 =	vmov v8  }
.Ltmp15:
0xe5: {  	v7 =	vld.idx.msk [tilespmem:v10+s3+$0x0], $0xffff;
	[tilespmem:s22+$0x180] =	vst v2;
	v10 =	vmov v19;
	(pc) =	sbr.rel @p3 .LBB2_25-.Ltmp15, $4  }
0xe6: {  	v8 =	vld.idx.msk [tilespmem:v12+s3+$0x0], $0xffff;
	[tilespmem:s22+$0xFFFFFE80] =	vst v3  }
0xe7: {  	v2 =	vld.idx.msk [tilespmem:v15+s3+$0x0], $0xffff;
	[tilespmem:s22+$0xFFFFFF00] =	vst v4  }
0xe8: {  	v3 =	vld.idx.msk [tilespmem:v13+s3+$0x0], $0xffff;
	[tilespmem:s22+$0xFFFFFF80] =	vst v16  }
0xe9: {  	v12 =	vadd.s32 $0x1F40, v12;
	v4 =	vld.idx.msk [tilespmem:v14+s3+$0x0], $0xffff;
	[tilespmem:s22+$0x0] =	vst v18  }
0xea: {  	_ = 	snop  }
0xeb: {  	v12 =	vmov v1;
	v1 =	vmov v8  }
.LBB2_27:
0xec: {  	_ =	sdelay $0x1  }
0xed: {  	[tilespmem:s22+$0x80] =	vst @p2 v6  }
0xee: {  	[tilespmem:s22+$0x100] =	vst @p2 v7;
	s23 =	sadd.s32 @p2 $0x400, s22  }
0xef: {  	v5 =	vld.idx.msk [tilespmem:v5+s3+$0x0], $0xffff;
	[tilespmem:s22+$0xFFFFFE00] =	vst @p2 v12;
	s21 =	smov.u32 @p2 s23  }
0xf0: {  	v6 =	vld.idx.msk [tilespmem:v9+s3+$0x0], $0xffff;
	[tilespmem:s21+$0x180] =	vst v2  }
0xf1: {  	v7 =	vld.idx.msk [tilespmem:v11+s3+$0x0], $0xffff;
	[tilespmem:s21+$0xFFFFFE80] =	vst v3  }
0xf2: {  	v2 =	vld.idx.msk [tilespmem:v10+s3+$0x0], $0xffff;
	[tilespmem:s21+$0xFFFFFF00] =	vst v4  }
0xf3: {  	[tilespmem:s21+$0xFFFFFE00] =	vst v1  }
0xf4: {  	[tilespmem:s21+$0xFFFFFF80] =	vst v5  }
0xf5: {  	[tilespmem:s21+$0x0] =	vst v6  }
0xf6: {  	[tilespmem:s21+$0x80] =	vst v7  }
0xf7: {  	[tilespmem:s21+$0x100] =	vst v2  }
0xf8: {  	v6 =	vld [tilespmem:s20+$0x40];
	_ =	sdelay $0x4  }
0xf9: {  	v2 =	vadd.s32 $0x1B58, v6  }
0xfa: {  	v3 =	vadd.s32 $0x3E8, v6  }
0xfb: {  	p3 =	sgt.u32 s4, $0x8;
	v4 =	vadd.s32 $0x7D0, v6  }
.Ltmp16:
0xfc: {  	_ = 	snop;
	(pc) =	sbr.rel @!p3 .LBB2_28-.Ltmp16, $4  }
0xfd: {  	v1 =	vld.idx.msk [tilespmem:v6+s3+$0x0], $0xffff  }
0xfe: {  	v2 =	vld.idx.msk [tilespmem:v2+s3+$0x0], $0xffff  }
0xff: {  	v5 =	vadd.s32 $0xBB8, v6;
	v9 =	vadd.s32 $0xFA0, v6;
	v3 =	vld.idx.msk [tilespmem:v3+s3+$0x0], $0xffff  }
0x100: {  	p2 =	por $0x0, $0x0;
	s21 =	simm.s32 $0x19C40;
	v11 =	vadd.s32 $0x1388, v6;
	v10 =	vadd.s32 $0x1770, v6;
	v12 =	vadd.s32 $0x1F40, v6;
	v4 =	vld.idx.msk [tilespmem:v4+s3+$0x0], $0xffff  }
0x101: {  	_ =	sdelay $0x3  }
0x102: {  	v13 =	vadd.s32 $0x1B58, v12;
	v14 =	vld.idx.msk [tilespmem:v5+s3+$0x0], $0xffff  }
0x103: {  	v15 =	vadd.s32 $0x3E8, v12;
	v16 =	vld.idx.msk [tilespmem:v9+s3+$0x0], $0xffff  }
0x104: {  	v17 =	vadd.s32 $0x7D0, v12;
	v6 =	vld.idx.msk [tilespmem:v11+s3+$0x0], $0xffff;
	p3 =	sgt.u32 s4, $0x10  }
.Ltmp17:
0x105: {  	v7 =	vld.idx.msk [tilespmem:v10+s3+$0x0], $0xffff;
	v5 =	vadd.s32 $0xBB8, v12;
	[tilespmem:s21+$0x180] =	vst v2;
	(pc) =	sbr.rel @!p3 .LBB2_30-.Ltmp17, $4  }
0x106: {  	v8 =	vld.idx.msk [tilespmem:v12+s3+$0x0], $0xffff;
	v9 =	vadd.s32 $0xFA0, v12;
	[tilespmem:s21+$0xFFFFFE80] =	vst v3  }
0x107: {  	v11 =	vadd.s32 $0x1388, v12;
	[tilespmem:s21+$0xFFFFFF00] =	vst v4;
	v2 =	vld.idx.msk [tilespmem:v13+s3+$0x0], $0xffff  }
0x108: {  	v10 =	vadd.s32 $0x1770, v12;
	v3 =	vld.idx.msk [tilespmem:v15+s3+$0x0], $0xffff;
	[tilespmem:s21+$0xFFFFFF80] =	vst v14  }
0x109: {  	s23 =	simm.s32 $0x10;
	v12 =	vadd.s32 $0x1F40, v12;
	p2 =	por $0x1, $0x1;
	s22 =	simm.s32 $0x19C40;
	v4 =	vld.idx.msk [tilespmem:v17+s3+$0x0], $0xffff;
	[tilespmem:s21+$0x0] =	vst v16  }
.LBB2_31:
0x10a: {  	v13 =	vadd.s32 $0x3E8, v12;
	v14 =	vadd.s32 $0x7D0, v12;
	v15 =	vadd.s32 $0x1B58, v12;
	s23 =	sadd.s32 $0x8, s23;
	v16 =	vld.idx.msk [tilespmem:v5+s3+$0x0], $0xffff;
	[tilespmem:s22+$0x80] =	vst v6  }
0x10b: {  	v5 =	vadd.s32 $0xBB8, v12;
	v17 =	vadd.s32 $0x1388, v12;
	p3 =	slt.u32 s23, s4;
	v18 =	vld.idx.msk [tilespmem:v9+s3+$0x0], $0xffff;
	v9 =	vadd.s32 $0xFA0, v12;
	[tilespmem:s22+$0x100] =	vst v7  }
0x10c: {  	v19 =	vadd.s32 $0x1770, v12;
	v6 =	vld.idx.msk [tilespmem:v11+s3+$0x0], $0xffff;
	[tilespmem:s22+$0xFFFFFE00] =	vst v1;
	s22 =	sadd.s32 $0x400, s22;
	v11 =	vmov v17;
	v1 =	vmov v8  }
.Ltmp18:
0x10d: {  	v7 =	vld.idx.msk [tilespmem:v10+s3+$0x0], $0xffff;
	[tilespmem:s22+$0x180] =	vst v2;
	v10 =	vmov v19;
	(pc) =	sbr.rel @p3 .LBB2_31-.Ltmp18, $4  }
0x10e: {  	v8 =	vld.idx.msk [tilespmem:v12+s3+$0x0], $0xffff;
	[tilespmem:s22+$0xFFFFFE80] =	vst v3  }
0x10f: {  	v2 =	vld.idx.msk [tilespmem:v15+s3+$0x0], $0xffff;
	[tilespmem:s22+$0xFFFFFF00] =	vst v4  }
0x110: {  	v3 =	vld.idx.msk [tilespmem:v13+s3+$0x0], $0xffff;
	[tilespmem:s22+$0xFFFFFF80] =	vst v16  }
0x111: {  	v12 =	vadd.s32 $0x1F40, v12;
	v4 =	vld.idx.msk [tilespmem:v14+s3+$0x0], $0xffff;
	[tilespmem:s22+$0x0] =	vst v18  }
0x112: {  	_ = 	snop  }
0x113: {  	v12 =	vmov v1;
	v1 =	vmov v8  }
.LBB2_33:
0x114: {  	_ =	sdelay $0x1  }
0x115: {  	[tilespmem:s22+$0x80] =	vst @p2 v6  }
0x116: {  	[tilespmem:s22+$0x100] =	vst @p2 v7;
	s23 =	sadd.s32 @p2 $0x400, s22  }
0x117: {  	v5 =	vld.idx.msk [tilespmem:v5+s3+$0x0], $0xffff;
	[tilespmem:s22+$0xFFFFFE00] =	vst @p2 v12;
	s21 =	smov.u32 @p2 s23  }
0x118: {  	v6 =	vld.idx.msk [tilespmem:v9+s3+$0x0], $0xffff;
	[tilespmem:s21+$0x180] =	vst v2  }
0x119: {  	v7 =	vld.idx.msk [tilespmem:v11+s3+$0x0], $0xffff;
	[tilespmem:s21+$0xFFFFFE80] =	vst v3  }
0x11a: {  	v2 =	vld.idx.msk [tilespmem:v10+s3+$0x0], $0xffff;
	[tilespmem:s21+$0xFFFFFF00] =	vst v4  }
0x11b: {  	[tilespmem:s21+$0xFFFFFE00] =	vst v1  }
0x11c: {  	[tilespmem:s21+$0xFFFFFF80] =	vst v5  }
0x11d: {  	[tilespmem:s21+$0x0] =	vst v6  }
0x11e: {  	[tilespmem:s21+$0x80] =	vst v7  }
0x11f: {  	[tilespmem:s21+$0x100] =	vst v2  }
0x120: {  	v6 =	vld [tilespmem:s20+$0x50];
	_ =	sdelay $0x4  }
0x121: {  	v2 =	vadd.s32 $0x1B58, v6  }
0x122: {  	v3 =	vadd.s32 $0x3E8, v6  }
0x123: {  	p3 =	sgt.u32 s4, $0x8;
	v4 =	vadd.s32 $0x7D0, v6  }
.Ltmp19:
0x124: {  	_ = 	snop;
	(pc) =	sbr.rel @!p3 .LBB2_34-.Ltmp19, $4  }
0x125: {  	v1 =	vld.idx.msk [tilespmem:v6+s3+$0x0], $0xffff  }
0x126: {  	v2 =	vld.idx.msk [tilespmem:v2+s3+$0x0], $0xffff  }
0x127: {  	v5 =	vadd.s32 $0xBB8, v6;
	v9 =	vadd.s32 $0xFA0, v6;
	v3 =	vld.idx.msk [tilespmem:v3+s3+$0x0], $0xffff  }
0x128: {  	p2 =	por $0x0, $0x0;
	s21 =	simm.s32 $0x19C50;
	v11 =	vadd.s32 $0x1388, v6;
	v10 =	vadd.s32 $0x1770, v6;
	v12 =	vadd.s32 $0x1F40, v6;
	v4 =	vld.idx.msk [tilespmem:v4+s3+$0x0], $0xffff  }
0x129: {  	_ =	sdelay $0x3  }
0x12a: {  	v13 =	vadd.s32 $0x1B58, v12;
	v14 =	vld.idx.msk [tilespmem:v5+s3+$0x0], $0xffff  }
0x12b: {  	v15 =	vadd.s32 $0x3E8, v12;
	v16 =	vld.idx.msk [tilespmem:v9+s3+$0x0], $0xffff  }
0x12c: {  	v17 =	vadd.s32 $0x7D0, v12;
	v6 =	vld.idx.msk [tilespmem:v11+s3+$0x0], $0xffff;
	p3 =	sgt.u32 s4, $0x10  }
.Ltmp20:
0x12d: {  	v7 =	vld.idx.msk [tilespmem:v10+s3+$0x0], $0xffff;
	v5 =	vadd.s32 $0xBB8, v12;
	[tilespmem:s21+$0x180] =	vst v2;
	(pc) =	sbr.rel @!p3 .LBB2_36-.Ltmp20, $4  }
0x12e: {  	v8 =	vld.idx.msk [tilespmem:v12+s3+$0x0], $0xffff;
	v9 =	vadd.s32 $0xFA0, v12;
	[tilespmem:s21+$0xFFFFFE80] =	vst v3  }
0x12f: {  	v11 =	vadd.s32 $0x1388, v12;
	[tilespmem:s21+$0xFFFFFF00] =	vst v4;
	v2 =	vld.idx.msk [tilespmem:v13+s3+$0x0], $0xffff  }
0x130: {  	v10 =	vadd.s32 $0x1770, v12;
	v3 =	vld.idx.msk [tilespmem:v15+s3+$0x0], $0xffff;
	[tilespmem:s21+$0xFFFFFF80] =	vst v14  }
0x131: {  	s23 =	simm.s32 $0x10;
	v12 =	vadd.s32 $0x1F40, v12;
	p2 =	por $0x1, $0x1;
	s22 =	simm.s32 $0x19C50;
	v4 =	vld.idx.msk [tilespmem:v17+s3+$0x0], $0xffff;
	[tilespmem:s21+$0x0] =	vst v16  }
.LBB2_37:
0x132: {  	v13 =	vadd.s32 $0x3E8, v12;
	v14 =	vadd.s32 $0x7D0, v12;
	v15 =	vadd.s32 $0x1B58, v12;
	s23 =	sadd.s32 $0x8, s23;
	v16 =	vld.idx.msk [tilespmem:v5+s3+$0x0], $0xffff;
	[tilespmem:s22+$0x80] =	vst v6  }
0x133: {  	v5 =	vadd.s32 $0xBB8, v12;
	v17 =	vadd.s32 $0x1388, v12;
	p3 =	slt.u32 s23, s4;
	v18 =	vld.idx.msk [tilespmem:v9+s3+$0x0], $0xffff;
	v9 =	vadd.s32 $0xFA0, v12;
	[tilespmem:s22+$0x100] =	vst v7  }
0x134: {  	v19 =	vadd.s32 $0x1770, v12;
	v6 =	vld.idx.msk [tilespmem:v11+s3+$0x0], $0xffff;
	[tilespmem:s22+$0xFFFFFE00] =	vst v1;
	s22 =	sadd.s32 $0x400, s22;
	v11 =	vmov v17;
	v1 =	vmov v8  }
.Ltmp21:
0x135: {  	v7 =	vld.idx.msk [tilespmem:v10+s3+$0x0], $0xffff;
	[tilespmem:s22+$0x180] =	vst v2;
	v10 =	vmov v19;
	(pc) =	sbr.rel @p3 .LBB2_37-.Ltmp21, $4  }
0x136: {  	v8 =	vld.idx.msk [tilespmem:v12+s3+$0x0], $0xffff;
	[tilespmem:s22+$0xFFFFFE80] =	vst v3  }
0x137: {  	v2 =	vld.idx.msk [tilespmem:v15+s3+$0x0], $0xffff;
	[tilespmem:s22+$0xFFFFFF00] =	vst v4  }
0x138: {  	v3 =	vld.idx.msk [tilespmem:v13+s3+$0x0], $0xffff;
	[tilespmem:s22+$0xFFFFFF80] =	vst v16  }
0x139: {  	v12 =	vadd.s32 $0x1F40, v12;
	v4 =	vld.idx.msk [tilespmem:v14+s3+$0x0], $0xffff;
	[tilespmem:s22+$0x0] =	vst v18  }
0x13a: {  	_ = 	snop  }
0x13b: {  	v12 =	vmov v1;
	v1 =	vmov v8  }
.LBB2_39:
0x13c: {  	_ =	sdelay $0x1  }
0x13d: {  	[tilespmem:s22+$0x80] =	vst @p2 v6  }
0x13e: {  	[tilespmem:s22+$0x100] =	vst @p2 v7;
	s23 =	sadd.s32 @p2 $0x400, s22  }
0x13f: {  	v5 =	vld.idx.msk [tilespmem:v5+s3+$0x0], $0xffff;
	[tilespmem:s22+$0xFFFFFE00] =	vst @p2 v12;
	s21 =	smov.u32 @p2 s23  }
0x140: {  	v6 =	vld.idx.msk [tilespmem:v9+s3+$0x0], $0xffff;
	[tilespmem:s21+$0x180] =	vst v2  }
0x141: {  	v7 =	vld.idx.msk [tilespmem:v11+s3+$0x0], $0xffff;
	[tilespmem:s21+$0xFFFFFE80] =	vst v3  }
0x142: {  	v2 =	vld.idx.msk [tilespmem:v10+s3+$0x0], $0xffff;
	[tilespmem:s21+$0xFFFFFF00] =	vst v4  }
0x143: {  	[tilespmem:s21+$0xFFFFFE00] =	vst v1  }
0x144: {  	[tilespmem:s21+$0xFFFFFF80] =	vst v5  }
0x145: {  	[tilespmem:s21+$0x0] =	vst v6  }
0x146: {  	[tilespmem:s21+$0x80] =	vst v7  }
0x147: {  	[tilespmem:s21+$0x100] =	vst v2  }
0x148: {  	v6 =	vld [tilespmem:s20+$0x60];
	_ =	sdelay $0x4  }
0x149: {  	v2 =	vadd.s32 $0x1B58, v6  }
0x14a: {  	v3 =	vadd.s32 $0x3E8, v6  }
0x14b: {  	p3 =	sgt.u32 s4, $0x8;
	v4 =	vadd.s32 $0x7D0, v6  }
.Ltmp22:
0x14c: {  	_ = 	snop;
	(pc) =	sbr.rel @!p3 .LBB2_40-.Ltmp22, $4  }
0x14d: {  	v1 =	vld.idx.msk [tilespmem:v6+s3+$0x0], $0xffff  }
0x14e: {  	v2 =	vld.idx.msk [tilespmem:v2+s3+$0x0], $0xffff  }
0x14f: {  	v5 =	vadd.s32 $0xBB8, v6;
	v9 =	vadd.s32 $0xFA0, v6;
	v3 =	vld.idx.msk [tilespmem:v3+s3+$0x0], $0xffff  }
0x150: {  	p2 =	por $0x0, $0x0;
	s21 =	simm.s32 $0x19C60;
	v11 =	vadd.s32 $0x1388, v6;
	v10 =	vadd.s32 $0x1770, v6;
	v12 =	vadd.s32 $0x1F40, v6;
	v4 =	vld.idx.msk [tilespmem:v4+s3+$0x0], $0xffff  }
0x151: {  	_ =	sdelay $0x3  }
0x152: {  	v13 =	vadd.s32 $0x1B58, v12;
	v14 =	vld.idx.msk [tilespmem:v5+s3+$0x0], $0xffff  }
0x153: {  	v15 =	vadd.s32 $0x3E8, v12;
	v16 =	vld.idx.msk [tilespmem:v9+s3+$0x0], $0xffff  }
0x154: {  	v17 =	vadd.s32 $0x7D0, v12;
	v6 =	vld.idx.msk [tilespmem:v11+s3+$0x0], $0xffff;
	p3 =	sgt.u32 s4, $0x10  }
.Ltmp23:
0x155: {  	v7 =	vld.idx.msk [tilespmem:v10+s3+$0x0], $0xffff;
	v5 =	vadd.s32 $0xBB8, v12;
	[tilespmem:s21+$0x180] =	vst v2;
	(pc) =	sbr.rel @!p3 .LBB2_42-.Ltmp23, $4  }
0x156: {  	v8 =	vld.idx.msk [tilespmem:v12+s3+$0x0], $0xffff;
	v9 =	vadd.s32 $0xFA0, v12;
	[tilespmem:s21+$0xFFFFFE80] =	vst v3  }
0x157: {  	v11 =	vadd.s32 $0x1388, v12;
	[tilespmem:s21+$0xFFFFFF00] =	vst v4;
	v2 =	vld.idx.msk [tilespmem:v13+s3+$0x0], $0xffff  }
0x158: {  	v10 =	vadd.s32 $0x1770, v12;
	v3 =	vld.idx.msk [tilespmem:v15+s3+$0x0], $0xffff;
	[tilespmem:s21+$0xFFFFFF80] =	vst v14  }
0x159: {  	s23 =	simm.s32 $0x10;
	v12 =	vadd.s32 $0x1F40, v12;
	p2 =	por $0x1, $0x1;
	s22 =	simm.s32 $0x19C60;
	v4 =	vld.idx.msk [tilespmem:v17+s3+$0x0], $0xffff;
	[tilespmem:s21+$0x0] =	vst v16  }
.LBB2_43:
0x15a: {  	v13 =	vadd.s32 $0x3E8, v12;
	v14 =	vadd.s32 $0x7D0, v12;
	v15 =	vadd.s32 $0x1B58, v12;
	s23 =	sadd.s32 $0x8, s23;
	v16 =	vld.idx.msk [tilespmem:v5+s3+$0x0], $0xffff;
	[tilespmem:s22+$0x80] =	vst v6  }
0x15b: {  	v5 =	vadd.s32 $0xBB8, v12;
	v17 =	vadd.s32 $0x1388, v12;
	p3 =	slt.u32 s23, s4;
	v18 =	vld.idx.msk [tilespmem:v9+s3+$0x0], $0xffff;
	v9 =	vadd.s32 $0xFA0, v12;
	[tilespmem:s22+$0x100] =	vst v7  }
0x15c: {  	v19 =	vadd.s32 $0x1770, v12;
	v6 =	vld.idx.msk [tilespmem:v11+s3+$0x0], $0xffff;
	[tilespmem:s22+$0xFFFFFE00] =	vst v1;
	s22 =	sadd.s32 $0x400, s22;
	v11 =	vmov v17;
	v1 =	vmov v8  }
.Ltmp24:
0x15d: {  	v7 =	vld.idx.msk [tilespmem:v10+s3+$0x0], $0xffff;
	[tilespmem:s22+$0x180] =	vst v2;
	v10 =	vmov v19;
	(pc) =	sbr.rel @p3 .LBB2_43-.Ltmp24, $4  }
0x15e: {  	v8 =	vld.idx.msk [tilespmem:v12+s3+$0x0], $0xffff;
	[tilespmem:s22+$0xFFFFFE80] =	vst v3  }
0x15f: {  	v2 =	vld.idx.msk [tilespmem:v15+s3+$0x0], $0xffff;
	[tilespmem:s22+$0xFFFFFF00] =	vst v4  }
0x160: {  	v3 =	vld.idx.msk [tilespmem:v13+s3+$0x0], $0xffff;
	[tilespmem:s22+$0xFFFFFF80] =	vst v16  }
0x161: {  	v12 =	vadd.s32 $0x1F40, v12;
	v4 =	vld.idx.msk [tilespmem:v14+s3+$0x0], $0xffff;
	[tilespmem:s22+$0x0] =	vst v18  }
0x162: {  	_ = 	snop  }
0x163: {  	v12 =	vmov v1;
	v1 =	vmov v8  }
.LBB2_45:
0x164: {  	_ =	sdelay $0x1  }
0x165: {  	[tilespmem:s22+$0x80] =	vst @p2 v6  }
0x166: {  	[tilespmem:s22+$0x100] =	vst @p2 v7;
	s23 =	sadd.s32 @p2 $0x400, s22  }
0x167: {  	v5 =	vld.idx.msk [tilespmem:v5+s3+$0x0], $0xffff;
	[tilespmem:s22+$0xFFFFFE00] =	vst @p2 v12;
	s21 =	smov.u32 @p2 s23  }
0x168: {  	v6 =	vld.idx.msk [tilespmem:v9+s3+$0x0], $0xffff;
	[tilespmem:s21+$0x180] =	vst v2  }
0x169: {  	v7 =	vld.idx.msk [tilespmem:v11+s3+$0x0], $0xffff;
	[tilespmem:s21+$0xFFFFFE80] =	vst v3  }
0x16a: {  	v2 =	vld.idx.msk [tilespmem:v10+s3+$0x0], $0xffff;
	[tilespmem:s21+$0xFFFFFF00] =	vst v4  }
0x16b: {  	[tilespmem:s21+$0xFFFFFE00] =	vst v1  }
0x16c: {  	[tilespmem:s21+$0xFFFFFF80] =	vst v5  }
0x16d: {  	[tilespmem:s21+$0x0] =	vst v6  }
0x16e: {  	[tilespmem:s21+$0x80] =	vst v7  }
0x16f: {  	[tilespmem:s21+$0x100] =	vst v2  }
0x170: {  	v6 =	vld [tilespmem:s20+$0x70];
	_ =	sdelay $0x4  }
0x171: {  	v2 =	vadd.s32 $0x1B58, v6  }
0x172: {  	v3 =	vadd.s32 $0x3E8, v6  }
0x173: {  	p3 =	sgt.u32 s4, $0x8;
	v4 =	vadd.s32 $0x7D0, v6  }
.Ltmp25:
0x174: {  	_ = 	snop;
	(pc) =	sbr.rel @!p3 .LBB2_46-.Ltmp25, $4  }
0x175: {  	v1 =	vld.idx.msk [tilespmem:v6+s3+$0x0], $0xffff  }
0x176: {  	v2 =	vld.idx.msk [tilespmem:v2+s3+$0x0], $0xffff  }
0x177: {  	v5 =	vadd.s32 $0xBB8, v6;
	v9 =	vadd.s32 $0xFA0, v6;
	v3 =	vld.idx.msk [tilespmem:v3+s3+$0x0], $0xffff  }
0x178: {  	p2 =	por $0x0, $0x0;
	s20 =	simm.s32 $0x19C70;
	v11 =	vadd.s32 $0x1388, v6;
	v10 =	vadd.s32 $0x1770, v6;
	v12 =	vadd.s32 $0x1F40, v6;
	v4 =	vld.idx.msk [tilespmem:v4+s3+$0x0], $0xffff  }
0x179: {  	_ =	sdelay $0x3  }
0x17a: {  	v13 =	vadd.s32 $0x1B58, v12;
	v14 =	vld.idx.msk [tilespmem:v5+s3+$0x0], $0xffff  }
0x17b: {  	v15 =	vadd.s32 $0x3E8, v12;
	v16 =	vld.idx.msk [tilespmem:v9+s3+$0x0], $0xffff  }
0x17c: {  	v17 =	vadd.s32 $0x7D0, v12;
	v6 =	vld.idx.msk [tilespmem:v11+s3+$0x0], $0xffff;
	p3 =	sgt.u32 s4, $0x10  }
.Ltmp26:
0x17d: {  	v7 =	vld.idx.msk [tilespmem:v10+s3+$0x0], $0xffff;
	v5 =	vadd.s32 $0xBB8, v12;
	[tilespmem:s20+$0x180] =	vst v2;
	(pc) =	sbr.rel @!p3 .LBB2_48-.Ltmp26, $4  }
0x17e: {  	v8 =	vld.idx.msk [tilespmem:v12+s3+$0x0], $0xffff;
	v9 =	vadd.s32 $0xFA0, v12;
	[tilespmem:s20+$0xFFFFFE80] =	vst v3  }
0x17f: {  	v11 =	vadd.s32 $0x1388, v12;
	[tilespmem:s20+$0xFFFFFF00] =	vst v4;
	v2 =	vld.idx.msk [tilespmem:v13+s3+$0x0], $0xffff  }
0x180: {  	v10 =	vadd.s32 $0x1770, v12;
	v3 =	vld.idx.msk [tilespmem:v15+s3+$0x0], $0xffff;
	[tilespmem:s20+$0xFFFFFF80] =	vst v14  }
0x181: {  	s22 =	simm.s32 $0x10;
	v12 =	vadd.s32 $0x1F40, v12;
	p2 =	por $0x1, $0x1;
	s21 =	simm.s32 $0x19C70;
	v4 =	vld.idx.msk [tilespmem:v17+s3+$0x0], $0xffff;
	[tilespmem:s20+$0x0] =	vst v16  }
.LBB2_49:
0x182: {  	v13 =	vadd.s32 $0x3E8, v12;
	v14 =	vadd.s32 $0x7D0, v12;
	v15 =	vadd.s32 $0x1B58, v12;
	s22 =	sadd.s32 $0x8, s22;
	v16 =	vld.idx.msk [tilespmem:v5+s3+$0x0], $0xffff;
	[tilespmem:s21+$0x80] =	vst v6  }
0x183: {  	v5 =	vadd.s32 $0xBB8, v12;
	v17 =	vadd.s32 $0x1388, v12;
	p3 =	slt.u32 s22, s4;
	v18 =	vld.idx.msk [tilespmem:v9+s3+$0x0], $0xffff;
	v9 =	vadd.s32 $0xFA0, v12;
	[tilespmem:s21+$0x100] =	vst v7  }
0x184: {  	v19 =	vadd.s32 $0x1770, v12;
	v6 =	vld.idx.msk [tilespmem:v11+s3+$0x0], $0xffff;
	[tilespmem:s21+$0xFFFFFE00] =	vst v1;
	s21 =	sadd.s32 $0x400, s21;
	v11 =	vmov v17;
	v1 =	vmov v8  }
.Ltmp27:
0x185: {  	v7 =	vld.idx.msk [tilespmem:v10+s3+$0x0], $0xffff;
	[tilespmem:s21+$0x180] =	vst v2;
	v10 =	vmov v19;
	(pc) =	sbr.rel @p3 .LBB2_49-.Ltmp27, $4  }
0x186: {  	v8 =	vld.idx.msk [tilespmem:v12+s3+$0x0], $0xffff;
	[tilespmem:s21+$0xFFFFFE80] =	vst v3  }
0x187: {  	v2 =	vld.idx.msk [tilespmem:v15+s3+$0x0], $0xffff;
	[tilespmem:s21+$0xFFFFFF00] =	vst v4  }
0x188: {  	v3 =	vld.idx.msk [tilespmem:v13+s3+$0x0], $0xffff;
	[tilespmem:s21+$0xFFFFFF80] =	vst v16  }
0x189: {  	v12 =	vadd.s32 $0x1F40, v12;
	v4 =	vld.idx.msk [tilespmem:v14+s3+$0x0], $0xffff;
	[tilespmem:s21+$0x0] =	vst v18  }
0x18a: {  	_ = 	snop  }
0x18b: {  	v12 =	vmov v1;
	v1 =	vmov v8  }
.LBB2_51:
0x18c: {  	_ =	sdelay $0x2  }
0x18d: {  	[tilespmem:s21+$0x80] =	vst @p2 v6;
	s22 =	sadd.s32 @p2 $0x400, s21  }
0x18e: {  	v5 =	vld.idx.msk [tilespmem:v5+s3+$0x0], $0xffff;
	[tilespmem:s21+$0x100] =	vst @p2 v7;
	s20 =	smov.u32 @p2 s22  }
0x18f: {  	v6 =	vld.idx.msk [tilespmem:v9+s3+$0x0], $0xffff;
	[tilespmem:s20+$0x180] =	vst v2  }
0x190: {  	v7 =	vld.idx.msk [tilespmem:v11+s3+$0x0], $0xffff;
	[tilespmem:s20+$0xFFFFFE80] =	vst v3  }
0x191: {  	v2 =	vld.idx.msk [tilespmem:v10+s3+$0x0], $0xffff;
	[tilespmem:s20+$0xFFFFFF00] =	vst v4  }
0x192: {  	[tilespmem:s20+$0xFFFFFE00] =	vst v1  }
0x193: {  	[tilespmem:s20+$0xFFFFFF80] =	vst v5  }
0x194: {  	[tilespmem:s20+$0x0] =	vst v6  }
0x195: {  	s30 =	sor.u32 s7, s19;
	[tilespmem:s20+$0x80] =	vst v7  }
0x196: {  	[tilespmem:s20+$0x100] =	vst v2;
	s20 =	sshll.u32 s30, $0xA  }
0x197: {  	[tilespmem:s21+$0xFFFFFE00] =	vst @p2 v12;
	s21 =	sadd.s32 @p0 s20, s16  }
0x198: {  	s21 =	sshrl.u32 @p0 s21, $0x3  }
0x199: {  	s23 =	simm.s32 @p0 $0x19A00;
	s22 =	simm.s32 @p0 $0x0;
	s21 =	sadd.s32 @p0 s2, s21  }
0x19a: {  	[hbm4b:s21+s22] =	stream.linear.scatter @p0 [tilespmem:s23], [sflag:$0x1], $0x400, $0x38;
	[tilespmem:$0x1DA00] =	vst v63  }
0x19b: {  	s24 =	simm.s32 @p0 $0x19E00;
	s23 =	sadd.s32 @p0 $0x1000, s21  }
0x19c: {  	[hbm4b:s23+s22] =	stream.linear.scatter @p0 [tilespmem:s24], [sflag:$0x1], $0x400, $0x38;
	[tilespmem:$0x1DA00] =	vst v63  }
0x19d: {  	s23 =	sadd.s32 @p0 $0x2000, s21;
	s24 =	simm.s32 @p0 $0x1A200  }
0x19e: {  	[hbm4b:s23+s22] =	stream.linear.scatter @p0 [tilespmem:s24], [sflag:$0x1], $0x400, $0x38;
	[tilespmem:$0x1DA00] =	vst v63  }
0x19f: {  	p2 =	seq.s32 @p0 s18, $0x0;
	s23 =	sadd.s32 @p0 $0x3000, s21;
	s24 =	simm.s32 @p0 $0x1A600  }
0x1a0: {  	[hbm4b:s23+s22] =	stream.linear.scatter @p0 [tilespmem:s24], [sflag:$0x1], $0x400, $0x38;
	[tilespmem:$0x1DA00] =	vst v63  }
0x1a1: {  	p2 =	por p2, !p0;
	s21 =	sadd.s32 @p0 $0x4000, s21;
	s23 =	simm.s32 @p0 $0x1AA00  }
0x1a2: {  	[hbm4b:s21+s22] =	stream.linear.scatter @p0 [tilespmem:s23], [sflag:$0x1], $0x400, $0x38;
	[tilespmem:$0x1DA00] =	vst v63  }
0x1a3: {  	s21 =	simm.s32 @!p2 $0x2  }
0x1a4: {  	_ =	swait.ge @!p2 [sflag:s21], $0x400  }
0x1a5: {  	[sflag:s21] =	ssyncset.done @!p2 $0x0  }
0x1a6: {  	[sflag:s21] =	ssyncadd.s32 @!p2 $0xFFFFFC00  }
0x1a7: {  	_ =	swait.ge @!p2 [sflag:s21], $0x400  }
0x1a8: {  	[sflag:s21] =	ssyncset.done @!p2 $0x0  }
0x1a9: {  	[sflag:s21] =	ssyncadd.s32 @!p2 $0xFFFFFC00  }
0x1aa: {  	_ =	swait.ge @!p2 [sflag:s21], $0x400  }
0x1ab: {  	[sflag:s21] =	ssyncset.done @!p2 $0x0  }
0x1ac: {  	[sflag:s21] =	ssyncadd.s32 @!p2 $0xFFFFFC00  }
0x1ad: {  	_ =	swait.ge @!p2 [sflag:s21], $0x400  }
0x1ae: {  	[sflag:s21] =	ssyncset.done @!p2 $0x0  }
0x1af: {  	[sflag:s21] =	ssyncadd.s32 @!p2 $0xFFFFFC00  }
0x1b0: {  	s20 =	sadd.s32 @!p0 s15, s20;
	_ =	swait.ge @!p2 [sflag:s21], $0x400  }
0x1b1: {  	s20 =	sshrl.u32 @!p0 s20, $0x3;
	[sflag:s21] =	ssyncset.done @!p2 $0x0  }
0x1b2: {  	s22 =	simm.s32 @!p0 $0x19A00;
	[sflag:s21] =	ssyncadd.s32 @!p2 $0xFFFFFC00;
	p2 =	seq.s32 @!p0 s18, $0x0  }
0x1b3: {  	s18 =	sadd.s32 @!p0 s2, s20;
	s20 =	simm.s32 @!p0 $0x400;
	s21 =	simm.s32 @!p0 $0x8000  }
0x1b4: {  	[hbm4b:s18+s20] =	stream.strided.scatter @!p0 [tilespmem:s22], [sflag:$0x1], $0x2000, s21, s20, $0x38;
	[tilespmem:$0x1DA00] =	vst v63  }
0x1b5: {  	p2 =	por p2, p0  }
0x1b6: {  	s18 =	simm.s32 @!p2 $0x2  }
0x1b7: {  	_ =	swait.ge @!p2 [sflag:s18], $0x2000  }
0x1b8: {  	[sflag:s18] =	ssyncset.done @!p2 $0x0  }
0x1b9: {  	[sflag:s18] =	ssyncadd.s32 @!p2 $0xFFFFE000;
	s18 =	sor.u32 $0x1, s19  }
0x1ba: {  	s19 =	sshll.u32 s18, $0x9  }
0x1bb: {  	s31 =	sshra.s32 s19, $0x2  }
0x1bc: {  	v6 =	vld.idx.msk [tilespmem:v0+s31+$0x0 ss:$0x1], $0xffff;
	_ =	sdelay $0x4  }
0x1bd: {  	v2 =	vadd.s32 $0x1B58, v6  }
0x1be: {  	v3 =	vadd.s32 $0x3E8, v6  }
0x1bf: {  	p3 =	sgt.u32 s4, $0x8;
	v4 =	vadd.s32 $0x7D0, v6  }
.Ltmp28:
0x1c0: {  	_ = 	snop;
	(pc) =	sbr.rel @!p3 .LBB2_52-.Ltmp28, $4  }
0x1c1: {  	v1 =	vld.idx.msk [tilespmem:v6+s3+$0x0], $0xffff  }
0x1c2: {  	v2 =	vld.idx.msk [tilespmem:v2+s3+$0x0], $0xffff  }
0x1c3: {  	v5 =	vadd.s32 $0xBB8, v6;
	v9 =	vadd.s32 $0xFA0, v6;
	v3 =	vld.idx.msk [tilespmem:v3+s3+$0x0], $0xffff  }
0x1c4: {  	s20 =	simm.s32 $0x1BC00;
	p2 =	por $0x0, $0x0;
	s19 =	sadd.s32 s31, s14;
	v11 =	vadd.s32 $0x1388, v6;
	v10 =	vadd.s32 $0x1770, v6;
	v12 =	vadd.s32 $0x1F40, v6;
	v4 =	vld.idx.msk [tilespmem:v4+s3+$0x0], $0xffff  }
0x1c5: {  	_ =	sdelay $0x3  }
0x1c6: {  	v13 =	vadd.s32 $0x1B58, v12;
	v14 =	vld.idx.msk [tilespmem:v5+s3+$0x0], $0xffff  }
0x1c7: {  	v15 =	vadd.s32 $0x3E8, v12;
	v16 =	vld.idx.msk [tilespmem:v9+s3+$0x0], $0xffff  }
0x1c8: {  	v17 =	vadd.s32 $0x7D0, v12;
	v6 =	vld.idx.msk [tilespmem:v11+s3+$0x0], $0xffff;
	p3 =	sgt.u32 s4, $0x10  }
.Ltmp29:
0x1c9: {  	v7 =	vld.idx.msk [tilespmem:v10+s3+$0x0], $0xffff;
	v5 =	vadd.s32 $0xBB8, v12;
	[tilespmem:s20+$0x180] =	vst v2;
	(pc) =	sbr.rel @!p3 .LBB2_54-.Ltmp29, $4  }
0x1ca: {  	v8 =	vld.idx.msk [tilespmem:v12+s3+$0x0], $0xffff;
	v9 =	vadd.s32 $0xFA0, v12;
	[tilespmem:s20+$0xFFFFFE80] =	vst v3  }
0x1cb: {  	v11 =	vadd.s32 $0x1388, v12;
	[tilespmem:s20+$0xFFFFFF00] =	vst v4;
	v2 =	vld.idx.msk [tilespmem:v13+s3+$0x0], $0xffff  }
0x1cc: {  	v10 =	vadd.s32 $0x1770, v12;
	v3 =	vld.idx.msk [tilespmem:v15+s3+$0x0], $0xffff;
	[tilespmem:s20+$0xFFFFFF80] =	vst v14  }
0x1cd: {  	s22 =	simm.s32 $0x10;
	v12 =	vadd.s32 $0x1F40, v12;
	p2 =	por $0x1, $0x1;
	s21 =	simm.s32 $0x1BC00;
	v4 =	vld.idx.msk [tilespmem:v17+s3+$0x0], $0xffff;
	[tilespmem:s20+$0x0] =	vst v16  }
.LBB2_55:
0x1ce: {  	v13 =	vadd.s32 $0x3E8, v12;
	v14 =	vadd.s32 $0x7D0, v12;
	v15 =	vadd.s32 $0x1B58, v12;
	s22 =	sadd.s32 $0x8, s22;
	v16 =	vld.idx.msk [tilespmem:v5+s3+$0x0], $0xffff;
	[tilespmem:s21+$0x80] =	vst v6  }
0x1cf: {  	v5 =	vadd.s32 $0xBB8, v12;
	v17 =	vadd.s32 $0x1388, v12;
	p3 =	slt.u32 s22, s4;
	v18 =	vld.idx.msk [tilespmem:v9+s3+$0x0], $0xffff;
	v9 =	vadd.s32 $0xFA0, v12;
	[tilespmem:s21+$0x100] =	vst v7  }
0x1d0: {  	v19 =	vadd.s32 $0x1770, v12;
	v6 =	vld.idx.msk [tilespmem:v11+s3+$0x0], $0xffff;
	[tilespmem:s21+$0xFFFFFE00] =	vst v1;
	s21 =	sadd.s32 $0x400, s21;
	v11 =	vmov v17;
	v1 =	vmov v8  }
.Ltmp30:
0x1d1: {  	v7 =	vld.idx.msk [tilespmem:v10+s3+$0x0], $0xffff;
	[tilespmem:s21+$0x180] =	vst v2;
	v10 =	vmov v19;
	(pc) =	sbr.rel @p3 .LBB2_55-.Ltmp30, $4  }
0x1d2: {  	v8 =	vld.idx.msk [tilespmem:v12+s3+$0x0], $0xffff;
	[tilespmem:s21+$0xFFFFFE80] =	vst v3  }
0x1d3: {  	v2 =	vld.idx.msk [tilespmem:v15+s3+$0x0], $0xffff;
	[tilespmem:s21+$0xFFFFFF00] =	vst v4  }
0x1d4: {  	v3 =	vld.idx.msk [tilespmem:v13+s3+$0x0], $0xffff;
	[tilespmem:s21+$0xFFFFFF80] =	vst v16  }
0x1d5: {  	v12 =	vadd.s32 $0x1F40, v12;
	v4 =	vld.idx.msk [tilespmem:v14+s3+$0x0], $0xffff;
	[tilespmem:s21+$0x0] =	vst v18  }
0x1d6: {  	_ = 	snop  }
0x1d7: {  	v12 =	vmov v1;
	v1 =	vmov v8  }
.LBB2_57:
0x1d8: {  	_ =	sdelay $0x1  }
0x1d9: {  	[tilespmem:s21+$0x80] =	vst @p2 v6  }
0x1da: {  	[tilespmem:s21+$0x100] =	vst @p2 v7;
	s22 =	sadd.s32 @p2 $0x400, s21  }
0x1db: {  	v5 =	vld.idx.msk [tilespmem:v5+s3+$0x0], $0xffff;
	[tilespmem:s21+$0xFFFFFE00] =	vst @p2 v12;
	s20 =	smov.u32 @p2 s22  }
0x1dc: {  	v6 =	vld.idx.msk [tilespmem:v9+s3+$0x0], $0xffff;
	[tilespmem:s20+$0x180] =	vst v2  }
0x1dd: {  	v7 =	vld.idx.msk [tilespmem:v11+s3+$0x0], $0xffff;
	[tilespmem:s20+$0xFFFFFE80] =	vst v3  }
0x1de: {  	v2 =	vld.idx.msk [tilespmem:v10+s3+$0x0], $0xffff;
	[tilespmem:s20+$0xFFFFFF00] =	vst v4  }
0x1df: {  	[tilespmem:s20+$0xFFFFFE00] =	vst v1  }
0x1e0: {  	[tilespmem:s20+$0xFFFFFF80] =	vst v5  }
0x1e1: {  	[tilespmem:s20+$0x0] =	vst v6  }
0x1e2: {  	[tilespmem:s20+$0x80] =	vst v7  }
0x1e3: {  	[tilespmem:s20+$0x100] =	vst v2  }
0x1e4: {  	v6 =	vld [tilespmem:s19+$0x10];
	_ =	sdelay $0x4  }
0x1e5: {  	v2 =	vadd.s32 $0x1B58, v6  }
0x1e6: {  	v3 =	vadd.s32 $0x3E8, v6  }
0x1e7: {  	p3 =	sgt.u32 s4, $0x8;
	v4 =	vadd.s32 $0x7D0, v6  }
.Ltmp31:
0x1e8: {  	_ = 	snop;
	(pc) =	sbr.rel @!p3 .LBB2_58-.Ltmp31, $4  }
0x1e9: {  	v1 =	vld.idx.msk [tilespmem:v6+s3+$0x0], $0xffff  }
0x1ea: {  	v2 =	vld.idx.msk [tilespmem:v2+s3+$0x0], $0xffff  }
0x1eb: {  	v5 =	vadd.s32 $0xBB8, v6;
	v9 =	vadd.s32 $0xFA0, v6;
	v3 =	vld.idx.msk [tilespmem:v3+s3+$0x0], $0xffff  }
0x1ec: {  	p2 =	por $0x0, $0x0;
	s20 =	simm.s32 $0x1BC10;
	v11 =	vadd.s32 $0x1388, v6;
	v10 =	vadd.s32 $0x1770, v6;
	v12 =	vadd.s32 $0x1F40, v6;
	v4 =	vld.idx.msk [tilespmem:v4+s3+$0x0], $0xffff  }
0x1ed: {  	_ =	sdelay $0x3  }
0x1ee: {  	v13 =	vadd.s32 $0x1B58, v12;
	v14 =	vld.idx.msk [tilespmem:v5+s3+$0x0], $0xffff  }
0x1ef: {  	v15 =	vadd.s32 $0x3E8, v12;
	v16 =	vld.idx.msk [tilespmem:v9+s3+$0x0], $0xffff  }
0x1f0: {  	v17 =	vadd.s32 $0x7D0, v12;
	v6 =	vld.idx.msk [tilespmem:v11+s3+$0x0], $0xffff;
	p3 =	sgt.u32 s4, $0x10  }
.Ltmp32:
0x1f1: {  	v7 =	vld.idx.msk [tilespmem:v10+s3+$0x0], $0xffff;
	v5 =	vadd.s32 $0xBB8, v12;
	[tilespmem:s20+$0x180] =	vst v2;
	(pc) =	sbr.rel @!p3 .LBB2_60-.Ltmp32, $4  }
0x1f2: {  	v8 =	vld.idx.msk [tilespmem:v12+s3+$0x0], $0xffff;
	v9 =	vadd.s32 $0xFA0, v12;
	[tilespmem:s20+$0xFFFFFE80] =	vst v3  }
0x1f3: {  	v11 =	vadd.s32 $0x1388, v12;
	[tilespmem:s20+$0xFFFFFF00] =	vst v4;
	v2 =	vld.idx.msk [tilespmem:v13+s3+$0x0], $0xffff  }
0x1f4: {  	v10 =	vadd.s32 $0x1770, v12;
	v3 =	vld.idx.msk [tilespmem:v15+s3+$0x0], $0xffff;
	[tilespmem:s20+$0xFFFFFF80] =	vst v14  }
0x1f5: {  	s22 =	simm.s32 $0x10;
	v12 =	vadd.s32 $0x1F40, v12;
	p2 =	por $0x1, $0x1;
	s21 =	simm.s32 $0x1BC10;
	v4 =	vld.idx.msk [tilespmem:v17+s3+$0x0], $0xffff;
	[tilespmem:s20+$0x0] =	vst v16  }
.LBB2_61:
0x1f6: {  	v13 =	vadd.s32 $0x3E8, v12;
	v14 =	vadd.s32 $0x7D0, v12;
	v15 =	vadd.s32 $0x1B58, v12;
	s22 =	sadd.s32 $0x8, s22;
	v16 =	vld.idx.msk [tilespmem:v5+s3+$0x0], $0xffff;
	[tilespmem:s21+$0x80] =	vst v6  }
0x1f7: {  	v5 =	vadd.s32 $0xBB8, v12;
	v17 =	vadd.s32 $0x1388, v12;
	p3 =	slt.u32 s22, s4;
	v18 =	vld.idx.msk [tilespmem:v9+s3+$0x0], $0xffff;
	v9 =	vadd.s32 $0xFA0, v12;
	[tilespmem:s21+$0x100] =	vst v7  }
0x1f8: {  	v19 =	vadd.s32 $0x1770, v12;
	v6 =	vld.idx.msk [tilespmem:v11+s3+$0x0], $0xffff;
	[tilespmem:s21+$0xFFFFFE00] =	vst v1;
	s21 =	sadd.s32 $0x400, s21;
	v11 =	vmov v17;
	v1 =	vmov v8  }
.Ltmp33:
0x1f9: {  	v7 =	vld.idx.msk [tilespmem:v10+s3+$0x0], $0xffff;
	[tilespmem:s21+$0x180] =	vst v2;
	v10 =	vmov v19;
	(pc) =	sbr.rel @p3 .LBB2_61-.Ltmp33, $4  }
0x1fa: {  	v8 =	vld.idx.msk [tilespmem:v12+s3+$0x0], $0xffff;
	[tilespmem:s21+$0xFFFFFE80] =	vst v3  }
0x1fb: {  	v2 =	vld.idx.msk [tilespmem:v15+s3+$0x0], $0xffff;
	[tilespmem:s21+$0xFFFFFF00] =	vst v4  }
0x1fc: {  	v3 =	vld.idx.msk [tilespmem:v13+s3+$0x0], $0xffff;
	[tilespmem:s21+$0xFFFFFF80] =	vst v16  }
0x1fd: {  	v12 =	vadd.s32 $0x1F40, v12;
	v4 =	vld.idx.msk [tilespmem:v14+s3+$0x0], $0xffff;
	[tilespmem:s21+$0x0] =	vst v18  }
0x1fe: {  	_ = 	snop  }
0x1ff: {  	v12 =	vmov v1;
	v1 =	vmov v8  }
.LBB2_63:
0x200: {  	_ =	sdelay $0x1  }
0x201: {  	[tilespmem:s21+$0x80] =	vst @p2 v6  }
0x202: {  	[tilespmem:s21+$0x100] =	vst @p2 v7;
	s22 =	sadd.s32 @p2 $0x400, s21  }
0x203: {  	v5 =	vld.idx.msk [tilespmem:v5+s3+$0x0], $0xffff;
	[tilespmem:s21+$0xFFFFFE00] =	vst @p2 v12;
	s20 =	smov.u32 @p2 s22  }
0x204: {  	v6 =	vld.idx.msk [tilespmem:v9+s3+$0x0], $0xffff;
	[tilespmem:s20+$0x180] =	vst v2  }
0x205: {  	v7 =	vld.idx.msk [tilespmem:v11+s3+$0x0], $0xffff;
	[tilespmem:s20+$0xFFFFFE80] =	vst v3  }
0x206: {  	v2 =	vld.idx.msk [tilespmem:v10+s3+$0x0], $0xffff;
	[tilespmem:s20+$0xFFFFFF00] =	vst v4  }
0x207: {  	[tilespmem:s20+$0xFFFFFE00] =	vst v1  }
0x208: {  	[tilespmem:s20+$0xFFFFFF80] =	vst v5  }
0x209: {  	[tilespmem:s20+$0x0] =	vst v6  }
0x20a: {  	[tilespmem:s20+$0x80] =	vst v7  }
0x20b: {  	[tilespmem:s20+$0x100] =	vst v2  }
0x20c: {  	v6 =	vld [tilespmem:s19+$0x20];
	_ =	sdelay $0x4  }
0x20d: {  	v2 =	vadd.s32 $0x1B58, v6  }
0x20e: {  	v3 =	vadd.s32 $0x3E8, v6  }
0x20f: {  	p3 =	sgt.u32 s4, $0x8;
	v4 =	vadd.s32 $0x7D0, v6  }
.Ltmp34:
0x210: {  	_ = 	snop;
	(pc) =	sbr.rel @!p3 .LBB2_64-.Ltmp34, $4  }
0x211: {  	v1 =	vld.idx.msk [tilespmem:v6+s3+$0x0], $0xffff  }
0x212: {  	v2 =	vld.idx.msk [tilespmem:v2+s3+$0x0], $0xffff  }
0x213: {  	v5 =	vadd.s32 $0xBB8, v6;
	v9 =	vadd.s32 $0xFA0, v6;
	v3 =	vld.idx.msk [tilespmem:v3+s3+$0x0], $0xffff  }
0x214: {  	p2 =	por $0x0, $0x0;
	s20 =	simm.s32 $0x1BC20;
	v11 =	vadd.s32 $0x1388, v6;
	v10 =	vadd.s32 $0x1770, v6;
	v12 =	vadd.s32 $0x1F40, v6;
	v4 =	vld.idx.msk [tilespmem:v4+s3+$0x0], $0xffff  }
0x215: {  	_ =	sdelay $0x3  }
0x216: {  	v13 =	vadd.s32 $0x1B58, v12;
	v14 =	vld.idx.msk [tilespmem:v5+s3+$0x0], $0xffff  }
0x217: {  	v15 =	vadd.s32 $0x3E8, v12;
	v16 =	vld.idx.msk [tilespmem:v9+s3+$0x0], $0xffff  }
0x218: {  	v17 =	vadd.s32 $0x7D0, v12;
	v6 =	vld.idx.msk [tilespmem:v11+s3+$0x0], $0xffff;
	p3 =	sgt.u32 s4, $0x10  }
.Ltmp35:
0x219: {  	v7 =	vld.idx.msk [tilespmem:v10+s3+$0x0], $0xffff;
	v5 =	vadd.s32 $0xBB8, v12;
	[tilespmem:s20+$0x180] =	vst v2;
	(pc) =	sbr.rel @!p3 .LBB2_66-.Ltmp35, $4  }
0x21a: {  	v8 =	vld.idx.msk [tilespmem:v12+s3+$0x0], $0xffff;
	v9 =	vadd.s32 $0xFA0, v12;
	[tilespmem:s20+$0xFFFFFE80] =	vst v3  }
0x21b: {  	v11 =	vadd.s32 $0x1388, v12;
	[tilespmem:s20+$0xFFFFFF00] =	vst v4;
	v2 =	vld.idx.msk [tilespmem:v13+s3+$0x0], $0xffff  }
0x21c: {  	v10 =	vadd.s32 $0x1770, v12;
	v3 =	vld.idx.msk [tilespmem:v15+s3+$0x0], $0xffff;
	[tilespmem:s20+$0xFFFFFF80] =	vst v14  }
0x21d: {  	s22 =	simm.s32 $0x10;
	v12 =	vadd.s32 $0x1F40, v12;
	p2 =	por $0x1, $0x1;
	s21 =	simm.s32 $0x1BC20;
	v4 =	vld.idx.msk [tilespmem:v17+s3+$0x0], $0xffff;
	[tilespmem:s20+$0x0] =	vst v16  }
.LBB2_67:
0x21e: {  	v13 =	vadd.s32 $0x3E8, v12;
	v14 =	vadd.s32 $0x7D0, v12;
	v15 =	vadd.s32 $0x1B58, v12;
	s22 =	sadd.s32 $0x8, s22;
	v16 =	vld.idx.msk [tilespmem:v5+s3+$0x0], $0xffff;
	[tilespmem:s21+$0x80] =	vst v6  }
0x21f: {  	v5 =	vadd.s32 $0xBB8, v12;
	v17 =	vadd.s32 $0x1388, v12;
	p3 =	slt.u32 s22, s4;
	v18 =	vld.idx.msk [tilespmem:v9+s3+$0x0], $0xffff;
	v9 =	vadd.s32 $0xFA0, v12;
	[tilespmem:s21+$0x100] =	vst v7  }
0x220: {  	v19 =	vadd.s32 $0x1770, v12;
	v6 =	vld.idx.msk [tilespmem:v11+s3+$0x0], $0xffff;
	[tilespmem:s21+$0xFFFFFE00] =	vst v1;
	s21 =	sadd.s32 $0x400, s21;
	v11 =	vmov v17;
	v1 =	vmov v8  }
.Ltmp36:
0x221: {  	v7 =	vld.idx.msk [tilespmem:v10+s3+$0x0], $0xffff;
	[tilespmem:s21+$0x180] =	vst v2;
	v10 =	vmov v19;
	(pc) =	sbr.rel @p3 .LBB2_67-.Ltmp36, $4  }
0x222: {  	v8 =	vld.idx.msk [tilespmem:v12+s3+$0x0], $0xffff;
	[tilespmem:s21+$0xFFFFFE80] =	vst v3  }
0x223: {  	v2 =	vld.idx.msk [tilespmem:v15+s3+$0x0], $0xffff;
	[tilespmem:s21+$0xFFFFFF00] =	vst v4  }
0x224: {  	v3 =	vld.idx.msk [tilespmem:v13+s3+$0x0], $0xffff;
	[tilespmem:s21+$0xFFFFFF80] =	vst v16  }
0x225: {  	v12 =	vadd.s32 $0x1F40, v12;
	v4 =	vld.idx.msk [tilespmem:v14+s3+$0x0], $0xffff;
	[tilespmem:s21+$0x0] =	vst v18  }
0x226: {  	_ = 	snop  }
0x227: {  	v12 =	vmov v1;
	v1 =	vmov v8  }
.LBB2_69:
0x228: {  	_ =	sdelay $0x1  }
0x229: {  	[tilespmem:s21+$0x80] =	vst @p2 v6  }
0x22a: {  	[tilespmem:s21+$0x100] =	vst @p2 v7;
	s22 =	sadd.s32 @p2 $0x400, s21  }
0x22b: {  	v5 =	vld.idx.msk [tilespmem:v5+s3+$0x0], $0xffff;
	[tilespmem:s21+$0xFFFFFE00] =	vst @p2 v12;
	s20 =	smov.u32 @p2 s22  }
0x22c: {  	v6 =	vld.idx.msk [tilespmem:v9+s3+$0x0], $0xffff;
	[tilespmem:s20+$0x180] =	vst v2  }
0x22d: {  	v7 =	vld.idx.msk [tilespmem:v11+s3+$0x0], $0xffff;
	[tilespmem:s20+$0xFFFFFE80] =	vst v3  }
0x22e: {  	v2 =	vld.idx.msk [tilespmem:v10+s3+$0x0], $0xffff;
	[tilespmem:s20+$0xFFFFFF00] =	vst v4  }
0x22f: {  	[tilespmem:s20+$0xFFFFFE00] =	vst v1  }
0x230: {  	[tilespmem:s20+$0xFFFFFF80] =	vst v5  }
0x231: {  	[tilespmem:s20+$0x0] =	vst v6  }
0x232: {  	[tilespmem:s20+$0x80] =	vst v7  }
0x233: {  	[tilespmem:s20+$0x100] =	vst v2  }
0x234: {  	v6 =	vld [tilespmem:s19+$0x30];
	_ =	sdelay $0x4  }
0x235: {  	v2 =	vadd.s32 $0x1B58, v6  }
0x236: {  	v3 =	vadd.s32 $0x3E8, v6  }
0x237: {  	p3 =	sgt.u32 s4, $0x8;
	v4 =	vadd.s32 $0x7D0, v6  }
.Ltmp37:
0x238: {  	_ = 	snop;
	(pc) =	sbr.rel @!p3 .LBB2_70-.Ltmp37, $4  }
0x239: {  	v1 =	vld.idx.msk [tilespmem:v6+s3+$0x0], $0xffff  }
0x23a: {  	v2 =	vld.idx.msk [tilespmem:v2+s3+$0x0], $0xffff  }
0x23b: {  	v5 =	vadd.s32 $0xBB8, v6;
	v9 =	vadd.s32 $0xFA0, v6;
	v3 =	vld.idx.msk [tilespmem:v3+s3+$0x0], $0xffff  }
0x23c: {  	p2 =	por $0x0, $0x0;
	s20 =	simm.s32 $0x1BC30;
	v11 =	vadd.s32 $0x1388, v6;
	v10 =	vadd.s32 $0x1770, v6;
	v12 =	vadd.s32 $0x1F40, v6;
	v4 =	vld.idx.msk [tilespmem:v4+s3+$0x0], $0xffff  }
0x23d: {  	_ =	sdelay $0x3  }
0x23e: {  	v13 =	vadd.s32 $0x1B58, v12;
	v14 =	vld.idx.msk [tilespmem:v5+s3+$0x0], $0xffff  }
0x23f: {  	v15 =	vadd.s32 $0x3E8, v12;
	v16 =	vld.idx.msk [tilespmem:v9+s3+$0x0], $0xffff  }
0x240: {  	v17 =	vadd.s32 $0x7D0, v12;
	v6 =	vld.idx.msk [tilespmem:v11+s3+$0x0], $0xffff;
	p3 =	sgt.u32 s4, $0x10  }
.Ltmp38:
0x241: {  	v7 =	vld.idx.msk [tilespmem:v10+s3+$0x0], $0xffff;
	v5 =	vadd.s32 $0xBB8, v12;
	[tilespmem:s20+$0x180] =	vst v2;
	(pc) =	sbr.rel @!p3 .LBB2_72-.Ltmp38, $4  }
0x242: {  	v8 =	vld.idx.msk [tilespmem:v12+s3+$0x0], $0xffff;
	v9 =	vadd.s32 $0xFA0, v12;
	[tilespmem:s20+$0xFFFFFE80] =	vst v3  }
0x243: {  	v11 =	vadd.s32 $0x1388, v12;
	[tilespmem:s20+$0xFFFFFF00] =	vst v4;
	v2 =	vld.idx.msk [tilespmem:v13+s3+$0x0], $0xffff  }
0x244: {  	v10 =	vadd.s32 $0x1770, v12;
	v3 =	vld.idx.msk [tilespmem:v15+s3+$0x0], $0xffff;
	[tilespmem:s20+$0xFFFFFF80] =	vst v14  }
0x245: {  	s22 =	simm.s32 $0x10;
	v12 =	vadd.s32 $0x1F40, v12;
	p2 =	por $0x1, $0x1;
	s21 =	simm.s32 $0x1BC30;
	v4 =	vld.idx.msk [tilespmem:v17+s3+$0x0], $0xffff;
	[tilespmem:s20+$0x0] =	vst v16  }
.LBB2_73:
0x246: {  	v13 =	vadd.s32 $0x3E8, v12;
	v14 =	vadd.s32 $0x7D0, v12;
	v15 =	vadd.s32 $0x1B58, v12;
	s22 =	sadd.s32 $0x8, s22;
	v16 =	vld.idx.msk [tilespmem:v5+s3+$0x0], $0xffff;
	[tilespmem:s21+$0x80] =	vst v6  }
0x247: {  	v5 =	vadd.s32 $0xBB8, v12;
	v17 =	vadd.s32 $0x1388, v12;
	p3 =	slt.u32 s22, s4;
	v18 =	vld.idx.msk [tilespmem:v9+s3+$0x0], $0xffff;
	v9 =	vadd.s32 $0xFA0, v12;
	[tilespmem:s21+$0x100] =	vst v7  }
0x248: {  	v19 =	vadd.s32 $0x1770, v12;
	v6 =	vld.idx.msk [tilespmem:v11+s3+$0x0], $0xffff;
	[tilespmem:s21+$0xFFFFFE00] =	vst v1;
	s21 =	sadd.s32 $0x400, s21;
	v11 =	vmov v17;
	v1 =	vmov v8  }
.Ltmp39:
0x249: {  	v7 =	vld.idx.msk [tilespmem:v10+s3+$0x0], $0xffff;
	[tilespmem:s21+$0x180] =	vst v2;
	v10 =	vmov v19;
	(pc) =	sbr.rel @p3 .LBB2_73-.Ltmp39, $4  }
0x24a: {  	v8 =	vld.idx.msk [tilespmem:v12+s3+$0x0], $0xffff;
	[tilespmem:s21+$0xFFFFFE80] =	vst v3  }
0x24b: {  	v2 =	vld.idx.msk [tilespmem:v15+s3+$0x0], $0xffff;
	[tilespmem:s21+$0xFFFFFF00] =	vst v4  }
0x24c: {  	v3 =	vld.idx.msk [tilespmem:v13+s3+$0x0], $0xffff;
	[tilespmem:s21+$0xFFFFFF80] =	vst v16  }
0x24d: {  	v12 =	vadd.s32 $0x1F40, v12;
	v4 =	vld.idx.msk [tilespmem:v14+s3+$0x0], $0xffff;
	[tilespmem:s21+$0x0] =	vst v18  }
0x24e: {  	_ = 	snop  }
0x24f: {  	v12 =	vmov v1;
	v1 =	vmov v8  }
.LBB2_75:
0x250: {  	_ =	sdelay $0x1  }
0x251: {  	[tilespmem:s21+$0x80] =	vst @p2 v6  }
0x252: {  	[tilespmem:s21+$0x100] =	vst @p2 v7;
	s22 =	sadd.s32 @p2 $0x400, s21  }
0x253: {  	v5 =	vld.idx.msk [tilespmem:v5+s3+$0x0], $0xffff;
	[tilespmem:s21+$0xFFFFFE00] =	vst @p2 v12;
	s20 =	smov.u32 @p2 s22  }
0x254: {  	v6 =	vld.idx.msk [tilespmem:v9+s3+$0x0], $0xffff;
	[tilespmem:s20+$0x180] =	vst v2  }
0x255: {  	v7 =	vld.idx.msk [tilespmem:v11+s3+$0x0], $0xffff;
	[tilespmem:s20+$0xFFFFFE80] =	vst v3  }
0x256: {  	v2 =	vld.idx.msk [tilespmem:v10+s3+$0x0], $0xffff;
	[tilespmem:s20+$0xFFFFFF00] =	vst v4  }
0x257: {  	[tilespmem:s20+$0xFFFFFE00] =	vst v1  }
0x258: {  	[tilespmem:s20+$0xFFFFFF80] =	vst v5  }
0x259: {  	[tilespmem:s20+$0x0] =	vst v6  }
0x25a: {  	[tilespmem:s20+$0x80] =	vst v7  }
0x25b: {  	[tilespmem:s20+$0x100] =	vst v2  }
0x25c: {  	v6 =	vld [tilespmem:s19+$0x40];
	_ =	sdelay $0x4  }
0x25d: {  	v2 =	vadd.s32 $0x1B58, v6  }
0x25e: {  	v3 =	vadd.s32 $0x3E8, v6  }
0x25f: {  	p3 =	sgt.u32 s4, $0x8;
	v4 =	vadd.s32 $0x7D0, v6  }
.Ltmp40:
0x260: {  	_ = 	snop;
	(pc) =	sbr.rel @!p3 .LBB2_76-.Ltmp40, $4  }
0x261: {  	v1 =	vld.idx.msk [tilespmem:v6+s3+$0x0], $0xffff  }
0x262: {  	v2 =	vld.idx.msk [tilespmem:v2+s3+$0x0], $0xffff  }
0x263: {  	v5 =	vadd.s32 $0xBB8, v6;
	v9 =	vadd.s32 $0xFA0, v6;
	v3 =	vld.idx.msk [tilespmem:v3+s3+$0x0], $0xffff  }
0x264: {  	p2 =	por $0x0, $0x0;
	s20 =	simm.s32 $0x1BC40;
	v11 =	vadd.s32 $0x1388, v6;
	v10 =	vadd.s32 $0x1770, v6;
	v12 =	vadd.s32 $0x1F40, v6;
	v4 =	vld.idx.msk [tilespmem:v4+s3+$0x0], $0xffff  }
0x265: {  	_ =	sdelay $0x3  }
0x266: {  	v13 =	vadd.s32 $0x1B58, v12;
	v14 =	vld.idx.msk [tilespmem:v5+s3+$0x0], $0xffff  }
0x267: {  	v15 =	vadd.s32 $0x3E8, v12;
	v16 =	vld.idx.msk [tilespmem:v9+s3+$0x0], $0xffff  }
0x268: {  	v17 =	vadd.s32 $0x7D0, v12;
	v6 =	vld.idx.msk [tilespmem:v11+s3+$0x0], $0xffff;
	p3 =	sgt.u32 s4, $0x10  }
.Ltmp41:
0x269: {  	v7 =	vld.idx.msk [tilespmem:v10+s3+$0x0], $0xffff;
	v5 =	vadd.s32 $0xBB8, v12;
	[tilespmem:s20+$0x180] =	vst v2;
	(pc) =	sbr.rel @!p3 .LBB2_78-.Ltmp41, $4  }
0x26a: {  	v8 =	vld.idx.msk [tilespmem:v12+s3+$0x0], $0xffff;
	v9 =	vadd.s32 $0xFA0, v12;
	[tilespmem:s20+$0xFFFFFE80] =	vst v3  }
0x26b: {  	v11 =	vadd.s32 $0x1388, v12;
	[tilespmem:s20+$0xFFFFFF00] =	vst v4;
	v2 =	vld.idx.msk [tilespmem:v13+s3+$0x0], $0xffff  }
0x26c: {  	v10 =	vadd.s32 $0x1770, v12;
	v3 =	vld.idx.msk [tilespmem:v15+s3+$0x0], $0xffff;
	[tilespmem:s20+$0xFFFFFF80] =	vst v14  }
0x26d: {  	s22 =	simm.s32 $0x10;
	v12 =	vadd.s32 $0x1F40, v12;
	p2 =	por $0x1, $0x1;
	s21 =	simm.s32 $0x1BC40;
	v4 =	vld.idx.msk [tilespmem:v17+s3+$0x0], $0xffff;
	[tilespmem:s20+$0x0] =	vst v16  }
.LBB2_79:
0x26e: {  	v13 =	vadd.s32 $0x3E8, v12;
	v14 =	vadd.s32 $0x7D0, v12;
	v15 =	vadd.s32 $0x1B58, v12;
	s22 =	sadd.s32 $0x8, s22;
	v16 =	vld.idx.msk [tilespmem:v5+s3+$0x0], $0xffff;
	[tilespmem:s21+$0x80] =	vst v6  }
0x26f: {  	v5 =	vadd.s32 $0xBB8, v12;
	v17 =	vadd.s32 $0x1388, v12;
	p3 =	slt.u32 s22, s4;
	v18 =	vld.idx.msk [tilespmem:v9+s3+$0x0], $0xffff;
	v9 =	vadd.s32 $0xFA0, v12;
	[tilespmem:s21+$0x100] =	vst v7  }
0x270: {  	v19 =	vadd.s32 $0x1770, v12;
	v6 =	vld.idx.msk [tilespmem:v11+s3+$0x0], $0xffff;
	[tilespmem:s21+$0xFFFFFE00] =	vst v1;
	s21 =	sadd.s32 $0x400, s21;
	v11 =	vmov v17;
	v1 =	vmov v8  }
.Ltmp42:
0x271: {  	v7 =	vld.idx.msk [tilespmem:v10+s3+$0x0], $0xffff;
	[tilespmem:s21+$0x180] =	vst v2;
	v10 =	vmov v19;
	(pc) =	sbr.rel @p3 .LBB2_79-.Ltmp42, $4  }
0x272: {  	v8 =	vld.idx.msk [tilespmem:v12+s3+$0x0], $0xffff;
	[tilespmem:s21+$0xFFFFFE80] =	vst v3  }
0x273: {  	v2 =	vld.idx.msk [tilespmem:v15+s3+$0x0], $0xffff;
	[tilespmem:s21+$0xFFFFFF00] =	vst v4  }
0x274: {  	v3 =	vld.idx.msk [tilespmem:v13+s3+$0x0], $0xffff;
	[tilespmem:s21+$0xFFFFFF80] =	vst v16  }
0x275: {  	v12 =	vadd.s32 $0x1F40, v12;
	v4 =	vld.idx.msk [tilespmem:v14+s3+$0x0], $0xffff;
	[tilespmem:s21+$0x0] =	vst v18  }
0x276: {  	_ = 	snop  }
0x277: {  	v12 =	vmov v1;
	v1 =	vmov v8  }
.LBB2_81:
0x278: {  	_ =	sdelay $0x1  }
0x279: {  	[tilespmem:s21+$0x80] =	vst @p2 v6  }
0x27a: {  	[tilespmem:s21+$0x100] =	vst @p2 v7;
	s22 =	sadd.s32 @p2 $0x400, s21  }
0x27b: {  	v5 =	vld.idx.msk [tilespmem:v5+s3+$0x0], $0xffff;
	[tilespmem:s21+$0xFFFFFE00] =	vst @p2 v12;
	s20 =	smov.u32 @p2 s22  }
0x27c: {  	v6 =	vld.idx.msk [tilespmem:v9+s3+$0x0], $0xffff;
	[tilespmem:s20+$0x180] =	vst v2  }
0x27d: {  	v7 =	vld.idx.msk [tilespmem:v11+s3+$0x0], $0xffff;
	[tilespmem:s20+$0xFFFFFE80] =	vst v3  }
0x27e: {  	v2 =	vld.idx.msk [tilespmem:v10+s3+$0x0], $0xffff;
	[tilespmem:s20+$0xFFFFFF00] =	vst v4  }
0x27f: {  	[tilespmem:s20+$0xFFFFFE00] =	vst v1  }
0x280: {  	[tilespmem:s20+$0xFFFFFF80] =	vst v5  }
0x281: {  	[tilespmem:s20+$0x0] =	vst v6  }
0x282: {  	[tilespmem:s20+$0x80] =	vst v7  }
0x283: {  	[tilespmem:s20+$0x100] =	vst v2  }
0x284: {  	v6 =	vld [tilespmem:s19+$0x50];
	_ =	sdelay $0x4  }
0x285: {  	v2 =	vadd.s32 $0x1B58, v6  }
0x286: {  	v3 =	vadd.s32 $0x3E8, v6  }
0x287: {  	p3 =	sgt.u32 s4, $0x8;
	v4 =	vadd.s32 $0x7D0, v6  }
.Ltmp43:
0x288: {  	_ = 	snop;
	(pc) =	sbr.rel @!p3 .LBB2_82-.Ltmp43, $4  }
0x289: {  	v1 =	vld.idx.msk [tilespmem:v6+s3+$0x0], $0xffff  }
0x28a: {  	v2 =	vld.idx.msk [tilespmem:v2+s3+$0x0], $0xffff  }
0x28b: {  	v5 =	vadd.s32 $0xBB8, v6;
	v9 =	vadd.s32 $0xFA0, v6;
	v3 =	vld.idx.msk [tilespmem:v3+s3+$0x0], $0xffff  }
0x28c: {  	p2 =	por $0x0, $0x0;
	s20 =	simm.s32 $0x1BC50;
	v11 =	vadd.s32 $0x1388, v6;
	v10 =	vadd.s32 $0x1770, v6;
	v12 =	vadd.s32 $0x1F40, v6;
	v4 =	vld.idx.msk [tilespmem:v4+s3+$0x0], $0xffff  }
0x28d: {  	_ =	sdelay $0x3  }
0x28e: {  	v13 =	vadd.s32 $0x1B58, v12;
	v14 =	vld.idx.msk [tilespmem:v5+s3+$0x0], $0xffff  }
0x28f: {  	v15 =	vadd.s32 $0x3E8, v12;
	v16 =	vld.idx.msk [tilespmem:v9+s3+$0x0], $0xffff  }
0x290: {  	v17 =	vadd.s32 $0x7D0, v12;
	v6 =	vld.idx.msk [tilespmem:v11+s3+$0x0], $0xffff;
	p3 =	sgt.u32 s4, $0x10  }
.Ltmp44:
0x291: {  	v7 =	vld.idx.msk [tilespmem:v10+s3+$0x0], $0xffff;
	v5 =	vadd.s32 $0xBB8, v12;
	[tilespmem:s20+$0x180] =	vst v2;
	(pc) =	sbr.rel @!p3 .LBB2_84-.Ltmp44, $4  }
0x292: {  	v8 =	vld.idx.msk [tilespmem:v12+s3+$0x0], $0xffff;
	v9 =	vadd.s32 $0xFA0, v12;
	[tilespmem:s20+$0xFFFFFE80] =	vst v3  }
0x293: {  	v11 =	vadd.s32 $0x1388, v12;
	[tilespmem:s20+$0xFFFFFF00] =	vst v4;
	v2 =	vld.idx.msk [tilespmem:v13+s3+$0x0], $0xffff  }
0x294: {  	v10 =	vadd.s32 $0x1770, v12;
	v3 =	vld.idx.msk [tilespmem:v15+s3+$0x0], $0xffff;
	[tilespmem:s20+$0xFFFFFF80] =	vst v14  }
0x295: {  	s22 =	simm.s32 $0x10;
	v12 =	vadd.s32 $0x1F40, v12;
	p2 =	por $0x1, $0x1;
	s21 =	simm.s32 $0x1BC50;
	v4 =	vld.idx.msk [tilespmem:v17+s3+$0x0], $0xffff;
	[tilespmem:s20+$0x0] =	vst v16  }
.LBB2_85:
0x296: {  	v13 =	vadd.s32 $0x3E8, v12;
	v14 =	vadd.s32 $0x7D0, v12;
	v15 =	vadd.s32 $0x1B58, v12;
	s22 =	sadd.s32 $0x8, s22;
	v16 =	vld.idx.msk [tilespmem:v5+s3+$0x0], $0xffff;
	[tilespmem:s21+$0x80] =	vst v6  }
0x297: {  	v5 =	vadd.s32 $0xBB8, v12;
	v17 =	vadd.s32 $0x1388, v12;
	p3 =	slt.u32 s22, s4;
	v18 =	vld.idx.msk [tilespmem:v9+s3+$0x0], $0xffff;
	v9 =	vadd.s32 $0xFA0, v12;
	[tilespmem:s21+$0x100] =	vst v7  }
0x298: {  	v19 =	vadd.s32 $0x1770, v12;
	v6 =	vld.idx.msk [tilespmem:v11+s3+$0x0], $0xffff;
	[tilespmem:s21+$0xFFFFFE00] =	vst v1;
	s21 =	sadd.s32 $0x400, s21;
	v11 =	vmov v17;
	v1 =	vmov v8  }
.Ltmp45:
0x299: {  	v7 =	vld.idx.msk [tilespmem:v10+s3+$0x0], $0xffff;
	[tilespmem:s21+$0x180] =	vst v2;
	v10 =	vmov v19;
	(pc) =	sbr.rel @p3 .LBB2_85-.Ltmp45, $4  }
0x29a: {  	v8 =	vld.idx.msk [tilespmem:v12+s3+$0x0], $0xffff;
	[tilespmem:s21+$0xFFFFFE80] =	vst v3  }
0x29b: {  	v2 =	vld.idx.msk [tilespmem:v15+s3+$0x0], $0xffff;
	[tilespmem:s21+$0xFFFFFF00] =	vst v4  }
0x29c: {  	v3 =	vld.idx.msk [tilespmem:v13+s3+$0x0], $0xffff;
	[tilespmem:s21+$0xFFFFFF80] =	vst v16  }
0x29d: {  	v12 =	vadd.s32 $0x1F40, v12;
	v4 =	vld.idx.msk [tilespmem:v14+s3+$0x0], $0xffff;
	[tilespmem:s21+$0x0] =	vst v18  }
0x29e: {  	_ = 	snop  }
0x29f: {  	v12 =	vmov v1;
	v1 =	vmov v8  }
.LBB2_87:
0x2a0: {  	_ =	sdelay $0x1  }
0x2a1: {  	[tilespmem:s21+$0x80] =	vst @p2 v6  }
0x2a2: {  	[tilespmem:s21+$0x100] =	vst @p2 v7;
	s22 =	sadd.s32 @p2 $0x400, s21  }
0x2a3: {  	v5 =	vld.idx.msk [tilespmem:v5+s3+$0x0], $0xffff;
	[tilespmem:s21+$0xFFFFFE00] =	vst @p2 v12;
	s20 =	smov.u32 @p2 s22  }
0x2a4: {  	v6 =	vld.idx.msk [tilespmem:v9+s3+$0x0], $0xffff;
	[tilespmem:s20+$0x180] =	vst v2  }
0x2a5: {  	v7 =	vld.idx.msk [tilespmem:v11+s3+$0x0], $0xffff;
	[tilespmem:s20+$0xFFFFFE80] =	vst v3  }
0x2a6: {  	v2 =	vld.idx.msk [tilespmem:v10+s3+$0x0], $0xffff;
	[tilespmem:s20+$0xFFFFFF00] =	vst v4  }
0x2a7: {  	[tilespmem:s20+$0xFFFFFE00] =	vst v1  }
0x2a8: {  	[tilespmem:s20+$0xFFFFFF80] =	vst v5  }
0x2a9: {  	[tilespmem:s20+$0x0] =	vst v6  }
0x2aa: {  	[tilespmem:s20+$0x80] =	vst v7  }
0x2ab: {  	[tilespmem:s20+$0x100] =	vst v2  }
0x2ac: {  	v6 =	vld [tilespmem:s19+$0x60];
	_ =	sdelay $0x4  }
0x2ad: {  	v2 =	vadd.s32 $0x1B58, v6  }
0x2ae: {  	v3 =	vadd.s32 $0x3E8, v6  }
0x2af: {  	p3 =	sgt.u32 s4, $0x8;
	v4 =	vadd.s32 $0x7D0, v6  }
.Ltmp46:
0x2b0: {  	_ = 	snop;
	(pc) =	sbr.rel @!p3 .LBB2_88-.Ltmp46, $4  }
0x2b1: {  	v1 =	vld.idx.msk [tilespmem:v6+s3+$0x0], $0xffff  }
0x2b2: {  	v2 =	vld.idx.msk [tilespmem:v2+s3+$0x0], $0xffff  }
0x2b3: {  	v5 =	vadd.s32 $0xBB8, v6;
	v9 =	vadd.s32 $0xFA0, v6;
	v3 =	vld.idx.msk [tilespmem:v3+s3+$0x0], $0xffff  }
0x2b4: {  	p2 =	por $0x0, $0x0;
	s20 =	simm.s32 $0x1BC60;
	v11 =	vadd.s32 $0x1388, v6;
	v10 =	vadd.s32 $0x1770, v6;
	v12 =	vadd.s32 $0x1F40, v6;
	v4 =	vld.idx.msk [tilespmem:v4+s3+$0x0], $0xffff  }
0x2b5: {  	_ =	sdelay $0x3  }
0x2b6: {  	v13 =	vadd.s32 $0x1B58, v12;
	v14 =	vld.idx.msk [tilespmem:v5+s3+$0x0], $0xffff  }
0x2b7: {  	v15 =	vadd.s32 $0x3E8, v12;
	v16 =	vld.idx.msk [tilespmem:v9+s3+$0x0], $0xffff  }
0x2b8: {  	v17 =	vadd.s32 $0x7D0, v12;
	v6 =	vld.idx.msk [tilespmem:v11+s3+$0x0], $0xffff;
	p3 =	sgt.u32 s4, $0x10  }
.Ltmp47:
0x2b9: {  	v7 =	vld.idx.msk [tilespmem:v10+s3+$0x0], $0xffff;
	v5 =	vadd.s32 $0xBB8, v12;
	[tilespmem:s20+$0x180] =	vst v2;
	(pc) =	sbr.rel @!p3 .LBB2_90-.Ltmp47, $4  }
0x2ba: {  	v8 =	vld.idx.msk [tilespmem:v12+s3+$0x0], $0xffff;
	v9 =	vadd.s32 $0xFA0, v12;
	[tilespmem:s20+$0xFFFFFE80] =	vst v3  }
0x2bb: {  	v11 =	vadd.s32 $0x1388, v12;
	[tilespmem:s20+$0xFFFFFF00] =	vst v4;
	v2 =	vld.idx.msk [tilespmem:v13+s3+$0x0], $0xffff  }
0x2bc: {  	v10 =	vadd.s32 $0x1770, v12;
	v3 =	vld.idx.msk [tilespmem:v15+s3+$0x0], $0xffff;
	[tilespmem:s20+$0xFFFFFF80] =	vst v14  }
0x2bd: {  	s22 =	simm.s32 $0x10;
	v12 =	vadd.s32 $0x1F40, v12;
	p2 =	por $0x1, $0x1;
	s21 =	simm.s32 $0x1BC60;
	v4 =	vld.idx.msk [tilespmem:v17+s3+$0x0], $0xffff;
	[tilespmem:s20+$0x0] =	vst v16  }
.LBB2_91:
0x2be: {  	v13 =	vadd.s32 $0x3E8, v12;
	v14 =	vadd.s32 $0x7D0, v12;
	v15 =	vadd.s32 $0x1B58, v12;
	s22 =	sadd.s32 $0x8, s22;
	v16 =	vld.idx.msk [tilespmem:v5+s3+$0x0], $0xffff;
	[tilespmem:s21+$0x80] =	vst v6  }
0x2bf: {  	v5 =	vadd.s32 $0xBB8, v12;
	v17 =	vadd.s32 $0x1388, v12;
	p3 =	slt.u32 s22, s4;
	v18 =	vld.idx.msk [tilespmem:v9+s3+$0x0], $0xffff;
	v9 =	vadd.s32 $0xFA0, v12;
	[tilespmem:s21+$0x100] =	vst v7  }
0x2c0: {  	v19 =	vadd.s32 $0x1770, v12;
	v6 =	vld.idx.msk [tilespmem:v11+s3+$0x0], $0xffff;
	[tilespmem:s21+$0xFFFFFE00] =	vst v1;
	s21 =	sadd.s32 $0x400, s21;
	v11 =	vmov v17;
	v1 =	vmov v8  }
.Ltmp48:
0x2c1: {  	v7 =	vld.idx.msk [tilespmem:v10+s3+$0x0], $0xffff;
	[tilespmem:s21+$0x180] =	vst v2;
	v10 =	vmov v19;
	(pc) =	sbr.rel @p3 .LBB2_91-.Ltmp48, $4  }
0x2c2: {  	v8 =	vld.idx.msk [tilespmem:v12+s3+$0x0], $0xffff;
	[tilespmem:s21+$0xFFFFFE80] =	vst v3  }
0x2c3: {  	v2 =	vld.idx.msk [tilespmem:v15+s3+$0x0], $0xffff;
	[tilespmem:s21+$0xFFFFFF00] =	vst v4  }
0x2c4: {  	v3 =	vld.idx.msk [tilespmem:v13+s3+$0x0], $0xffff;
	[tilespmem:s21+$0xFFFFFF80] =	vst v16  }
0x2c5: {  	v12 =	vadd.s32 $0x1F40, v12;
	v4 =	vld.idx.msk [tilespmem:v14+s3+$0x0], $0xffff;
	[tilespmem:s21+$0x0] =	vst v18  }
0x2c6: {  	_ = 	snop  }
0x2c7: {  	v12 =	vmov v1;
	v1 =	vmov v8  }
.LBB2_93:
0x2c8: {  	_ =	sdelay $0x1  }
0x2c9: {  	[tilespmem:s21+$0x80] =	vst @p2 v6  }
0x2ca: {  	[tilespmem:s21+$0x100] =	vst @p2 v7;
	s22 =	sadd.s32 @p2 $0x400, s21  }
0x2cb: {  	v5 =	vld.idx.msk [tilespmem:v5+s3+$0x0], $0xffff;
	[tilespmem:s21+$0xFFFFFE00] =	vst @p2 v12;
	s20 =	smov.u32 @p2 s22  }
0x2cc: {  	v6 =	vld.idx.msk [tilespmem:v9+s3+$0x0], $0xffff;
	[tilespmem:s20+$0x180] =	vst v2  }
0x2cd: {  	v7 =	vld.idx.msk [tilespmem:v11+s3+$0x0], $0xffff;
	[tilespmem:s20+$0xFFFFFE80] =	vst v3  }
0x2ce: {  	v2 =	vld.idx.msk [tilespmem:v10+s3+$0x0], $0xffff;
	[tilespmem:s20+$0xFFFFFF00] =	vst v4  }
0x2cf: {  	[tilespmem:s20+$0xFFFFFE00] =	vst v1  }
0x2d0: {  	[tilespmem:s20+$0xFFFFFF80] =	vst v5  }
0x2d1: {  	[tilespmem:s20+$0x0] =	vst v6  }
0x2d2: {  	[tilespmem:s20+$0x80] =	vst v7  }
0x2d3: {  	[tilespmem:s20+$0x100] =	vst v2  }
0x2d4: {  	v6 =	vld [tilespmem:s19+$0x70];
	_ =	sdelay $0x4  }
0x2d5: {  	v2 =	vadd.s32 $0x1B58, v6  }
0x2d6: {  	v3 =	vadd.s32 $0x3E8, v6  }
0x2d7: {  	p3 =	sgt.u32 s4, $0x8;
	v4 =	vadd.s32 $0x7D0, v6  }
.Ltmp49:
0x2d8: {  	_ = 	snop;
	(pc) =	sbr.rel @!p3 .LBB2_94-.Ltmp49, $4  }
0x2d9: {  	v1 =	vld.idx.msk [tilespmem:v6+s3+$0x0], $0xffff  }
0x2da: {  	v2 =	vld.idx.msk [tilespmem:v2+s3+$0x0], $0xffff  }
0x2db: {  	v5 =	vadd.s32 $0xBB8, v6;
	v9 =	vadd.s32 $0xFA0, v6;
	v3 =	vld.idx.msk [tilespmem:v3+s3+$0x0], $0xffff  }
0x2dc: {  	p2 =	por $0x0, $0x0;
	s19 =	simm.s32 $0x1BC70;
	v11 =	vadd.s32 $0x1388, v6;
	v10 =	vadd.s32 $0x1770, v6;
	v12 =	vadd.s32 $0x1F40, v6;
	v4 =	vld.idx.msk [tilespmem:v4+s3+$0x0], $0xffff  }
0x2dd: {  	_ =	sdelay $0x3  }
0x2de: {  	v13 =	vadd.s32 $0x1B58, v12;
	v14 =	vld.idx.msk [tilespmem:v5+s3+$0x0], $0xffff  }
0x2df: {  	v15 =	vadd.s32 $0x3E8, v12;
	v16 =	vld.idx.msk [tilespmem:v9+s3+$0x0], $0xffff  }
0x2e0: {  	v17 =	vadd.s32 $0x7D0, v12;
	v6 =	vld.idx.msk [tilespmem:v11+s3+$0x0], $0xffff;
	p3 =	sgt.u32 s4, $0x10  }
.Ltmp50:
0x2e1: {  	v7 =	vld.idx.msk [tilespmem:v10+s3+$0x0], $0xffff;
	v5 =	vadd.s32 $0xBB8, v12;
	[tilespmem:s19+$0x180] =	vst v2;
	(pc) =	sbr.rel @!p3 .LBB2_96-.Ltmp50, $4  }
0x2e2: {  	v8 =	vld.idx.msk [tilespmem:v12+s3+$0x0], $0xffff;
	v9 =	vadd.s32 $0xFA0, v12;
	[tilespmem:s19+$0xFFFFFE80] =	vst v3  }
0x2e3: {  	v11 =	vadd.s32 $0x1388, v12;
	[tilespmem:s19+$0xFFFFFF00] =	vst v4;
	v2 =	vld.idx.msk [tilespmem:v13+s3+$0x0], $0xffff  }
0x2e4: {  	v10 =	vadd.s32 $0x1770, v12;
	v3 =	vld.idx.msk [tilespmem:v15+s3+$0x0], $0xffff;
	[tilespmem:s19+$0xFFFFFF80] =	vst v14  }
0x2e5: {  	s21 =	simm.s32 $0x10;
	v12 =	vadd.s32 $0x1F40, v12;
	p2 =	por $0x1, $0x1;
	s20 =	simm.s32 $0x1BC70;
	v4 =	vld.idx.msk [tilespmem:v17+s3+$0x0], $0xffff;
	[tilespmem:s19+$0x0] =	vst v16  }
.LBB2_97:
0x2e6: {  	v13 =	vadd.s32 $0x3E8, v12;
	v14 =	vadd.s32 $0x7D0, v12;
	v15 =	vadd.s32 $0x1B58, v12;
	s21 =	sadd.s32 $0x8, s21;
	v16 =	vld.idx.msk [tilespmem:v5+s3+$0x0], $0xffff;
	[tilespmem:s20+$0x80] =	vst v6  }
0x2e7: {  	v5 =	vadd.s32 $0xBB8, v12;
	v17 =	vadd.s32 $0x1388, v12;
	p3 =	slt.u32 s21, s4;
	v18 =	vld.idx.msk [tilespmem:v9+s3+$0x0], $0xffff;
	v9 =	vadd.s32 $0xFA0, v12;
	[tilespmem:s20+$0x100] =	vst v7  }
0x2e8: {  	v19 =	vadd.s32 $0x1770, v12;
	v6 =	vld.idx.msk [tilespmem:v11+s3+$0x0], $0xffff;
	[tilespmem:s20+$0xFFFFFE00] =	vst v1;
	s20 =	sadd.s32 $0x400, s20;
	v11 =	vmov v17;
	v1 =	vmov v8  }
.Ltmp51:
0x2e9: {  	v7 =	vld.idx.msk [tilespmem:v10+s3+$0x0], $0xffff;
	[tilespmem:s20+$0x180] =	vst v2;
	v10 =	vmov v19;
	(pc) =	sbr.rel @p3 .LBB2_97-.Ltmp51, $4  }
0x2ea: {  	v8 =	vld.idx.msk [tilespmem:v12+s3+$0x0], $0xffff;
	[tilespmem:s20+$0xFFFFFE80] =	vst v3  }
0x2eb: {  	v2 =	vld.idx.msk [tilespmem:v15+s3+$0x0], $0xffff;
	[tilespmem:s20+$0xFFFFFF00] =	vst v4  }
0x2ec: {  	v3 =	vld.idx.msk [tilespmem:v13+s3+$0x0], $0xffff;
	[tilespmem:s20+$0xFFFFFF80] =	vst v16  }
0x2ed: {  	v12 =	vadd.s32 $0x1F40, v12;
	v4 =	vld.idx.msk [tilespmem:v14+s3+$0x0], $0xffff;
	[tilespmem:s20+$0x0] =	vst v18  }
0x2ee: {  	_ = 	snop  }
0x2ef: {  	v12 =	vmov v1;
	v1 =	vmov v8  }
.LBB2_99:
0x2f0: {  	_ =	sdelay $0x2  }
0x2f1: {  	[tilespmem:s20+$0x80] =	vst @p2 v6;
	s21 =	sadd.s32 @p2 $0x400, s20  }
0x2f2: {  	v5 =	vld.idx.msk [tilespmem:v5+s3+$0x0], $0xffff;
	[tilespmem:s20+$0x100] =	vst @p2 v7;
	s19 =	smov.u32 @p2 s21  }
0x2f3: {  	v62 =	vld.idx.msk [tilespmem:v9+s3+$0x0], $0xffff;
	[tilespmem:s19+$0x180] =	vst v2  }
0x2f4: {  	v63 =	vld.idx.msk [tilespmem:v11+s3+$0x0], $0xffff;
	[tilespmem:s19+$0xFFFFFE80] =	vst v3  }
0x2f5: {  	v2 =	vld.idx.msk [tilespmem:v10+s3+$0x0], $0xffff;
	[tilespmem:s19+$0xFFFFFF00] =	vst v4  }
0x2f6: {  	[tilespmem:s19+$0xFFFFFE00] =	vst v1  }
0x2f7: {  	[tilespmem:s19+$0xFFFFFF80] =	vst v5  }
0x2f8: {  	s18 =	sor.u32 s7, s18;
	[tilespmem:s19+$0x0] =	vst v62  }
0x2f9: {  	s18 =	sshll.u32 s18, $0xA;
	[tilespmem:s19+$0x80] =	vst v63  }
0x2fa: {  	[tilespmem:s19+$0x100] =	vst v2;
	s19 =	sadd.s32 @p0 s18, s16  }
0x2fb: {  	[tilespmem:s20+$0xFFFFFE00] =	vst @p2 v12;
	s20 =	simm.s32 @p0 $0x0;
	s19 =	sshrl.u32 @p0 s19, $0x3  }
0x2fc: {  	s17 =	sadd.s32 $0x1, s17;
	s21 =	simm.s32 @p0 $0x1BA00;
	s19 =	sadd.s32 @p0 s2, s19  }
0x2fd: {  	[hbm4b:s19+s20] =	stream.linear.scatter @p0 [tilespmem:s21], [sflag:$0x2], $0x400, $0x38;
	[tilespmem:$0x1DA00] =	vst v63  }
0x2fe: {  	s22 =	simm.s32 @p0 $0x1BE00;
	p2 =	sne.s32 s17, $0x8;
	s21 =	sadd.s32 @p0 $0x1000, s19  }
0x2ff: {  	[hbm4b:s21+s20] =	stream.linear.scatter @p0 [tilespmem:s22], [sflag:$0x2], $0x400, $0x38;
	[tilespmem:$0x1DA00] =	vst v63  }
0x300: {  	s18 =	sadd.s32 @!p0 s15, s18;
	s21 =	sadd.s32 @p0 $0x2000, s19;
	s22 =	simm.s32 @p0 $0x1C200  }
0x301: {  	[hbm4b:s21+s20] =	stream.linear.scatter @p0 [tilespmem:s22], [sflag:$0x2], $0x400, $0x38;
	[tilespmem:$0x1DA00] =	vst v63  }
0x302: {  	s18 =	sshrl.u32 @!p0 s18, $0x3;
	s21 =	sadd.s32 @p0 $0x3000, s19;
	s22 =	simm.s32 @p0 $0x1C600  }
0x303: {  	[hbm4b:s21+s20] =	stream.linear.scatter @p0 [tilespmem:s22], [sflag:$0x2], $0x400, $0x38;
	[tilespmem:$0x1DA00] =	vst v63  }
.Ltmp52:
0x304: {  	s18 =	sadd.s32 @!p0 s2, s18;
	(pc) =	sbr.rel @p2 .LBB2_3-.Ltmp52, $4  }
.Ltmp53:
0x305: {  	s19 =	sadd.s32 @p0 $0x4000, s19;
	s21 =	simm.s32 @p0 $0x1CA00;
	(pc) =	sbr.rel @!p2 .LBB2_100-.Ltmp53, $4  }
0x306: {  	[hbm4b:s19+s20] =	stream.linear.scatter @p0 [tilespmem:s21], [sflag:$0x2], $0x400, $0x38;
	[tilespmem:$0x1DA00] =	vst v63  }
0x307: {  	s19 =	simm.s32 @!p0 $0x400;
	s20 =	simm.s32 @!p0 $0x8000;
	s21 =	simm.s32 @!p0 $0x1BA00  }
0x308: {  	[hbm4b:s18+s19] =	stream.strided.scatter @!p0 [tilespmem:s21], [sflag:$0x2], $0x2000, s20, s19, $0x38;
	[tilespmem:$0x1DA00] =	vst v63  }
0x309: {  	_ = 	snop  }
.LBB2_4:
.Ltmp54:
0x30a: {  	(pc) =	sbr.rel .LBB2_9-.Ltmp54, $2  }
0x30b: {  	_ =	sdelay $0x2  }
0x30c: {  	s22 =	simm.s32 $0x19C00  }
.LBB2_10:
.Ltmp55:
0x30d: {  	(pc) =	sbr.rel .LBB2_15-.Ltmp55, $2  }
0x30e: {  	_ =	sdelay $0x2  }
0x30f: {  	s22 =	simm.s32 $0x19C10  }
.LBB2_16:
.Ltmp56:
0x310: {  	(pc) =	sbr.rel .LBB2_21-.Ltmp56, $2  }
0x311: {  	_ =	sdelay $0x2  }
0x312: {  	s22 =	simm.s32 $0x19C20  }
.LBB2_22:
.Ltmp57:
0x313: {  	(pc) =	sbr.rel .LBB2_27-.Ltmp57, $2  }
0x314: {  	_ =	sdelay $0x2  }
0x315: {  	s22 =	simm.s32 $0x19C30  }
.LBB2_28:
.Ltmp58:
0x316: {  	(pc) =	sbr.rel .LBB2_33-.Ltmp58, $2  }
0x317: {  	_ =	sdelay $0x2  }
0x318: {  	s22 =	simm.s32 $0x19C40  }
.LBB2_34:
.Ltmp59:
0x319: {  	(pc) =	sbr.rel .LBB2_39-.Ltmp59, $2  }
0x31a: {  	_ =	sdelay $0x2  }
0x31b: {  	s22 =	simm.s32 $0x19C50  }
.LBB2_40:
.Ltmp60:
0x31c: {  	(pc) =	sbr.rel .LBB2_45-.Ltmp60, $2  }
0x31d: {  	_ =	sdelay $0x2  }
0x31e: {  	s22 =	simm.s32 $0x19C60  }
.LBB2_46:
.Ltmp61:
0x31f: {  	(pc) =	sbr.rel .LBB2_51-.Ltmp61, $2  }
0x320: {  	_ =	sdelay $0x2  }
0x321: {  	s21 =	simm.s32 $0x19C70  }
.LBB2_52:
.Ltmp62:
0x322: {  	(pc) =	sbr.rel .LBB2_57-.Ltmp62, $2  }
0x323: {  	_ =	sdelay $0x2  }
0x324: {  	s21 =	simm.s32 $0x1BC00  }
.LBB2_58:
.Ltmp63:
0x325: {  	(pc) =	sbr.rel .LBB2_63-.Ltmp63, $2  }
0x326: {  	_ =	sdelay $0x2  }
0x327: {  	s21 =	simm.s32 $0x1BC10  }
.LBB2_64:
.Ltmp64:
0x328: {  	(pc) =	sbr.rel .LBB2_69-.Ltmp64, $2  }
0x329: {  	_ =	sdelay $0x2  }
0x32a: {  	s21 =	simm.s32 $0x1BC20  }
.LBB2_70:
.Ltmp65:
0x32b: {  	(pc) =	sbr.rel .LBB2_75-.Ltmp65, $2  }
0x32c: {  	_ =	sdelay $0x2  }
0x32d: {  	s21 =	simm.s32 $0x1BC30  }
.LBB2_76:
.Ltmp66:
0x32e: {  	(pc) =	sbr.rel .LBB2_81-.Ltmp66, $2  }
0x32f: {  	_ =	sdelay $0x2  }
0x330: {  	s21 =	simm.s32 $0x1BC40  }
.LBB2_82:
.Ltmp67:
0x331: {  	(pc) =	sbr.rel .LBB2_87-.Ltmp67, $2  }
0x332: {  	_ =	sdelay $0x2  }
0x333: {  	s21 =	simm.s32 $0x1BC50  }
.LBB2_88:
.Ltmp68:
0x334: {  	(pc) =	sbr.rel .LBB2_93-.Ltmp68, $2  }
0x335: {  	_ =	sdelay $0x2  }
0x336: {  	s21 =	simm.s32 $0x1BC60  }
.LBB2_94:
.Ltmp69:
0x337: {  	(pc) =	sbr.rel .LBB2_99-.Ltmp69, $2  }
0x338: {  	_ =	sdelay $0x2  }
0x339: {  	s20 =	simm.s32 $0x1BC70  }
.LBB2_6:
.Ltmp70:
0x33a: {  	(pc) =	sbr.rel .LBB2_9-.Ltmp70, $2  }
0x33b: {  	_ =	sdelay $0x2  }
0x33c: {  	v12 =	vmov v1;
	s22 =	simm.s32 $0x19C00;
	v1 =	vmov v8  }
.LBB2_12:
.Ltmp71:
0x33d: {  	(pc) =	sbr.rel .LBB2_15-.Ltmp71, $2  }
0x33e: {  	_ =	sdelay $0x2  }
0x33f: {  	v12 =	vmov v1;
	s22 =	simm.s32 $0x19C10;
	v1 =	vmov v8  }
.LBB2_18:
.Ltmp72:
0x340: {  	(pc) =	sbr.rel .LBB2_21-.Ltmp72, $2  }
0x341: {  	_ =	sdelay $0x2  }
0x342: {  	v12 =	vmov v1;
	s22 =	simm.s32 $0x19C20;
	v1 =	vmov v8  }
.LBB2_24:
.Ltmp73:
0x343: {  	(pc) =	sbr.rel .LBB2_27-.Ltmp73, $2  }
0x344: {  	_ =	sdelay $0x2  }
0x345: {  	v12 =	vmov v1;
	s22 =	simm.s32 $0x19C30;
	v1 =	vmov v8  }
.LBB2_30:
.Ltmp74:
0x346: {  	(pc) =	sbr.rel .LBB2_33-.Ltmp74, $2  }
0x347: {  	_ =	sdelay $0x2  }
0x348: {  	v12 =	vmov v1;
	s22 =	simm.s32 $0x19C40;
	v1 =	vmov v8  }
.LBB2_36:
.Ltmp75:
0x349: {  	(pc) =	sbr.rel .LBB2_39-.Ltmp75, $2  }
0x34a: {  	_ =	sdelay $0x2  }
0x34b: {  	v12 =	vmov v1;
	s22 =	simm.s32 $0x19C50;
	v1 =	vmov v8  }
.LBB2_42:
.Ltmp76:
0x34c: {  	(pc) =	sbr.rel .LBB2_45-.Ltmp76, $2  }
0x34d: {  	_ =	sdelay $0x2  }
0x34e: {  	v12 =	vmov v1;
	s22 =	simm.s32 $0x19C60;
	v1 =	vmov v8  }
.LBB2_48:
.Ltmp77:
0x34f: {  	(pc) =	sbr.rel .LBB2_51-.Ltmp77, $2  }
0x350: {  	_ =	sdelay $0x2  }
0x351: {  	v12 =	vmov v1;
	s21 =	simm.s32 $0x19C70;
	v1 =	vmov v8  }
.LBB2_54:
.Ltmp78:
0x352: {  	(pc) =	sbr.rel .LBB2_57-.Ltmp78, $2  }
0x353: {  	_ =	sdelay $0x2  }
0x354: {  	v12 =	vmov v1;
	s21 =	simm.s32 $0x1BC00;
	v1 =	vmov v8  }
.LBB2_60:
.Ltmp79:
0x355: {  	(pc) =	sbr.rel .LBB2_63-.Ltmp79, $2  }
0x356: {  	_ =	sdelay $0x2  }
0x357: {  	v12 =	vmov v1;
	s21 =	simm.s32 $0x1BC10;
	v1 =	vmov v8  }
.LBB2_66:
.Ltmp80:
0x358: {  	(pc) =	sbr.rel .LBB2_69-.Ltmp80, $2  }
0x359: {  	_ =	sdelay $0x2  }
0x35a: {  	v12 =	vmov v1;
	s21 =	simm.s32 $0x1BC20;
	v1 =	vmov v8  }
.LBB2_72:
.Ltmp81:
0x35b: {  	(pc) =	sbr.rel .LBB2_75-.Ltmp81, $2  }
0x35c: {  	_ =	sdelay $0x2  }
0x35d: {  	v12 =	vmov v1;
	s21 =	simm.s32 $0x1BC30;
	v1 =	vmov v8  }
.LBB2_78:
.Ltmp82:
0x35e: {  	(pc) =	sbr.rel .LBB2_81-.Ltmp82, $2  }
0x35f: {  	_ =	sdelay $0x2  }
0x360: {  	v12 =	vmov v1;
	s21 =	simm.s32 $0x1BC40;
	v1 =	vmov v8  }
.LBB2_84:
.Ltmp83:
0x361: {  	(pc) =	sbr.rel .LBB2_87-.Ltmp83, $2  }
0x362: {  	_ =	sdelay $0x2  }
0x363: {  	v12 =	vmov v1;
	s21 =	simm.s32 $0x1BC50;
	v1 =	vmov v8  }
.LBB2_90:
.Ltmp84:
0x364: {  	(pc) =	sbr.rel .LBB2_93-.Ltmp84, $2  }
0x365: {  	_ =	sdelay $0x2  }
0x366: {  	v12 =	vmov v1;
	s21 =	simm.s32 $0x1BC60;
	v1 =	vmov v8  }
.LBB2_96:
.Ltmp85:
0x367: {  	(pc) =	sbr.rel .LBB2_99-.Ltmp85, $2  }
0x368: {  	_ =	sdelay $0x2  }
0x369: {  	v12 =	vmov v1;
	s20 =	simm.s32 $0x1BC70;
	v1 =	vmov v8  }
.LBB2_102:
0x36a: {  	_ =	sfence.sel $0x180000  }
0x36b: {  	[bflag:$0x0] =	sbarrier.arrive $0xFFFF  }
0x36c: {  	p0 =	sne.s32 s1, $0x0;
	_ =	strace $0x90000047  }
0x36d: {  	s0 =	sadd.s32 @!p0 $0x100000, s0;
	[bflag:$0x2] =	sbarrier.arrive $0xFFFF  }
0x36e: {  	[sflag:s0] =	ssyncadd.tile.s32 @!p0 $0x1;
	_ =	shalt  }
.Lfunc_end2:
_tile_overlayer_lowered:
.L_overlay_start_2:
0x36f: {  	(tag) =	ssettag $0x2  }
0x370: {  	s0 =	rddreg [dreg:$0x0];
	s2 =	stileid.u32  }
0x371: {  	s1 =	rddreg [dreg:$0x1];
	p0 =	sne.s32 s2, $0x0  }
0x372: {  	s3 =	rddreg [dreg:$0x2];
	[bflag:$0x3] =	sbarrier.arrive $0xFFFF;
	s2 =	simm.s32 @!p0 $0x1C03  }
0x373: {  	[timem:s3], [sflag:s2] =	dma.local @!p0 [hbm:s0], s1  }
0x374: {  	s0 =	simm.s32 @!p0 $0x3  }
0x375: {  	_ =	swait.ge @!p0 [sflag:s0], s1  }
0x376: {  	s1 =	ssub.s32 @!p0 $0x0, s1;
	[sflag:s0] =	ssyncset.done @!p0 $0x0  }
0x377: {  	[sflag:s0] =	ssyncadd.s32 @!p0 s1  }
0x378: {  	[bflag:$0x3] =	sbarrier.arrive $0xFFFF  }
0x379: {  	_ =	shalt  }

</sc_bundles>
